<compile_context>
chip_gen: v7x
topology: tpu7x:2x2x1
jax: 0.10.2.dev20260603
libtpu: 0.0.44.dev20260713+nightly
codegen_flags: <defaults>
</compile_context>

<pallas_src>
import functools

import jax
import jax.numpy as jnp
from jax import lax
from jax.experimental import pallas as pl
from jax.experimental.pallas import tpu as pltpu
from jax.experimental.pallas import tpu_sc as plsc

N = 10000
E = 320000
D = 128

NC = 2
NS = 16
NW = NC * NS
CHUNK = 88
CHUNKS = 114
EPT = CHUNKS * CHUNK
EPAD = NW * EPT
ROWS = 10112
RPT = ROWS // NS
PADROW = 10016
HR = 80
NBUF = 4
HC = 6
GROUPS = 19

_mesh = plsc.VectorSubcoreMesh(core_axis_name="c", subcore_axis_name="s")
_sc_params = pltpu.CompilerParams(needs_layout_passes=False)



@functools.partial(
    pl.kernel,
    out_type=jax.ShapeDtypeStruct((NW, HR, D), jnp.float32),
    mesh=_mesh,
    scratch_types=[
        pltpu.VMEM((EPT,), jnp.int32),
        pltpu.VMEM((HR, D), jnp.float32),
    ],
    compiler_params=_sc_params,
)
def _deg_kernel(dst_hbm, zeros_hbm, parts_hbm, dstv, hist):
    c = lax.axis_index("c")
    s = lax.axis_index("s")
    w = c * NS + s
    pltpu.sync_copy(dst_hbm.at[w], dstv)
    pltpu.sync_copy(zeros_hbm.at[pl.ds(0, HR)], hist)
    ones = jnp.ones((16,), jnp.float32)

    def body(i, carry):
        idx = dstv[pl.ds(i * 16, 16)]
        plsc.addupdate_scatter(hist, [idx >> 7, idx & 127], ones)
        return carry

    lax.fori_loop(0, EPT // 16, body, 0)
    pltpu.sync_copy(hist, parts_hbm.at[w])


@functools.partial(
    pl.kernel,
    out_type=jax.ShapeDtypeStruct((NC, ROWS, D), jnp.float32),
    mesh=_mesh,
    scratch_types=[
        [pltpu.VMEM((HC, CHUNK), jnp.int32) for _ in range(2)],
        [pltpu.VMEM((HC, CHUNK), jnp.int32) for _ in range(2)],
        [pltpu.VMEM((CHUNK, D), jnp.float32) for _ in range(NBUF)],
        [pltpu.SemaphoreType.DMA for _ in range(NBUF)],
        [pltpu.SemaphoreType.DMA for _ in range(NBUF)],
        [pltpu.SemaphoreType.DMA for _ in range(2)],
        [pltpu.SemaphoreType.DMA for _ in range(2)],
        pltpu.VMEM_SHARED((ROWS, D), jnp.float32),
    ],
    compiler_params=_sc_params,
)
def _prop_kernel(u_hbm, src_hbm, dst_hbm, zeros_hbm, parts_hbm,
                 srcv2, dstv2, bufs, gsems, ssems, isrc, idst, acc):
    c = lax.axis_index("c")
    s = lax.axis_index("s")
    w = c * NS + s

    def load_idx(h, p):
        pltpu.async_copy(src_hbm.at[w * GROUPS + h], srcv2[p], isrc[p])
        pltpu.async_copy(dst_hbm.at[w * GROUPS + h], dstv2[p], idst[p])

    def wait_idx(h, p):
        pltpu.make_async_copy(src_hbm.at[w * GROUPS + h], srcv2[p],
                              isrc[p]).wait()
        pltpu.make_async_copy(dst_hbm.at[w * GROUPS + h], dstv2[p],
                              idst[p]).wait()

    load_idx(0, 0)
    pltpu.sync_copy(zeros_hbm, acc.at[pl.ds(s * RPT, RPT)])
    plsc.subcore_barrier()

    SD = NBUF - 2

    def do_group(h, p, last):
        srcv, dstv = srcv2[p], dstv2[p]
        wait_idx(h, p)
        if not last:
            load_idx(h + 1, 1 - p)
        for b in range(2):
            pltpu.async_copy(u_hbm.at[srcv.at[b]], bufs[b], gsems[b])
        for j in range(HC):
            b = j % NBUF
            pltpu.make_async_copy(u_hbm.at[srcv.at[j]], bufs[b],
                                  gsems[b]).wait()
            pltpu.async_copy(bufs[b], acc.at[dstv.at[j]], ssems[b],
                             add=True)
            if j + 2 < HC:
                bb = (j + 2) % NBUF
                if j >= SD:
                    pltpu.make_async_copy(bufs[bb], acc.at[dstv.at[j - SD]],
                                          ssems[bb]).wait()
                pltpu.async_copy(u_hbm.at[srcv.at[j + 2]], bufs[bb],
                                 gsems[bb])
        for k in range(max(HC - NBUF, 0), HC):
            pltpu.make_async_copy(bufs[k % NBUF], acc.at[dstv.at[k]],
                                  ssems[k % NBUF]).wait()

    def pair(h0, carry):
        do_group(2 * h0, 0, False)
        do_group(2 * h0 + 1, 1, False)
        return carry

    lax.fori_loop(0, GROUPS // 2, pair, 0)
    do_group(GROUPS - 1, 0, True)
    plsc.subcore_barrier()
    pltpu.sync_copy(acc.at[pl.ds(s * RPT, RPT)],
                    parts_hbm.at[c, pl.ds(s * RPT, RPT)])



def _prep_body(p_ref, dis_ref, dinv_ref):
    deg = jnp.sum(p_ref[...], axis=0) + 1.0
    dis_ref[...] = lax.rsqrt(deg)
    dinv_ref[...] = 1.0 / deg


_prep = pl.pallas_call(
    _prep_body,
    out_shape=[jax.ShapeDtypeStruct((HR, D), jnp.float32),
               jax.ShapeDtypeStruct((HR, D), jnp.float32)],
)

_BR = 1264


def _scale_body(x_ref, s_ref, o_ref):
    o_ref[...] = x_ref[...] * s_ref[...]


_scale = pl.pallas_call(
    _scale_body,
    grid=(ROWS // _BR,),
    in_specs=[pl.BlockSpec((_BR, D), lambda i: (i, 0)),
              pl.BlockSpec((_BR, 1), lambda i: (i, 0))],
    out_specs=pl.BlockSpec((_BR, D), lambda i: (i, 0)),
    out_shape=jax.ShapeDtypeStruct((ROWS, D), jnp.float32),
)


def _comb_body(p_ref, u_ref, s_ref, o_ref):
    o_ref[...] = (p_ref[0] + p_ref[1] + u_ref[...]) * s_ref[...]


_comb = pl.pallas_call(
    _comb_body,
    grid=(ROWS // _BR,),
    in_specs=[pl.BlockSpec((2, _BR, D), lambda i: (0, i, 0)),
              pl.BlockSpec((_BR, D), lambda i: (i, 0)),
              pl.BlockSpec((_BR, 1), lambda i: (i, 0))],
    out_specs=pl.BlockSpec((_BR, D), lambda i: (i, 0)),
    out_shape=jax.ShapeDtypeStruct((ROWS, D), jnp.float32),
)


def _final_body(p_ref, u_ref, s_ref, w_ref, b_ref, o_ref):
    h = (p_ref[0] + p_ref[1] + u_ref[...]) * s_ref[...]
    o_ref[...] = lax.dot_general(
        h, w_ref[...], (((1,), (1,)), ((), ())),
        preferred_element_type=jnp.float32) + b_ref[...]


_final = pl.pallas_call(
    _final_body,
    grid=(ROWS // _BR,),
    in_specs=[pl.BlockSpec((2, _BR, D), lambda i: (0, i, 0)),
              pl.BlockSpec((_BR, D), lambda i: (i, 0)),
              pl.BlockSpec((_BR, 1), lambda i: (i, 0)),
              pl.BlockSpec((D, D), lambda i: (0, 0)),
              pl.BlockSpec((1, D), lambda i: (0, 0))],
    out_specs=pl.BlockSpec((_BR, D), lambda i: (i, 0)),
    out_shape=jax.ShapeDtypeStruct((ROWS, D), jnp.float32),
)



def kernel(x, edge_index, W, b):
    ei = edge_index.astype(jnp.int32)
    pad = jnp.full((EPAD - E,), PADROW, jnp.int32)
    src = jnp.concatenate([ei[0], pad])
    dst = jnp.concatenate([ei[1], pad])
    src3 = src.reshape(NW * GROUPS, HC, CHUNK)
    dst3 = dst.reshape(NW * GROUPS, HC, CHUNK)
    dstf = dst.reshape(NW, EPT)
    zeros2d = jnp.zeros((RPT, D), jnp.float32)

    deg_parts = _deg_kernel(dstf, zeros2d)
    dis2d, dinv2d = _prep(deg_parts)
    dis_col = dis2d.reshape(HR * D, 1)[:ROWS]
    dinv_col = dinv2d.reshape(HR * D, 1)[:ROWS]

    x_pad = jnp.concatenate([x, jnp.zeros((ROWS - N, D), jnp.float32)])
    u0 = _scale(x_pad, dis_col)
    parts1 = _prop_kernel(u0, src3, dst3, zeros2d)
    u1 = _comb(parts1, u0, dinv_col)
    parts2 = _prop_kernel(u1, src3, dst3, zeros2d)
    out = _final(parts2, u1, dis_col, W, b.reshape(1, D))
    return out[:N]

# --- scband reference (transcript-rebuilt; emitter-appended) ---
"""Pipeline reference for scband-sgc-30562987278372 (READ-ONLY COPY).

The authoritative reference and input builder live on the scoring server;
editing this copy changes nothing except your own understanding.
"""

import jax, jax.numpy as jnp
import numpy as np

N_NODES = 10000
N_EDGES = 320000
D_IN = 128
D_OUT = 128
K = 2

def setup_inputs(seed: int = 0) -> dict:
    key = jax.random.key(seed)
    k1, k2, k3 = jax.random.split(key, 3)
    x = jax.random.normal(k1, (N_NODES, D_IN), dtype=jnp.float32)
    edge_index = jax.random.randint(k2, (2, N_EDGES), 0, N_NODES, dtype=jnp.int64)
    W = jax.random.normal(k3, (D_OUT, D_IN), dtype=jnp.float32) * 0.05
    b = jnp.zeros((D_OUT,), dtype=jnp.float32)
    return {"x": x, "edge_index": edge_index, "W": W, "b": b}

def reference(x, edge_index, W, b):
    # SGConv (PyG): add self-loops, symmetric GCN normalization, K propagation steps, then Linear.
    N = x.shape[0]
    self_idx = jnp.arange(N, dtype=edge_index.dtype)
    src = jnp.concatenate([edge_index[0], self_idx])
    dst = jnp.concatenate([edge_index[1], self_idx])
    ones = jnp.ones(src.shape[0], dtype=x.dtype)
    deg = jax.ops.segment_sum(ones, dst, num_segments=N)
    deg_inv_sqrt = jnp.where(deg > 0, deg ** -0.5, 0.0)
    norm = deg_inv_sqrt[src] * deg_inv_sqrt[dst]
    h = x
    for _ in range(K):
        msg = h[src] * norm[:, None]
        h = jax.ops.segment_sum(msg, dst, num_segments=N)
    return h @ W.T + b

if __name__ == "__main__":
    import jax
    _d = setup_inputs()
    print(jax.jit(kernel)(*tuple(_d.values())))

</pallas_src>

<mosaic_0001>
#map = affine_map<(d0, d1) -> (0, 0)>
#map1 = affine_map<(d0, d1) -> (0, 0, 0)>
module attributes {stable_mosaic.version = 14 : i64} {
  func.func @_prop_kernel(%arg0: i32, %arg1: i32, %arg2: memref<10112x128xf32, #tpu.memory_space<hbm>>, %arg3: memref<608x6x88xi32, #tpu.memory_space<hbm>>, %arg4: memref<608x6x88xi32, #tpu.memory_space<hbm>>, %arg5: memref<632x128xf32, #tpu.memory_space<hbm>>, %arg6: memref<2x10112x128xf32, #tpu.memory_space<hbm>>, %arg7: memref<6x88xi32, #tpu.memory_space<vmem>>, %arg8: memref<6x88xi32, #tpu.memory_space<vmem>>, %arg9: memref<6x88xi32, #tpu.memory_space<vmem>>, %arg10: memref<6x88xi32, #tpu.memory_space<vmem>>, %arg11: memref<88x128xf32, #tpu.memory_space<vmem>>, %arg12: memref<88x128xf32, #tpu.memory_space<vmem>>, %arg13: memref<88x128xf32, #tpu.memory_space<vmem>>, %arg14: memref<88x128xf32, #tpu.memory_space<vmem>>, %arg15: memref<!tpu.dma_semaphore, #tpu.memory_space<semaphore_mem>>, %arg16: memref<!tpu.dma_semaphore, #tpu.memory_space<semaphore_mem>>, %arg17: memref<!tpu.dma_semaphore, #tpu.memory_space<semaphore_mem>>, %arg18: memref<!tpu.dma_semaphore, #tpu.memory_space<semaphore_mem>>, %arg19: memref<!tpu.dma_semaphore, #tpu.memory_space<semaphore_mem>>, %arg20: memref<!tpu.dma_semaphore, #tpu.memory_space<semaphore_mem>>, %arg21: memref<!tpu.dma_semaphore, #tpu.memory_space<semaphore_mem>>, %arg22: memref<!tpu.dma_semaphore, #tpu.memory_space<semaphore_mem>>, %arg23: memref<!tpu.dma_semaphore, #tpu.memory_space<semaphore_mem>>, %arg24: memref<!tpu.dma_semaphore, #tpu.memory_space<semaphore_mem>>, %arg25: memref<!tpu.dma_semaphore, #tpu.memory_space<semaphore_mem>>, %arg26: memref<!tpu.dma_semaphore, #tpu.memory_space<semaphore_mem>>, %arg27: memref<10112x128xf32, #tpu.memory_space<vmem_shared>>) attributes {dimension_semantics = [#tpu.dimension_semantics<core_parallel>, #tpu.dimension_semantics<subcore_parallel>], iteration_bounds = array<i64: 2, 16>, scalar_prefetch = 0 : i64, scratch_operands = 21 : i64, tpu.core_type = #tpu.core_type<sc_vector_subcore>, window_params = [{transform_indices = #map}, {transform_indices = #map1}, {transform_indices = #map1}, {transform_indices = #map}, {transform_indices = #map1}]} {
    %mul3A = arith.constant 16 : i32
    %mul3A_0 = arith.muli %arg0, %mul3A : i32
    %add3A = arith.addi %mul3A_0, %arg1 : i32
    %mul3A_1 = arith.constant 19 : i32
    %mul3A_2 = arith.muli %add3A, %mul3A_1 : i32
    %add3A_3 = arith.constant 0 : i32
    %add3A_4 = arith.addi %mul3A_2, %add3A_3 : i32
    %dma_start3A = arith.constant 0 : i32
    %dma_start3A_5 = arith.constant 0 : i32
    %dma_start3A_6 = tpu.memref_slice %arg3[%add3A_4, %dma_start3A, %dma_start3A_5] : memref<608x6x88xi32, #tpu.memory_space<hbm>> -> memref<1x6x88xi32, #tpu.memory_space<hbm>>
    %dma_start3A_7 = tpu.memref_squeeze %dma_start3A_6 : memref<1x6x88xi32, #tpu.memory_space<hbm>> -> memref<6x88xi32, #tpu.memory_space<hbm>>
    %dma_start3A_8 = arith.constant 0 : i32
    %dma_start3A_9 = arith.constant 0 : i32
    %dma_start3A_10 = tpu.memref_slice %arg3[%add3A_4, %dma_start3A_8, %dma_start3A_9] : memref<608x6x88xi32, #tpu.memory_space<hbm>> -> memref<1x6x88xi32, #tpu.memory_space<hbm>>
    %dma_start3A_11 = tpu.memref_squeeze %dma_start3A_10 : memref<1x6x88xi32, #tpu.memory_space<hbm>> -> memref<6x88xi32, #tpu.memory_space<hbm>>
    tpu.enqueue_dma source(%dma_start3A_11 : memref<6x88xi32, #tpu.memory_space<hbm>>) target(%arg7 : memref<6x88xi32, #tpu.memory_space<vmem>>) target_semaphore(%arg23 : memref<!tpu.dma_semaphore, #tpu.memory_space<semaphore_mem>>)
    %mul3A_12 = arith.constant 19 : i32
    %mul3A_13 = arith.muli %add3A, %mul3A_12 : i32
    %add3A_14 = arith.constant 0 : i32
    %add3A_15 = arith.addi %mul3A_13, %add3A_14 : i32
    %dma_start3A_16 = arith.constant 0 : i32
    %dma_start3A_17 = arith.constant 0 : i32
    %dma_start3A_18 = tpu.memref_slice %arg4[%add3A_15, %dma_start3A_16, %dma_start3A_17] : memref<608x6x88xi32, #tpu.memory_space<hbm>> -> memref<1x6x88xi32, #tpu.memory_space<hbm>>
    %dma_start3A_19 = tpu.memref_squeeze %dma_start3A_18 : memref<1x6x88xi32, #tpu.memory_space<hbm>> -> memref<6x88xi32, #tpu.memory_space<hbm>>
    %dma_start3A_20 = arith.constant 0 : i32
    %dma_start3A_21 = arith.constant 0 : i32
    %dma_start3A_22 = tpu.memref_slice %arg4[%add3A_15, %dma_start3A_20, %dma_start3A_21] : memref<608x6x88xi32, #tpu.memory_space<hbm>> -> memref<1x6x88xi32, #tpu.memory_space<hbm>>
    %dma_start3A_23 = tpu.memref_squeeze %dma_start3A_22 : memref<1x6x88xi32, #tpu.memory_space<hbm>> -> memref<6x88xi32, #tpu.memory_space<hbm>>
    tpu.enqueue_dma source(%dma_start3A_23 : memref<6x88xi32, #tpu.memory_space<hbm>>) target(%arg9 : memref<6x88xi32, #tpu.memory_space<vmem>>) target_semaphore(%arg25 : memref<!tpu.dma_semaphore, #tpu.memory_space<semaphore_mem>>)
    %mul3A_24 = arith.constant 632 : i32
    %mul3A_25 = arith.muli %arg1, %mul3A_24 : i32
    "tpu.region"() ({
      %run_scoped3A = tpu.sem_alloc : memref<!tpu.dma_semaphore, #tpu.memory_space<semaphore_mem>>
      %dma_start3A_227 = arith.constant 0 : i32
      %dma_start3A_228 = tpu.memref_slice %arg27[%mul3A_25, %dma_start3A_227] : memref<10112x128xf32, #tpu.memory_space<vmem_shared>> -> memref<632x128xf32, #tpu.memory_space<vmem_shared>>
      tpu.enqueue_dma source(%arg5 : memref<632x128xf32, #tpu.memory_space<hbm>>) target(%dma_start3A_228 : memref<632x128xf32, #tpu.memory_space<vmem_shared>>) target_semaphore(%run_scoped3A : memref<!tpu.dma_semaphore, #tpu.memory_space<semaphore_mem>>)
      %dma_wait3A_229 = arith.constant 0 : i32
      %dma_wait3A_230 = tpu.memref_slice %arg27[%mul3A_25, %dma_wait3A_229] : memref<10112x128xf32, #tpu.memory_space<vmem_shared>> -> memref<632x128xf32, #tpu.memory_space<vmem_shared>>
      tpu.wait_dma2 semaphore(%run_scoped3A : memref<!tpu.dma_semaphore, #tpu.memory_space<semaphore_mem>>) src(%arg5 : memref<632x128xf32, #tpu.memory_space<hbm>>) dst(%dma_wait3A_230 : memref<632x128xf32, #tpu.memory_space<vmem_shared>>)
      tpu.yield
    }) : () -> ()
    %barrier3A = arith.constant 0 : index
    tpu.barrier barrier_id(%barrier3A)
    %scan3A = arith.constant 0 : i32
    %scan3A_26 = arith.constant 0 : i32
    %scan3A_27 = arith.constant 9 : i32
    %scan3A_28 = arith.addi %scan3A_26, %scan3A_27 : i32
    %scan3A_29 = arith.constant 1 : i32
    scf.for %scan3A_227 = %scan3A_26 to %scan3A_28 step %scan3A_29  : i32 {
      %mul3A_228 = arith.constant 2 : i32
      %mul3A_229 = arith.muli %mul3A_228, %scan3A_227 : i32
      %mul3A_230 = arith.constant 19 : i32
      %mul3A_231 = arith.muli %add3A, %mul3A_230 : i32
      %add3A_232 = arith.addi %mul3A_231, %mul3A_229 : i32
      %dma_wait3A_233 = arith.constant 0 : i32
      %dma_wait3A_234 = arith.constant 0 : i32
      %dma_wait3A_235 = tpu.memref_slice %arg3[%add3A_232, %dma_wait3A_233, %dma_wait3A_234] : memref<608x6x88xi32, #tpu.memory_space<hbm>> -> memref<1x6x88xi32, #tpu.memory_space<hbm>>
      %dma_wait3A_236 = tpu.memref_squeeze %dma_wait3A_235 : memref<1x6x88xi32, #tpu.memory_space<hbm>> -> memref<6x88xi32, #tpu.memory_space<hbm>>
      %dma_wait3A_237 = arith.constant 0 : i32
      %dma_wait3A_238 = arith.constant 0 : i32
      %dma_wait3A_239 = tpu.memref_slice %arg3[%add3A_232, %dma_wait3A_237, %dma_wait3A_238] : memref<608x6x88xi32, #tpu.memory_space<hbm>> -> memref<1x6x88xi32, #tpu.memory_space<hbm>>
      %dma_wait3A_240 = tpu.memref_squeeze %dma_wait3A_239 : memref<1x6x88xi32, #tpu.memory_space<hbm>> -> memref<6x88xi32, #tpu.memory_space<hbm>>
      tpu.wait_dma2 semaphore(%arg23 : memref<!tpu.dma_semaphore, #tpu.memory_space<semaphore_mem>>) src(%dma_wait3A_240 : memref<6x88xi32, #tpu.memory_space<hbm>>) dst(%arg7 : memref<6x88xi32, #tpu.memory_space<vmem>>)
      %mul3A_241 = arith.constant 19 : i32
      %mul3A_242 = arith.muli %add3A, %mul3A_241 : i32
      %add3A_243 = arith.addi %mul3A_242, %mul3A_229 : i32
      %dma_wait3A_244 = arith.constant 0 : i32
      %dma_wait3A_245 = arith.constant 0 : i32
      %dma_wait3A_246 = tpu.memref_slice %arg4[%add3A_243, %dma_wait3A_244, %dma_wait3A_245] : memref<608x6x88xi32, #tpu.memory_space<hbm>> -> memref<1x6x88xi32, #tpu.memory_space<hbm>>
      %dma_wait3A_247 = tpu.memref_squeeze %dma_wait3A_246 : memref<1x6x88xi32, #tpu.memory_space<hbm>> -> memref<6x88xi32, #tpu.memory_space<hbm>>
      %dma_wait3A_248 = arith.constant 0 : i32
      %dma_wait3A_249 = arith.constant 0 : i32
      %dma_wait3A_250 = tpu.memref_slice %arg4[%add3A_243, %dma_wait3A_248, %dma_wait3A_249] : memref<608x6x88xi32, #tpu.memory_space<hbm>> -> memref<1x6x88xi32, #tpu.memory_space<hbm>>
      %dma_wait3A_251 = tpu.memref_squeeze %dma_wait3A_250 : memref<1x6x88xi32, #tpu.memory_space<hbm>> -> memref<6x88xi32, #tpu.memory_space<hbm>>
      tpu.wait_dma2 semaphore(%arg25 : memref<!tpu.dma_semaphore, #tpu.memory_space<semaphore_mem>>) src(%dma_wait3A_251 : memref<6x88xi32, #tpu.memory_space<hbm>>) dst(%arg9 : memref<6x88xi32, #tpu.memory_space<vmem>>)
      %add3A_252 = arith.constant 1 : i32
      %add3A_253 = arith.addi %mul3A_229, %add3A_252 : i32
      %mul3A_254 = arith.constant 19 : i32
      %mul3A_255 = arith.muli %add3A, %mul3A_254 : i32
      %add3A_256 = arith.addi %mul3A_255, %add3A_253 : i32
      %dma_start3A_257 = arith.constant 0 : i32
      %dma_start3A_258 = arith.constant 0 : i32
      %dma_start3A_259 = tpu.memref_slice %arg3[%add3A_256, %dma_start3A_257, %dma_start3A_258] : memref<608x6x88xi32, #tpu.memory_space<hbm>> -> memref<1x6x88xi32, #tpu.memory_space<hbm>>
      %dma_start3A_260 = tpu.memref_squeeze %dma_start3A_259 : memref<1x6x88xi32, #tpu.memory_space<hbm>> -> memref<6x88xi32, #tpu.memory_space<hbm>>
      %dma_start3A_261 = arith.constant 0 : i32
      %dma_start3A_262 = arith.constant 0 : i32
      %dma_start3A_263 = tpu.memref_slice %arg3[%add3A_256, %dma_start3A_261, %dma_start3A_262] : memref<608x6x88xi32, #tpu.memory_space<hbm>> -> memref<1x6x88xi32, #tpu.memory_space<hbm>>
      %dma_start3A_264 = tpu.memref_squeeze %dma_start3A_263 : memref<1x6x88xi32, #tpu.memory_space<hbm>> -> memref<6x88xi32, #tpu.memory_space<hbm>>
      tpu.enqueue_dma source(%dma_start3A_264 : memref<6x88xi32, #tpu.memory_space<hbm>>) target(%arg8 : memref<6x88xi32, #tpu.memory_space<vmem>>) target_semaphore(%arg24 : memref<!tpu.dma_semaphore, #tpu.memory_space<semaphore_mem>>)
      %mul3A_265 = arith.constant 19 : i32
      %mul3A_266 = arith.muli %add3A, %mul3A_265 : i32
      %add3A_267 = arith.addi %mul3A_266, %add3A_253 : i32
      %dma_start3A_268 = arith.constant 0 : i32
      %dma_start3A_269 = arith.constant 0 : i32
      %dma_start3A_270 = tpu.memref_slice %arg4[%add3A_267, %dma_start3A_268, %dma_start3A_269] : memref<608x6x88xi32, #tpu.memory_space<hbm>> -> memref<1x6x88xi32, #tpu.memory_space<hbm>>
      %dma_start3A_271 = tpu.memref_squeeze %dma_start3A_270 : memref<1x6x88xi32, #tpu.memory_space<hbm>> -> memref<6x88xi32, #tpu.memory_space<hbm>>
      %dma_start3A_272 = arith.constant 0 : i32
      %dma_start3A_273 = arith.constant 0 : i32
      %dma_start3A_274 = tpu.memref_slice %arg4[%add3A_267, %dma_start3A_272, %dma_start3A_273] : memref<608x6x88xi32, #tpu.memory_space<hbm>> -> memref<1x6x88xi32, #tpu.memory_space<hbm>>
      %dma_start3A_275 = tpu.memref_squeeze %dma_start3A_274 : memref<1x6x88xi32, #tpu.memory_space<hbm>> -> memref<6x88xi32, #tpu.memory_space<hbm>>
      tpu.enqueue_dma source(%dma_start3A_275 : memref<6x88xi32, #tpu.memory_space<hbm>>) target(%arg10 : memref<6x88xi32, #tpu.memory_space<vmem>>) target_semaphore(%arg26 : memref<!tpu.dma_semaphore, #tpu.memory_space<semaphore_mem>>)
      %dma_start3A_276 = arith.constant 0 : i32
      %dma_start3A_277 = arith.constant 0 : i32
      %dma_start3A_278 = tpu.memref_slice %arg7[%dma_start3A_276, %dma_start3A_277] : memref<6x88xi32, #tpu.memory_space<vmem>> -> memref<1x88xi32, #tpu.memory_space<vmem>>
      %dma_start3A_279 = tpu.memref_squeeze %dma_start3A_278 : memref<1x88xi32, #tpu.memory_space<vmem>> -> memref<88xi32, #tpu.memory_space<vmem>>
      %dma_start3A_280 = arith.constant 0 : i32
      %dma_start3A_281 = arith.constant 0 : i32
      %dma_start3A_282 = tpu.memref_slice %arg2[%dma_start3A_280, %dma_start3A_281] : memref<10112x128xf32, #tpu.memory_space<hbm>> -> memref<10112x128xf32, #tpu.memory_space<hbm>>
      tpu.enqueue_indirect_dma source(%dma_start3A_282 : memref<10112x128xf32, #tpu.memory_space<hbm>>) target(%arg11 : memref<88x128xf32, #tpu.memory_space<vmem>>) offsets(%dma_start3A_279 : memref<88xi32, #tpu.memory_space<vmem>>) semaphore(%arg15 : memref<!tpu.dma_semaphore, #tpu.memory_space<semaphore_mem>>)
      %dma_start3A_283 = arith.constant 1 : i32
      %dma_start3A_284 = arith.constant 0 : i32
      %dma_start3A_285 = tpu.memref_slice %arg7[%dma_start3A_283, %dma_start3A_284] : memref<6x88xi32, #tpu.memory_space<vmem>> -> memref<1x88xi32, #tpu.memory_space<vmem>>
      %dma_start3A_286 = tpu.memref_squeeze %dma_start3A_285 : memref<1x88xi32, #tpu.memory_space<vmem>> -> memref<88xi32, #tpu.memory_space<vmem>>
      %dma_start3A_287 = arith.constant 0 : i32
      %dma_start3A_288 = arith.constant 0 : i32
      %dma_start3A_289 = tpu.memref_slice %arg2[%dma_start3A_287, %dma_start3A_288] : memref<10112x128xf32, #tpu.memory_space<hbm>> -> memref<10112x128xf32, #tpu.memory_space<hbm>>
      tpu.enqueue_indirect_dma source(%dma_start3A_289 : memref<10112x128xf32, #tpu.memory_space<hbm>>) target(%arg12 : memref<88x128xf32, #tpu.memory_space<vmem>>) offsets(%dma_start3A_286 : memref<88xi32, #tpu.memory_space<vmem>>) semaphore(%arg16 : memref<!tpu.dma_semaphore, #tpu.memory_space<semaphore_mem>>)
      %dma_wait3A_290 = arith.constant 0 : i32
      %dma_wait3A_291 = arith.constant 0 : i32
      %dma_wait3A_292 = tpu.memref_slice %arg7[%dma_wait3A_290, %dma_wait3A_291] : memref<6x88xi32, #tpu.memory_space<vmem>> -> memref<1x88xi32, #tpu.memory_space<vmem>>
      %dma_wait3A_293 = tpu.memref_squeeze %dma_wait3A_292 : memref<1x88xi32, #tpu.memory_space<vmem>> -> memref<88xi32, #tpu.memory_space<vmem>>
      %dma_wait3A_294 = arith.constant 0 : i32
      %dma_wait3A_295 = arith.constant 0 : i32
      %dma_wait3A_296 = tpu.memref_slice %arg2[%dma_wait3A_294, %dma_wait3A_295] : memref<10112x128xf32, #tpu.memory_space<hbm>> -> memref<10112x128xf32, #tpu.memory_space<hbm>>
      tpu.wait_indirect_dma semaphore(%arg15 : memref<!tpu.dma_semaphore, #tpu.memory_space<semaphore_mem>>) src(%dma_wait3A_296 : memref<10112x128xf32, #tpu.memory_space<hbm>>) dst(%arg11 : memref<88x128xf32, #tpu.memory_space<vmem>>)
      %dma_start3A_297 = arith.constant 0 : i32
      %dma_start3A_298 = arith.constant 0 : i32
      %dma_start3A_299 = tpu.memref_slice %arg9[%dma_start3A_297, %dma_start3A_298] : memref<6x88xi32, #tpu.memory_space<vmem>> -> memref<1x88xi32, #tpu.memory_space<vmem>>
      %dma_start3A_300 = tpu.memref_squeeze %dma_start3A_299 : memref<1x88xi32, #tpu.memory_space<vmem>> -> memref<88xi32, #tpu.memory_space<vmem>>
      %dma_start3A_301 = arith.constant 0 : i32
      %dma_start3A_302 = arith.constant 0 : i32
      %dma_start3A_303 = tpu.memref_slice %arg27[%dma_start3A_301, %dma_start3A_302] : memref<10112x128xf32, #tpu.memory_space<vmem_shared>> -> memref<10112x128xf32, #tpu.memory_space<vmem_shared>>
      tpu.enqueue_indirect_dma source(%arg11 : memref<88x128xf32, #tpu.memory_space<vmem>>) target(%dma_start3A_303 : memref<10112x128xf32, #tpu.memory_space<vmem_shared>>) offsets(%dma_start3A_300 : memref<88xi32, #tpu.memory_space<vmem>>) semaphore(%arg19 : memref<!tpu.dma_semaphore, #tpu.memory_space<semaphore_mem>>) {add = true}
      %dma_start3A_304 = arith.constant 2 : i32
      %dma_start3A_305 = arith.constant 0 : i32
      %dma_start3A_306 = tpu.memref_slice %arg7[%dma_start3A_304, %dma_start3A_305] : memref<6x88xi32, #tpu.memory_space<vmem>> -> memref<1x88xi32, #tpu.memory_space<vmem>>
      %dma_start3A_307 = tpu.memref_squeeze %dma_start3A_306 : memref<1x88xi32, #tpu.memory_space<vmem>> -> memref<88xi32, #tpu.memory_space<vmem>>
      %dma_start3A_308 = arith.constant 0 : i32
      %dma_start3A_309 = arith.constant 0 : i32
      %dma_start3A_310 = tpu.memref_slice %arg2[%dma_start3A_308, %dma_start3A_309] : memref<10112x128xf32, #tpu.memory_space<hbm>> -> memref<10112x128xf32, #tpu.memory_space<hbm>>
      tpu.enqueue_indirect_dma source(%dma_start3A_310 : memref<10112x128xf32, #tpu.memory_space<hbm>>) target(%arg13 : memref<88x128xf32, #tpu.memory_space<vmem>>) offsets(%dma_start3A_307 : memref<88xi32, #tpu.memory_space<vmem>>) semaphore(%arg17 : memref<!tpu.dma_semaphore, #tpu.memory_space<semaphore_mem>>)
      %dma_wait3A_311 = arith.constant 1 : i32
      %dma_wait3A_312 = arith.constant 0 : i32
      %dma_wait3A_313 = tpu.memref_slice %arg7[%dma_wait3A_311, %dma_wait3A_312] : memref<6x88xi32, #tpu.memory_space<vmem>> -> memref<1x88xi32, #tpu.memory_space<vmem>>
      %dma_wait3A_314 = tpu.memref_squeeze %dma_wait3A_313 : memref<1x88xi32, #tpu.memory_space<vmem>> -> memref<88xi32, #tpu.memory_space<vmem>>
      %dma_wait3A_315 = arith.constant 0 : i32
      %dma_wait3A_316 = arith.constant 0 : i32
      %dma_wait3A_317 = tpu.memref_slice %arg2[%dma_wait3A_315, %dma_wait3A_316] : memref<10112x128xf32, #tpu.memory_space<hbm>> -> memref<10112x128xf32, #tpu.memory_space<hbm>>
      tpu.wait_indirect_dma semaphore(%arg16 : memref<!tpu.dma_semaphore, #tpu.memory_space<semaphore_mem>>) src(%dma_wait3A_317 : memref<10112x128xf32, #tpu.memory_space<hbm>>) dst(%arg12 : memref<88x128xf32, #tpu.memory_space<vmem>>)
      %dma_start3A_318 = arith.constant 1 : i32
      %dma_start3A_319 = arith.constant 0 : i32
      %dma_start3A_320 = tpu.memref_slice %arg9[%dma_start3A_318, %dma_start3A_319] : memref<6x88xi32, #tpu.memory_space<vmem>> -> memref<1x88xi32, #tpu.memory_space<vmem>>
      %dma_start3A_321 = tpu.memref_squeeze %dma_start3A_320 : memref<1x88xi32, #tpu.memory_space<vmem>> -> memref<88xi32, #tpu.memory_space<vmem>>
      %dma_start3A_322 = arith.constant 0 : i32
      %dma_start3A_323 = arith.constant 0 : i32
      %dma_start3A_324 = tpu.memref_slice %arg27[%dma_start3A_322, %dma_start3A_323] : memref<10112x128xf32, #tpu.memory_space<vmem_shared>> -> memref<10112x128xf32, #tpu.memory_space<vmem_shared>>
      tpu.enqueue_indirect_dma source(%arg12 : memref<88x128xf32, #tpu.memory_space<vmem>>) target(%dma_start3A_324 : memref<10112x128xf32, #tpu.memory_space<vmem_shared>>) offsets(%dma_start3A_321 : memref<88xi32, #tpu.memory_space<vmem>>) semaphore(%arg20 : memref<!tpu.dma_semaphore, #tpu.memory_space<semaphore_mem>>) {add = true}
      %dma_start3A_325 = arith.constant 3 : i32
      %dma_start3A_326 = arith.constant 0 : i32
      %dma_start3A_327 = tpu.memref_slice %arg7[%dma_start3A_325, %dma_start3A_326] : memref<6x88xi32, #tpu.memory_space<vmem>> -> memref<1x88xi32, #tpu.memory_space<vmem>>
      %dma_start3A_328 = tpu.memref_squeeze %dma_start3A_327 : memref<1x88xi32, #tpu.memory_space<vmem>> -> memref<88xi32, #tpu.memory_space<vmem>>
      %dma_start3A_329 = arith.constant 0 : i32
      %dma_start3A_330 = arith.constant 0 : i32
      %dma_start3A_331 = tpu.memref_slice %arg2[%dma_start3A_329, %dma_start3A_330] : memref<10112x128xf32, #tpu.memory_space<hbm>> -> memref<10112x128xf32, #tpu.memory_space<hbm>>
      tpu.enqueue_indirect_dma source(%dma_start3A_331 : memref<10112x128xf32, #tpu.memory_space<hbm>>) target(%arg14 : memref<88x128xf32, #tpu.memory_space<vmem>>) offsets(%dma_start3A_328 : memref<88xi32, #tpu.memory_space<vmem>>) semaphore(%arg18 : memref<!tpu.dma_semaphore, #tpu.memory_space<semaphore_mem>>)
      %dma_wait3A_332 = arith.constant 2 : i32
      %dma_wait3A_333 = arith.constant 0 : i32
      %dma_wait3A_334 = tpu.memref_slice %arg7[%dma_wait3A_332, %dma_wait3A_333] : memref<6x88xi32, #tpu.memory_space<vmem>> -> memref<1x88xi32, #tpu.memory_space<vmem>>
      %dma_wait3A_335 = tpu.memref_squeeze %dma_wait3A_334 : memref<1x88xi32, #tpu.memory_space<vmem>> -> memref<88xi32, #tpu.memory_space<vmem>>
      %dma_wait3A_336 = arith.constant 0 : i32
      %dma_wait3A_337 = arith.constant 0 : i32
      %dma_wait3A_338 = tpu.memref_slice %arg2[%dma_wait3A_336, %dma_wait3A_337] : memref<10112x128xf32, #tpu.memory_space<hbm>> -> memref<10112x128xf32, #tpu.memory_space<hbm>>
      tpu.wait_indirect_dma semaphore(%arg17 : memref<!tpu.dma_semaphore, #tpu.memory_space<semaphore_mem>>) src(%dma_wait3A_338 : memref<10112x128xf32, #tpu.memory_space<hbm>>) dst(%arg13 : memref<88x128xf32, #tpu.memory_space<vmem>>)
      %dma_start3A_339 = arith.constant 2 : i32
      %dma_start3A_340 = arith.constant 0 : i32
      %dma_start3A_341 = tpu.memref_slice %arg9[%dma_start3A_339, %dma_start3A_340] : memref<6x88xi32, #tpu.memory_space<vmem>> -> memref<1x88xi32, #tpu.memory_space<vmem>>
      %dma_start3A_342 = tpu.memref_squeeze %dma_start3A_341 : memref<1x88xi32, #tpu.memory_space<vmem>> -> memref<88xi32, #tpu.memory_space<vmem>>
      %dma_start3A_343 = arith.constant 0 : i32
      %dma_start3A_344 = arith.constant 0 : i32
      %dma_start3A_345 = tpu.memref_slice %arg27[%dma_start3A_343, %dma_start3A_344] : memref<10112x128xf32, #tpu.memory_space<vmem_shared>> -> memref<10112x128xf32, #tpu.memory_space<vmem_shared>>
      tpu.enqueue_indirect_dma source(%arg13 : memref<88x128xf32, #tpu.memory_space<vmem>>) target(%dma_start3A_345 : memref<10112x128xf32, #tpu.memory_space<vmem_shared>>) offsets(%dma_start3A_342 : memref<88xi32, #tpu.memory_space<vmem>>) semaphore(%arg21 : memref<!tpu.dma_semaphore, #tpu.memory_space<semaphore_mem>>) {add = true}
      %dma_wait3A_346 = arith.constant 0 : i32
      %dma_wait3A_347 = arith.constant 0 : i32
      %dma_wait3A_348 = tpu.memref_slice %arg9[%dma_wait3A_346, %dma_wait3A_347] : memref<6x88xi32, #tpu.memory_space<vmem>> -> memref<1x88xi32, #tpu.memory_space<vmem>>
      %dma_wait3A_349 = tpu.memref_squeeze %dma_wait3A_348 : memref<1x88xi32, #tpu.memory_space<vmem>> -> memref<88xi32, #tpu.memory_space<vmem>>
      %dma_wait3A_350 = arith.constant 0 : i32
      %dma_wait3A_351 = arith.constant 0 : i32
      %dma_wait3A_352 = tpu.memref_slice %arg27[%dma_wait3A_350, %dma_wait3A_351] : memref<10112x128xf32, #tpu.memory_space<vmem_shared>> -> memref<10112x128xf32, #tpu.memory_space<vmem_shared>>
      tpu.wait_indirect_dma semaphore(%arg19 : memref<!tpu.dma_semaphore, #tpu.memory_space<semaphore_mem>>) src(%arg11 : memref<88x128xf32, #tpu.memory_space<vmem>>) dst(%dma_wait3A_352 : memref<10112x128xf32, #tpu.memory_space<vmem_shared>>)
      %dma_start3A_353 = arith.constant 4 : i32
      %dma_start3A_354 = arith.constant 0 : i32
      %dma_start3A_355 = tpu.memref_slice %arg7[%dma_start3A_353, %dma_start3A_354] : memref<6x88xi32, #tpu.memory_space<vmem>> -> memref<1x88xi32, #tpu.memory_space<vmem>>
      %dma_start3A_356 = tpu.memref_squeeze %dma_start3A_355 : memref<1x88xi32, #tpu.memory_space<vmem>> -> memref<88xi32, #tpu.memory_space<vmem>>
      %dma_start3A_357 = arith.constant 0 : i32
      %dma_start3A_358 = arith.constant 0 : i32
      %dma_start3A_359 = tpu.memref_slice %arg2[%dma_start3A_357, %dma_start3A_358] : memref<10112x128xf32, #tpu.memory_space<hbm>> -> memref<10112x128xf32, #tpu.memory_space<hbm>>
      tpu.enqueue_indirect_dma source(%dma_start3A_359 : memref<10112x128xf32, #tpu.memory_space<hbm>>) target(%arg11 : memref<88x128xf32, #tpu.memory_space<vmem>>) offsets(%dma_start3A_356 : memref<88xi32, #tpu.memory_space<vmem>>) semaphore(%arg15 : memref<!tpu.dma_semaphore, #tpu.memory_space<semaphore_mem>>)
      %dma_wait3A_360 = arith.constant 3 : i32
      %dma_wait3A_361 = arith.constant 0 : i32
      %dma_wait3A_362 = tpu.memref_slice %arg7[%dma_wait3A_360, %dma_wait3A_361] : memref<6x88xi32, #tpu.memory_space<vmem>> -> memref<1x88xi32, #tpu.memory_space<vmem>>
      %dma_wait3A_363 = tpu.memref_squeeze %dma_wait3A_362 : memref<1x88xi32, #tpu.memory_space<vmem>> -> memref<88xi32, #tpu.memory_space<vmem>>
      %dma_wait3A_364 = arith.constant 0 : i32
      %dma_wait3A_365 = arith.constant 0 : i32
      %dma_wait3A_366 = tpu.memref_slice %arg2[%dma_wait3A_364, %dma_wait3A_365] : memref<10112x128xf32, #tpu.memory_space<hbm>> -> memref<10112x128xf32, #tpu.memory_space<hbm>>
      tpu.wait_indirect_dma semaphore(%arg18 : memref<!tpu.dma_semaphore, #tpu.memory_space<semaphore_mem>>) src(%dma_wait3A_366 : memref<10112x128xf32, #tpu.memory_space<hbm>>) dst(%arg14 : memref<88x128xf32, #tpu.memory_space<vmem>>)
      %dma_start3A_367 = arith.constant 3 : i32
      %dma_start3A_368 = arith.constant 0 : i32
      %dma_start3A_369 = tpu.memref_slice %arg9[%dma_start3A_367, %dma_start3A_368] : memref<6x88xi32, #tpu.memory_space<vmem>> -> memref<1x88xi32, #tpu.memory_space<vmem>>
      %dma_start3A_370 = tpu.memref_squeeze %dma_start3A_369 : memref<1x88xi32, #tpu.memory_space<vmem>> -> memref<88xi32, #tpu.memory_space<vmem>>
      %dma_start3A_371 = arith.constant 0 : i32
      %dma_start3A_372 = arith.constant 0 : i32
      %dma_start3A_373 = tpu.memref_slice %arg27[%dma_start3A_371, %dma_start3A_372] : memref<10112x128xf32, #tpu.memory_space<vmem_shared>> -> memref<10112x128xf32, #tpu.memory_space<vmem_shared>>
      tpu.enqueue_indirect_dma source(%arg14 : memref<88x128xf32, #tpu.memory_space<vmem>>) target(%dma_start3A_373 : memref<10112x128xf32, #tpu.memory_space<vmem_shared>>) offsets(%dma_start3A_370 : memref<88xi32, #tpu.memory_space<vmem>>) semaphore(%arg22 : memref<!tpu.dma_semaphore, #tpu.memory_space<semaphore_mem>>) {add = true}
      %dma_wait3A_374 = arith.constant 1 : i32
      %dma_wait3A_375 = arith.constant 0 : i32
      %dma_wait3A_376 = tpu.memref_slice %arg9[%dma_wait3A_374, %dma_wait3A_375] : memref<6x88xi32, #tpu.memory_space<vmem>> -> memref<1x88xi32, #tpu.memory_space<vmem>>
      %dma_wait3A_377 = tpu.memref_squeeze %dma_wait3A_376 : memref<1x88xi32, #tpu.memory_space<vmem>> -> memref<88xi32, #tpu.memory_space<vmem>>
      %dma_wait3A_378 = arith.constant 0 : i32
      %dma_wait3A_379 = arith.constant 0 : i32
      %dma_wait3A_380 = tpu.memref_slice %arg27[%dma_wait3A_378, %dma_wait3A_379] : memref<10112x128xf32, #tpu.memory_space<vmem_shared>> -> memref<10112x128xf32, #tpu.memory_space<vmem_shared>>
      tpu.wait_indirect_dma semaphore(%arg20 : memref<!tpu.dma_semaphore, #tpu.memory_space<semaphore_mem>>) src(%arg12 : memref<88x128xf32, #tpu.memory_space<vmem>>) dst(%dma_wait3A_380 : memref<10112x128xf32, #tpu.memory_space<vmem_shared>>)
      %dma_start3A_381 = arith.constant 5 : i32
      %dma_start3A_382 = arith.constant 0 : i32
      %dma_start3A_383 = tpu.memref_slice %arg7[%dma_start3A_381, %dma_start3A_382] : memref<6x88xi32, #tpu.memory_space<vmem>> -> memref<1x88xi32, #tpu.memory_space<vmem>>
      %dma_start3A_384 = tpu.memref_squeeze %dma_start3A_383 : memref<1x88xi32, #tpu.memory_space<vmem>> -> memref<88xi32, #tpu.memory_space<vmem>>
      %dma_start3A_385 = arith.constant 0 : i32
      %dma_start3A_386 = arith.constant 0 : i32
      %dma_start3A_387 = tpu.memref_slice %arg2[%dma_start3A_385, %dma_start3A_386] : memref<10112x128xf32, #tpu.memory_space<hbm>> -> memref<10112x128xf32, #tpu.memory_space<hbm>>
      tpu.enqueue_indirect_dma source(%dma_start3A_387 : memref<10112x128xf32, #tpu.memory_space<hbm>>) target(%arg12 : memref<88x128xf32, #tpu.memory_space<vmem>>) offsets(%dma_start3A_384 : memref<88xi32, #tpu.memory_space<vmem>>) semaphore(%arg16 : memref<!tpu.dma_semaphore, #tpu.memory_space<semaphore_mem>>)
      %dma_wait3A_388 = arith.constant 4 : i32
      %dma_wait3A_389 = arith.constant 0 : i32
      %dma_wait3A_390 = tpu.memref_slice %arg7[%dma_wait3A_388, %dma_wait3A_389] : memref<6x88xi32, #tpu.memory_space<vmem>> -> memref<1x88xi32, #tpu.memory_space<vmem>>
      %dma_wait3A_391 = tpu.memref_squeeze %dma_wait3A_390 : memref<1x88xi32, #tpu.memory_space<vmem>> -> memref<88xi32, #tpu.memory_space<vmem>>
      %dma_wait3A_392 = arith.constant 0 : i32
      %dma_wait3A_393 = arith.constant 0 : i32
      %dma_wait3A_394 = tpu.memref_slice %arg2[%dma_wait3A_392, %dma_wait3A_393] : memref<10112x128xf32, #tpu.memory_space<hbm>> -> memref<10112x128xf32, #tpu.memory_space<hbm>>
      tpu.wait_indirect_dma semaphore(%arg15 : memref<!tpu.dma_semaphore, #tpu.memory_space<semaphore_mem>>) src(%dma_wait3A_394 : memref<10112x128xf32, #tpu.memory_space<hbm>>) dst(%arg11 : memref<88x128xf32, #tpu.memory_space<vmem>>)
      %dma_start3A_395 = arith.constant 4 : i32
      %dma_start3A_396 = arith.constant 0 : i32
      %dma_start3A_397 = tpu.memref_slice %arg9[%dma_start3A_395, %dma_start3A_396] : memref<6x88xi32, #tpu.memory_space<vmem>> -> memref<1x88xi32, #tpu.memory_space<vmem>>
      %dma_start3A_398 = tpu.memref_squeeze %dma_start3A_397 : memref<1x88xi32, #tpu.memory_space<vmem>> -> memref<88xi32, #tpu.memory_space<vmem>>
      %dma_start3A_399 = arith.constant 0 : i32
      %dma_start3A_400 = arith.constant 0 : i32
      %dma_start3A_401 = tpu.memref_slice %arg27[%dma_start3A_399, %dma_start3A_400] : memref<10112x128xf32, #tpu.memory_space<vmem_shared>> -> memref<10112x128xf32, #tpu.memory_space<vmem_shared>>
      tpu.enqueue_indirect_dma source(%arg11 : memref<88x128xf32, #tpu.memory_space<vmem>>) target(%dma_start3A_401 : memref<10112x128xf32, #tpu.memory_space<vmem_shared>>) offsets(%dma_start3A_398 : memref<88xi32, #tpu.memory_space<vmem>>) semaphore(%arg19 : memref<!tpu.dma_semaphore, #tpu.memory_space<semaphore_mem>>) {add = true}
      %dma_wait3A_402 = arith.constant 5 : i32
      %dma_wait3A_403 = arith.constant 0 : i32
      %dma_wait3A_404 = tpu.memref_slice %arg7[%dma_wait3A_402, %dma_wait3A_403] : memref<6x88xi32, #tpu.memory_space<vmem>> -> memref<1x88xi32, #tpu.memory_space<vmem>>
      %dma_wait3A_405 = tpu.memref_squeeze %dma_wait3A_404 : memref<1x88xi32, #tpu.memory_space<vmem>> -> memref<88xi32, #tpu.memory_space<vmem>>
      %dma_wait3A_406 = arith.constant 0 : i32
      %dma_wait3A_407 = arith.constant 0 : i32
      %dma_wait3A_408 = tpu.memref_slice %arg2[%dma_wait3A_406, %dma_wait3A_407] : memref<10112x128xf32, #tpu.memory_space<hbm>> -> memref<10112x128xf32, #tpu.memory_space<hbm>>
      tpu.wait_indirect_dma semaphore(%arg16 : memref<!tpu.dma_semaphore, #tpu.memory_space<semaphore_mem>>) src(%dma_wait3A_408 : memref<10112x128xf32, #tpu.memory_space<hbm>>) dst(%arg12 : memref<88x128xf32, #tpu.memory_space<vmem>>)
      %dma_start3A_409 = arith.constant 5 : i32
      %dma_start3A_410 = arith.constant 0 : i32
      %dma_start3A_411 = tpu.memref_slice %arg9[%dma_start3A_409, %dma_start3A_410] : memref<6x88xi32, #tpu.memory_space<vmem>> -> memref<1x88xi32, #tpu.memory_space<vmem>>
      %dma_start3A_412 = tpu.memref_squeeze %dma_start3A_411 : memref<1x88xi32, #tpu.memory_space<vmem>> -> memref<88xi32, #tpu.memory_space<vmem>>
      %dma_start3A_413 = arith.constant 0 : i32
      %dma_start3A_414 = arith.constant 0 : i32
      %dma_start3A_415 = tpu.memref_slice %arg27[%dma_start3A_413, %dma_start3A_414] : memref<10112x128xf32, #tpu.memory_space<vmem_shared>> -> memref<10112x128xf32, #tpu.memory_space<vmem_shared>>
      tpu.enqueue_indirect_dma source(%arg12 : memref<88x128xf32, #tpu.memory_space<vmem>>) target(%dma_start3A_415 : memref<10112x128xf32, #tpu.memory_space<vmem_shared>>) offsets(%dma_start3A_412 : memref<88xi32, #tpu.memory_space<vmem>>) semaphore(%arg20 : memref<!tpu.dma_semaphore, #tpu.memory_space<semaphore_mem>>) {add = true}
      %dma_wait3A_416 = arith.constant 2 : i32
      %dma_wait3A_417 = arith.constant 0 : i32
      %dma_wait3A_418 = tpu.memref_slice %arg9[%dma_wait3A_416, %dma_wait3A_417] : memref<6x88xi32, #tpu.memory_space<vmem>> -> memref<1x88xi32, #tpu.memory_space<vmem>>
      %dma_wait3A_419 = tpu.memref_squeeze %dma_wait3A_418 : memref<1x88xi32, #tpu.memory_space<vmem>> -> memref<88xi32, #tpu.memory_space<vmem>>
      %dma_wait3A_420 = arith.constant 0 : i32
      %dma_wait3A_421 = arith.constant 0 : i32
      %dma_wait3A_422 = tpu.memref_slice %arg27[%dma_wait3A_420, %dma_wait3A_421] : memref<10112x128xf32, #tpu.memory_space<vmem_shared>> -> memref<10112x128xf32, #tpu.memory_space<vmem_shared>>
      tpu.wait_indirect_dma semaphore(%arg21 : memref<!tpu.dma_semaphore, #tpu.memory_space<semaphore_mem>>) src(%arg13 : memref<88x128xf32, #tpu.memory_space<vmem>>) dst(%dma_wait3A_422 : memref<10112x128xf32, #tpu.memory_space<vmem_shared>>)
      %dma_wait3A_423 = arith.constant 3 : i32
      %dma_wait3A_424 = arith.constant 0 : i32
      %dma_wait3A_425 = tpu.memref_slice %arg9[%dma_wait3A_423, %dma_wait3A_424] : memref<6x88xi32, #tpu.memory_space<vmem>> -> memref<1x88xi32, #tpu.memory_space<vmem>>
      %dma_wait3A_426 = tpu.memref_squeeze %dma_wait3A_425 : memref<1x88xi32, #tpu.memory_space<vmem>> -> memref<88xi32, #tpu.memory_space<vmem>>
      %dma_wait3A_427 = arith.constant 0 : i32
      %dma_wait3A_428 = arith.constant 0 : i32
      %dma_wait3A_429 = tpu.memref_slice %arg27[%dma_wait3A_427, %dma_wait3A_428] : memref<10112x128xf32, #tpu.memory_space<vmem_shared>> -> memref<10112x128xf32, #tpu.memory_space<vmem_shared>>
      tpu.wait_indirect_dma semaphore(%arg22 : memref<!tpu.dma_semaphore, #tpu.memory_space<semaphore_mem>>) src(%arg14 : memref<88x128xf32, #tpu.memory_space<vmem>>) dst(%dma_wait3A_429 : memref<10112x128xf32, #tpu.memory_space<vmem_shared>>)
      %dma_wait3A_430 = arith.constant 4 : i32
      %dma_wait3A_431 = arith.constant 0 : i32
      %dma_wait3A_432 = tpu.memref_slice %arg9[%dma_wait3A_430, %dma_wait3A_431] : memref<6x88xi32, #tpu.memory_space<vmem>> -> memref<1x88xi32, #tpu.memory_space<vmem>>
      %dma_wait3A_433 = tpu.memref_squeeze %dma_wait3A_432 : memref<1x88xi32, #tpu.memory_space<vmem>> -> memref<88xi32, #tpu.memory_space<vmem>>
      %dma_wait3A_434 = arith.constant 0 : i32
      %dma_wait3A_435 = arith.constant 0 : i32
      %dma_wait3A_436 = tpu.memref_slice %arg27[%dma_wait3A_434, %dma_wait3A_435] : memref<10112x128xf32, #tpu.memory_space<vmem_shared>> -> memref<10112x128xf32, #tpu.memory_space<vmem_shared>>
      tpu.wait_indirect_dma semaphore(%arg19 : memref<!tpu.dma_semaphore, #tpu.memory_space<semaphore_mem>>) src(%arg11 : memref<88x128xf32, #tpu.memory_space<vmem>>) dst(%dma_wait3A_436 : memref<10112x128xf32, #tpu.memory_space<vmem_shared>>)
      %dma_wait3A_437 = arith.constant 5 : i32
      %dma_wait3A_438 = arith.constant 0 : i32
      %dma_wait3A_439 = tpu.memref_slice %arg9[%dma_wait3A_437, %dma_wait3A_438] : memref<6x88xi32, #tpu.memory_space<vmem>> -> memref<1x88xi32, #tpu.memory_space<vmem>>
      %dma_wait3A_440 = tpu.memref_squeeze %dma_wait3A_439 : memref<1x88xi32, #tpu.memory_space<vmem>> -> memref<88xi32, #tpu.memory_space<vmem>>
      %dma_wait3A_441 = arith.constant 0 : i32
      %dma_wait3A_442 = arith.constant 0 : i32
      %dma_wait3A_443 = tpu.memref_slice %arg27[%dma_wait3A_441, %dma_wait3A_442] : memref<10112x128xf32, #tpu.memory_space<vmem_shared>> -> memref<10112x128xf32, #tpu.memory_space<vmem_shared>>
      tpu.wait_indirect_dma semaphore(%arg20 : memref<!tpu.dma_semaphore, #tpu.memory_space<semaphore_mem>>) src(%arg12 : memref<88x128xf32, #tpu.memory_space<vmem>>) dst(%dma_wait3A_443 : memref<10112x128xf32, #tpu.memory_space<vmem_shared>>)
      %mul3A_444 = arith.constant 2 : i32
      %mul3A_445 = arith.muli %mul3A_444, %scan3A_227 : i32
      %add3A_446 = arith.constant 1 : i32
      %add3A_447 = arith.addi %mul3A_445, %add3A_446 : i32
      %mul3A_448 = arith.constant 19 : i32
      %mul3A_449 = arith.muli %add3A, %mul3A_448 : i32
      %add3A_450 = arith.addi %mul3A_449, %add3A_447 : i32
      %dma_wait3A_451 = arith.constant 0 : i32
      %dma_wait3A_452 = arith.constant 0 : i32
      %dma_wait3A_453 = tpu.memref_slice %arg3[%add3A_450, %dma_wait3A_451, %dma_wait3A_452] : memref<608x6x88xi32, #tpu.memory_space<hbm>> -> memref<1x6x88xi32, #tpu.memory_space<hbm>>
      %dma_wait3A_454 = tpu.memref_squeeze %dma_wait3A_453 : memref<1x6x88xi32, #tpu.memory_space<hbm>> -> memref<6x88xi32, #tpu.memory_space<hbm>>
      %dma_wait3A_455 = arith.constant 0 : i32
      %dma_wait3A_456 = arith.constant 0 : i32
      %dma_wait3A_457 = tpu.memref_slice %arg3[%add3A_450, %dma_wait3A_455, %dma_wait3A_456] : memref<608x6x88xi32, #tpu.memory_space<hbm>> -> memref<1x6x88xi32, #tpu.memory_space<hbm>>
      %dma_wait3A_458 = tpu.memref_squeeze %dma_wait3A_457 : memref<1x6x88xi32, #tpu.memory_space<hbm>> -> memref<6x88xi32, #tpu.memory_space<hbm>>
      tpu.wait_dma2 semaphore(%arg24 : memref<!tpu.dma_semaphore, #tpu.memory_space<semaphore_mem>>) src(%dma_wait3A_458 : memref<6x88xi32, #tpu.memory_space<hbm>>) dst(%arg8 : memref<6x88xi32, #tpu.memory_space<vmem>>)
      %mul3A_459 = arith.constant 19 : i32
      %mul3A_460 = arith.muli %add3A, %mul3A_459 : i32
      %add3A_461 = arith.addi %mul3A_460, %add3A_447 : i32
      %dma_wait3A_462 = arith.constant 0 : i32
      %dma_wait3A_463 = arith.constant 0 : i32
      %dma_wait3A_464 = tpu.memref_slice %arg4[%add3A_461, %dma_wait3A_462, %dma_wait3A_463] : memref<608x6x88xi32, #tpu.memory_space<hbm>> -> memref<1x6x88xi32, #tpu.memory_space<hbm>>
      %dma_wait3A_465 = tpu.memref_squeeze %dma_wait3A_464 : memref<1x6x88xi32, #tpu.memory_space<hbm>> -> memref<6x88xi32, #tpu.memory_space<hbm>>
      %dma_wait3A_466 = arith.constant 0 : i32
      %dma_wait3A_467 = arith.constant 0 : i32
      %dma_wait3A_468 = tpu.memref_slice %arg4[%add3A_461, %dma_wait3A_466, %dma_wait3A_467] : memref<608x6x88xi32, #tpu.memory_space<hbm>> -> memref<1x6x88xi32, #tpu.memory_space<hbm>>
      %dma_wait3A_469 = tpu.memref_squeeze %dma_wait3A_468 : memref<1x6x88xi32, #tpu.memory_space<hbm>> -> memref<6x88xi32, #tpu.memory_space<hbm>>
      tpu.wait_dma2 semaphore(%arg26 : memref<!tpu.dma_semaphore, #tpu.memory_space<semaphore_mem>>) src(%dma_wait3A_469 : memref<6x88xi32, #tpu.memory_space<hbm>>) dst(%arg10 : memref<6x88xi32, #tpu.memory_space<vmem>>)
      %add3A_470 = arith.constant 1 : i32
      %add3A_471 = arith.addi %add3A_447, %add3A_470 : i32
      %mul3A_472 = arith.constant 19 : i32
      %mul3A_473 = arith.muli %add3A, %mul3A_472 : i32
      %add3A_474 = arith.addi %mul3A_473, %add3A_471 : i32
      %dma_start3A_475 = arith.constant 0 : i32
      %dma_start3A_476 = arith.constant 0 : i32
      %dma_start3A_477 = tpu.memref_slice %arg3[%add3A_474, %dma_start3A_475, %dma_start3A_476] : memref<608x6x88xi32, #tpu.memory_space<hbm>> -> memref<1x6x88xi32, #tpu.memory_space<hbm>>
      %dma_start3A_478 = tpu.memref_squeeze %dma_start3A_477 : memref<1x6x88xi32, #tpu.memory_space<hbm>> -> memref<6x88xi32, #tpu.memory_space<hbm>>
      %dma_start3A_479 = arith.constant 0 : i32
      %dma_start3A_480 = arith.constant 0 : i32
      %dma_start3A_481 = tpu.memref_slice %arg3[%add3A_474, %dma_start3A_479, %dma_start3A_480] : memref<608x6x88xi32, #tpu.memory_space<hbm>> -> memref<1x6x88xi32, #tpu.memory_space<hbm>>
      %dma_start3A_482 = tpu.memref_squeeze %dma_start3A_481 : memref<1x6x88xi32, #tpu.memory_space<hbm>> -> memref<6x88xi32, #tpu.memory_space<hbm>>
      tpu.enqueue_dma source(%dma_start3A_482 : memref<6x88xi32, #tpu.memory_space<hbm>>) target(%arg7 : memref<6x88xi32, #tpu.memory_space<vmem>>) target_semaphore(%arg23 : memref<!tpu.dma_semaphore, #tpu.memory_space<semaphore_mem>>)
      %mul3A_483 = arith.constant 19 : i32
      %mul3A_484 = arith.muli %add3A, %mul3A_483 : i32
      %add3A_485 = arith.addi %mul3A_484, %add3A_471 : i32
      %dma_start3A_486 = arith.constant 0 : i32
      %dma_start3A_487 = arith.constant 0 : i32
      %dma_start3A_488 = tpu.memref_slice %arg4[%add3A_485, %dma_start3A_486, %dma_start3A_487] : memref<608x6x88xi32, #tpu.memory_space<hbm>> -> memref<1x6x88xi32, #tpu.memory_space<hbm>>
      %dma_start3A_489 = tpu.memref_squeeze %dma_start3A_488 : memref<1x6x88xi32, #tpu.memory_space<hbm>> -> memref<6x88xi32, #tpu.memory_space<hbm>>
      %dma_start3A_490 = arith.constant 0 : i32
      %dma_start3A_491 = arith.constant 0 : i32
      %dma_start3A_492 = tpu.memref_slice %arg4[%add3A_485, %dma_start3A_490, %dma_start3A_491] : memref<608x6x88xi32, #tpu.memory_space<hbm>> -> memref<1x6x88xi32, #tpu.memory_space<hbm>>
      %dma_start3A_493 = tpu.memref_squeeze %dma_start3A_492 : memref<1x6x88xi32, #tpu.memory_space<hbm>> -> memref<6x88xi32, #tpu.memory_space<hbm>>
      tpu.enqueue_dma source(%dma_start3A_493 : memref<6x88xi32, #tpu.memory_space<hbm>>) target(%arg9 : memref<6x88xi32, #tpu.memory_space<vmem>>) target_semaphore(%arg25 : memref<!tpu.dma_semaphore, #tpu.memory_space<semaphore_mem>>)
      %dma_start3A_494 = arith.constant 0 : i32
      %dma_start3A_495 = arith.constant 0 : i32
      %dma_start3A_496 = tpu.memref_slice %arg8[%dma_start3A_494, %dma_start3A_495] : memref<6x88xi32, #tpu.memory_space<vmem>> -> memref<1x88xi32, #tpu.memory_space<vmem>>
      %dma_start3A_497 = tpu.memref_squeeze %dma_start3A_496 : memref<1x88xi32, #tpu.memory_space<vmem>> -> memref<88xi32, #tpu.memory_space<vmem>>
      %dma_start3A_498 = arith.constant 0 : i32
      %dma_start3A_499 = arith.constant 0 : i32
      %dma_start3A_500 = tpu.memref_slice %arg2[%dma_start3A_498, %dma_start3A_499] : memref<10112x128xf32, #tpu.memory_space<hbm>> -> memref<10112x128xf32, #tpu.memory_space<hbm>>
      tpu.enqueue_indirect_dma source(%dma_start3A_500 : memref<10112x128xf32, #tpu.memory_space<hbm>>) target(%arg11 : memref<88x128xf32, #tpu.memory_space<vmem>>) offsets(%dma_start3A_497 : memref<88xi32, #tpu.memory_space<vmem>>) semaphore(%arg15 : memref<!tpu.dma_semaphore, #tpu.memory_space<semaphore_mem>>)
      %dma_start3A_501 = arith.constant 1 : i32
      %dma_start3A_502 = arith.constant 0 : i32
      %dma_start3A_503 = tpu.memref_slice %arg8[%dma_start3A_501, %dma_start3A_502] : memref<6x88xi32, #tpu.memory_space<vmem>> -> memref<1x88xi32, #tpu.memory_space<vmem>>
      %dma_start3A_504 = tpu.memref_squeeze %dma_start3A_503 : memref<1x88xi32, #tpu.memory_space<vmem>> -> memref<88xi32, #tpu.memory_space<vmem>>
      %dma_start3A_505 = arith.constant 0 : i32
      %dma_start3A_506 = arith.constant 0 : i32
      %dma_start3A_507 = tpu.memref_slice %arg2[%dma_start3A_505, %dma_start3A_506] : memref<10112x128xf32, #tpu.memory_space<hbm>> -> memref<10112x128xf32, #tpu.memory_space<hbm>>
      tpu.enqueue_indirect_dma source(%dma_start3A_507 : memref<10112x128xf32, #tpu.memory_space<hbm>>) target(%arg12 : memref<88x128xf32, #tpu.memory_space<vmem>>) offsets(%dma_start3A_504 : memref<88xi32, #tpu.memory_space<vmem>>) semaphore(%arg16 : memref<!tpu.dma_semaphore, #tpu.memory_space<semaphore_mem>>)
      %dma_wait3A_508 = arith.constant 0 : i32
      %dma_wait3A_509 = arith.constant 0 : i32
      %dma_wait3A_510 = tpu.memref_slice %arg8[%dma_wait3A_508, %dma_wait3A_509] : memref<6x88xi32, #tpu.memory_space<vmem>> -> memref<1x88xi32, #tpu.memory_space<vmem>>
      %dma_wait3A_511 = tpu.memref_squeeze %dma_wait3A_510 : memref<1x88xi32, #tpu.memory_space<vmem>> -> memref<88xi32, #tpu.memory_space<vmem>>
      %dma_wait3A_512 = arith.constant 0 : i32
      %dma_wait3A_513 = arith.constant 0 : i32
      %dma_wait3A_514 = tpu.memref_slice %arg2[%dma_wait3A_512, %dma_wait3A_513] : memref<10112x128xf32, #tpu.memory_space<hbm>> -> memref<10112x128xf32, #tpu.memory_space<hbm>>
      tpu.wait_indirect_dma semaphore(%arg15 : memref<!tpu.dma_semaphore, #tpu.memory_space<semaphore_mem>>) src(%dma_wait3A_514 : memref<10112x128xf32, #tpu.memory_space<hbm>>) dst(%arg11 : memref<88x128xf32, #tpu.memory_space<vmem>>)
      %dma_start3A_515 = arith.constant 0 : i32
      %dma_start3A_516 = arith.constant 0 : i32
      %dma_start3A_517 = tpu.memref_slice %arg10[%dma_start3A_515, %dma_start3A_516] : memref<6x88xi32, #tpu.memory_space<vmem>> -> memref<1x88xi32, #tpu.memory_space<vmem>>
      %dma_start3A_518 = tpu.memref_squeeze %dma_start3A_517 : memref<1x88xi32, #tpu.memory_space<vmem>> -> memref<88xi32, #tpu.memory_space<vmem>>
      %dma_start3A_519 = arith.constant 0 : i32
      %dma_start3A_520 = arith.constant 0 : i32
      %dma_start3A_521 = tpu.memref_slice %arg27[%dma_start3A_519, %dma_start3A_520] : memref<10112x128xf32, #tpu.memory_space<vmem_shared>> -> memref<10112x128xf32, #tpu.memory_space<vmem_shared>>
      tpu.enqueue_indirect_dma source(%arg11 : memref<88x128xf32, #tpu.memory_space<vmem>>) target(%dma_start3A_521 : memref<10112x128xf32, #tpu.memory_space<vmem_shared>>) offsets(%dma_start3A_518 : memref<88xi32, #tpu.memory_space<vmem>>) semaphore(%arg19 : memref<!tpu.dma_semaphore, #tpu.memory_space<semaphore_mem>>) {add = true}
      %dma_start3A_522 = arith.constant 2 : i32
      %dma_start3A_523 = arith.constant 0 : i32
      %dma_start3A_524 = tpu.memref_slice %arg8[%dma_start3A_522, %dma_start3A_523] : memref<6x88xi32, #tpu.memory_space<vmem>> -> memref<1x88xi32, #tpu.memory_space<vmem>>
      %dma_start3A_525 = tpu.memref_squeeze %dma_start3A_524 : memref<1x88xi32, #tpu.memory_space<vmem>> -> memref<88xi32, #tpu.memory_space<vmem>>
      %dma_start3A_526 = arith.constant 0 : i32
      %dma_start3A_527 = arith.constant 0 : i32
      %dma_start3A_528 = tpu.memref_slice %arg2[%dma_start3A_526, %dma_start3A_527] : memref<10112x128xf32, #tpu.memory_space<hbm>> -> memref<10112x128xf32, #tpu.memory_space<hbm>>
      tpu.enqueue_indirect_dma source(%dma_start3A_528 : memref<10112x128xf32, #tpu.memory_space<hbm>>) target(%arg13 : memref<88x128xf32, #tpu.memory_space<vmem>>) offsets(%dma_start3A_525 : memref<88xi32, #tpu.memory_space<vmem>>) semaphore(%arg17 : memref<!tpu.dma_semaphore, #tpu.memory_space<semaphore_mem>>)
      %dma_wait3A_529 = arith.constant 1 : i32
      %dma_wait3A_530 = arith.constant 0 : i32
      %dma_wait3A_531 = tpu.memref_slice %arg8[%dma_wait3A_529, %dma_wait3A_530] : memref<6x88xi32, #tpu.memory_space<vmem>> -> memref<1x88xi32, #tpu.memory_space<vmem>>
      %dma_wait3A_532 = tpu.memref_squeeze %dma_wait3A_531 : memref<1x88xi32, #tpu.memory_space<vmem>> -> memref<88xi32, #tpu.memory_space<vmem>>
      %dma_wait3A_533 = arith.constant 0 : i32
      %dma_wait3A_534 = arith.constant 0 : i32
      %dma_wait3A_535 = tpu.memref_slice %arg2[%dma_wait3A_533, %dma_wait3A_534] : memref<10112x128xf32, #tpu.memory_space<hbm>> -> memref<10112x128xf32, #tpu.memory_space<hbm>>
      tpu.wait_indirect_dma semaphore(%arg16 : memref<!tpu.dma_semaphore, #tpu.memory_space<semaphore_mem>>) src(%dma_wait3A_535 : memref<10112x128xf32, #tpu.memory_space<hbm>>) dst(%arg12 : memref<88x128xf32, #tpu.memory_space<vmem>>)
      %dma_start3A_536 = arith.constant 1 : i32
      %dma_start3A_537 = arith.constant 0 : i32
      %dma_start3A_538 = tpu.memref_slice %arg10[%dma_start3A_536, %dma_start3A_537] : memref<6x88xi32, #tpu.memory_space<vmem>> -> memref<1x88xi32, #tpu.memory_space<vmem>>
      %dma_start3A_539 = tpu.memref_squeeze %dma_start3A_538 : memref<1x88xi32, #tpu.memory_space<vmem>> -> memref<88xi32, #tpu.memory_space<vmem>>
      %dma_start3A_540 = arith.constant 0 : i32
      %dma_start3A_541 = arith.constant 0 : i32
      %dma_start3A_542 = tpu.memref_slice %arg27[%dma_start3A_540, %dma_start3A_541] : memref<10112x128xf32, #tpu.memory_space<vmem_shared>> -> memref<10112x128xf32, #tpu.memory_space<vmem_shared>>
      tpu.enqueue_indirect_dma source(%arg12 : memref<88x128xf32, #tpu.memory_space<vmem>>) target(%dma_start3A_542 : memref<10112x128xf32, #tpu.memory_space<vmem_shared>>) offsets(%dma_start3A_539 : memref<88xi32, #tpu.memory_space<vmem>>) semaphore(%arg20 : memref<!tpu.dma_semaphore, #tpu.memory_space<semaphore_mem>>) {add = true}
      %dma_start3A_543 = arith.constant 3 : i32
      %dma_start3A_544 = arith.constant 0 : i32
      %dma_start3A_545 = tpu.memref_slice %arg8[%dma_start3A_543, %dma_start3A_544] : memref<6x88xi32, #tpu.memory_space<vmem>> -> memref<1x88xi32, #tpu.memory_space<vmem>>
      %dma_start3A_546 = tpu.memref_squeeze %dma_start3A_545 : memref<1x88xi32, #tpu.memory_space<vmem>> -> memref<88xi32, #tpu.memory_space<vmem>>
      %dma_start3A_547 = arith.constant 0 : i32
      %dma_start3A_548 = arith.constant 0 : i32
      %dma_start3A_549 = tpu.memref_slice %arg2[%dma_start3A_547, %dma_start3A_548] : memref<10112x128xf32, #tpu.memory_space<hbm>> -> memref<10112x128xf32, #tpu.memory_space<hbm>>
      tpu.enqueue_indirect_dma source(%dma_start3A_549 : memref<10112x128xf32, #tpu.memory_space<hbm>>) target(%arg14 : memref<88x128xf32, #tpu.memory_space<vmem>>) offsets(%dma_start3A_546 : memref<88xi32, #tpu.memory_space<vmem>>) semaphore(%arg18 : memref<!tpu.dma_semaphore, #tpu.memory_space<semaphore_mem>>)
      %dma_wait3A_550 = arith.constant 2 : i32
      %dma_wait3A_551 = arith.constant 0 : i32
      %dma_wait3A_552 = tpu.memref_slice %arg8[%dma_wait3A_550, %dma_wait3A_551] : memref<6x88xi32, #tpu.memory_space<vmem>> -> memref<1x88xi32, #tpu.memory_space<vmem>>
      %dma_wait3A_553 = tpu.memref_squeeze %dma_wait3A_552 : memref<1x88xi32, #tpu.memory_space<vmem>> -> memref<88xi32, #tpu.memory_space<vmem>>
      %dma_wait3A_554 = arith.constant 0 : i32
      %dma_wait3A_555 = arith.constant 0 : i32
      %dma_wait3A_556 = tpu.memref_slice %arg2[%dma_wait3A_554, %dma_wait3A_555] : memref<10112x128xf32, #tpu.memory_space<hbm>> -> memref<10112x128xf32, #tpu.memory_space<hbm>>
      tpu.wait_indirect_dma semaphore(%arg17 : memref<!tpu.dma_semaphore, #tpu.memory_space<semaphore_mem>>) src(%dma_wait3A_556 : memref<10112x128xf32, #tpu.memory_space<hbm>>) dst(%arg13 : memref<88x128xf32, #tpu.memory_space<vmem>>)
      %dma_start3A_557 = arith.constant 2 : i32
      %dma_start3A_558 = arith.constant 0 : i32
      %dma_start3A_559 = tpu.memref_slice %arg10[%dma_start3A_557, %dma_start3A_558] : memref<6x88xi32, #tpu.memory_space<vmem>> -> memref<1x88xi32, #tpu.memory_space<vmem>>
      %dma_start3A_560 = tpu.memref_squeeze %dma_start3A_559 : memref<1x88xi32, #tpu.memory_space<vmem>> -> memref<88xi32, #tpu.memory_space<vmem>>
      %dma_start3A_561 = arith.constant 0 : i32
      %dma_start3A_562 = arith.constant 0 : i32
      %dma_start3A_563 = tpu.memref_slice %arg27[%dma_start3A_561, %dma_start3A_562] : memref<10112x128xf32, #tpu.memory_space<vmem_shared>> -> memref<10112x128xf32, #tpu.memory_space<vmem_shared>>
      tpu.enqueue_indirect_dma source(%arg13 : memref<88x128xf32, #tpu.memory_space<vmem>>) target(%dma_start3A_563 : memref<10112x128xf32, #tpu.memory_space<vmem_shared>>) offsets(%dma_start3A_560 : memref<88xi32, #tpu.memory_space<vmem>>) semaphore(%arg21 : memref<!tpu.dma_semaphore, #tpu.memory_space<semaphore_mem>>) {add = true}
      %dma_wait3A_564 = arith.constant 0 : i32
      %dma_wait3A_565 = arith.constant 0 : i32
      %dma_wait3A_566 = tpu.memref_slice %arg10[%dma_wait3A_564, %dma_wait3A_565] : memref<6x88xi32, #tpu.memory_space<vmem>> -> memref<1x88xi32, #tpu.memory_space<vmem>>
      %dma_wait3A_567 = tpu.memref_squeeze %dma_wait3A_566 : memref<1x88xi32, #tpu.memory_space<vmem>> -> memref<88xi32, #tpu.memory_space<vmem>>
      %dma_wait3A_568 = arith.constant 0 : i32
      %dma_wait3A_569 = arith.constant 0 : i32
      %dma_wait3A_570 = tpu.memref_slice %arg27[%dma_wait3A_568, %dma_wait3A_569] : memref<10112x128xf32, #tpu.memory_space<vmem_shared>> -> memref<10112x128xf32, #tpu.memory_space<vmem_shared>>
      tpu.wait_indirect_dma semaphore(%arg19 : memref<!tpu.dma_semaphore, #tpu.memory_space<semaphore_mem>>) src(%arg11 : memref<88x128xf32, #tpu.memory_space<vmem>>) dst(%dma_wait3A_570 : memref<10112x128xf32, #tpu.memory_space<vmem_shared>>)
      %dma_start3A_571 = arith.constant 4 : i32
      %dma_start3A_572 = arith.constant 0 : i32
      %dma_start3A_573 = tpu.memref_slice %arg8[%dma_start3A_571, %dma_start3A_572] : memref<6x88xi32, #tpu.memory_space<vmem>> -> memref<1x88xi32, #tpu.memory_space<vmem>>
      %dma_start3A_574 = tpu.memref_squeeze %dma_start3A_573 : memref<1x88xi32, #tpu.memory_space<vmem>> -> memref<88xi32, #tpu.memory_space<vmem>>
      %dma_start3A_575 = arith.constant 0 : i32
      %dma_start3A_576 = arith.constant 0 : i32
      %dma_start3A_577 = tpu.memref_slice %arg2[%dma_start3A_575, %dma_start3A_576] : memref<10112x128xf32, #tpu.memory_space<hbm>> -> memref<10112x128xf32, #tpu.memory_space<hbm>>
      tpu.enqueue_indirect_dma source(%dma_start3A_577 : memref<10112x128xf32, #tpu.memory_space<hbm>>) target(%arg11 : memref<88x128xf32, #tpu.memory_space<vmem>>) offsets(%dma_start3A_574 : memref<88xi32, #tpu.memory_space<vmem>>) semaphore(%arg15 : memref<!tpu.dma_semaphore, #tpu.memory_space<semaphore_mem>>)
      %dma_wait3A_578 = arith.constant 3 : i32
      %dma_wait3A_579 = arith.constant 0 : i32
      %dma_wait3A_580 = tpu.memref_slice %arg8[%dma_wait3A_578, %dma_wait3A_579] : memref<6x88xi32, #tpu.memory_space<vmem>> -> memref<1x88xi32, #tpu.memory_space<vmem>>
      %dma_wait3A_581 = tpu.memref_squeeze %dma_wait3A_580 : memref<1x88xi32, #tpu.memory_space<vmem>> -> memref<88xi32, #tpu.memory_space<vmem>>
      %dma_wait3A_582 = arith.constant 0 : i32
      %dma_wait3A_583 = arith.constant 0 : i32
      %dma_wait3A_584 = tpu.memref_slice %arg2[%dma_wait3A_582, %dma_wait3A_583] : memref<10112x128xf32, #tpu.memory_space<hbm>> -> memref<10112x128xf32, #tpu.memory_space<hbm>>
      tpu.wait_indirect_dma semaphore(%arg18 : memref<!tpu.dma_semaphore, #tpu.memory_space<semaphore_mem>>) src(%dma_wait3A_584 : memref<10112x128xf32, #tpu.memory_space<hbm>>) dst(%arg14 : memref<88x128xf32, #tpu.memory_space<vmem>>)
      %dma_start3A_585 = arith.constant 3 : i32
      %dma_start3A_586 = arith.constant 0 : i32
      %dma_start3A_587 = tpu.memref_slice %arg10[%dma_start3A_585, %dma_start3A_586] : memref<6x88xi32, #tpu.memory_space<vmem>> -> memref<1x88xi32, #tpu.memory_space<vmem>>
      %dma_start3A_588 = tpu.memref_squeeze %dma_start3A_587 : memref<1x88xi32, #tpu.memory_space<vmem>> -> memref<88xi32, #tpu.memory_space<vmem>>
      %dma_start3A_589 = arith.constant 0 : i32
      %dma_start3A_590 = arith.constant 0 : i32
      %dma_start3A_591 = tpu.memref_slice %arg27[%dma_start3A_589, %dma_start3A_590] : memref<10112x128xf32, #tpu.memory_space<vmem_shared>> -> memref<10112x128xf32, #tpu.memory_space<vmem_shared>>
      tpu.enqueue_indirect_dma source(%arg14 : memref<88x128xf32, #tpu.memory_space<vmem>>) target(%dma_start3A_591 : memref<10112x128xf32, #tpu.memory_space<vmem_shared>>) offsets(%dma_start3A_588 : memref<88xi32, #tpu.memory_space<vmem>>) semaphore(%arg22 : memref<!tpu.dma_semaphore, #tpu.memory_space<semaphore_mem>>) {add = true}
      %dma_wait3A_592 = arith.constant 1 : i32
      %dma_wait3A_593 = arith.constant 0 : i32
      %dma_wait3A_594 = tpu.memref_slice %arg10[%dma_wait3A_592, %dma_wait3A_593] : memref<6x88xi32, #tpu.memory_space<vmem>> -> memref<1x88xi32, #tpu.memory_space<vmem>>
      %dma_wait3A_595 = tpu.memref_squeeze %dma_wait3A_594 : memref<1x88xi32, #tpu.memory_space<vmem>> -> memref<88xi32, #tpu.memory_space<vmem>>
      %dma_wait3A_596 = arith.constant 0 : i32
      %dma_wait3A_597 = arith.constant 0 : i32
      %dma_wait3A_598 = tpu.memref_slice %arg27[%dma_wait3A_596, %dma_wait3A_597] : memref<10112x128xf32, #tpu.memory_space<vmem_shared>> -> memref<10112x128xf32, #tpu.memory_space<vmem_shared>>
      tpu.wait_indirect_dma semaphore(%arg20 : memref<!tpu.dma_semaphore, #tpu.memory_space<semaphore_mem>>) src(%arg12 : memref<88x128xf32, #tpu.memory_space<vmem>>) dst(%dma_wait3A_598 : memref<10112x128xf32, #tpu.memory_space<vmem_shared>>)
      %dma_start3A_599 = arith.constant 5 : i32
      %dma_start3A_600 = arith.constant 0 : i32
      %dma_start3A_601 = tpu.memref_slice %arg8[%dma_start3A_599, %dma_start3A_600] : memref<6x88xi32, #tpu.memory_space<vmem>> -> memref<1x88xi32, #tpu.memory_space<vmem>>
      %dma_start3A_602 = tpu.memref_squeeze %dma_start3A_601 : memref<1x88xi32, #tpu.memory_space<vmem>> -> memref<88xi32, #tpu.memory_space<vmem>>
      %dma_start3A_603 = arith.constant 0 : i32
      %dma_start3A_604 = arith.constant 0 : i32
      %dma_start3A_605 = tpu.memref_slice %arg2[%dma_start3A_603, %dma_start3A_604] : memref<10112x128xf32, #tpu.memory_space<hbm>> -> memref<10112x128xf32, #tpu.memory_space<hbm>>
      tpu.enqueue_indirect_dma source(%dma_start3A_605 : memref<10112x128xf32, #tpu.memory_space<hbm>>) target(%arg12 : memref<88x128xf32, #tpu.memory_space<vmem>>) offsets(%dma_start3A_602 : memref<88xi32, #tpu.memory_space<vmem>>) semaphore(%arg16 : memref<!tpu.dma_semaphore, #tpu.memory_space<semaphore_mem>>)
      %dma_wait3A_606 = arith.constant 4 : i32
      %dma_wait3A_607 = arith.constant 0 : i32
      %dma_wait3A_608 = tpu.memref_slice %arg8[%dma_wait3A_606, %dma_wait3A_607] : memref<6x88xi32, #tpu.memory_space<vmem>> -> memref<1x88xi32, #tpu.memory_space<vmem>>
      %dma_wait3A_609 = tpu.memref_squeeze %dma_wait3A_608 : memref<1x88xi32, #tpu.memory_space<vmem>> -> memref<88xi32, #tpu.memory_space<vmem>>
      %dma_wait3A_610 = arith.constant 0 : i32
      %dma_wait3A_611 = arith.constant 0 : i32
      %dma_wait3A_612 = tpu.memref_slice %arg2[%dma_wait3A_610, %dma_wait3A_611] : memref<10112x128xf32, #tpu.memory_space<hbm>> -> memref<10112x128xf32, #tpu.memory_space<hbm>>
      tpu.wait_indirect_dma semaphore(%arg15 : memref<!tpu.dma_semaphore, #tpu.memory_space<semaphore_mem>>) src(%dma_wait3A_612 : memref<10112x128xf32, #tpu.memory_space<hbm>>) dst(%arg11 : memref<88x128xf32, #tpu.memory_space<vmem>>)
      %dma_start3A_613 = arith.constant 4 : i32
      %dma_start3A_614 = arith.constant 0 : i32
      %dma_start3A_615 = tpu.memref_slice %arg10[%dma_start3A_613, %dma_start3A_614] : memref<6x88xi32, #tpu.memory_space<vmem>> -> memref<1x88xi32, #tpu.memory_space<vmem>>
      %dma_start3A_616 = tpu.memref_squeeze %dma_start3A_615 : memref<1x88xi32, #tpu.memory_space<vmem>> -> memref<88xi32, #tpu.memory_space<vmem>>
      %dma_start3A_617 = arith.constant 0 : i32
      %dma_start3A_618 = arith.constant 0 : i32
      %dma_start3A_619 = tpu.memref_slice %arg27[%dma_start3A_617, %dma_start3A_618] : memref<10112x128xf32, #tpu.memory_space<vmem_shared>> -> memref<10112x128xf32, #tpu.memory_space<vmem_shared>>
      tpu.enqueue_indirect_dma source(%arg11 : memref<88x128xf32, #tpu.memory_space<vmem>>) target(%dma_start3A_619 : memref<10112x128xf32, #tpu.memory_space<vmem_shared>>) offsets(%dma_start3A_616 : memref<88xi32, #tpu.memory_space<vmem>>) semaphore(%arg19 : memref<!tpu.dma_semaphore, #tpu.memory_space<semaphore_mem>>) {add = true}
      %dma_wait3A_620 = arith.constant 5 : i32
      %dma_wait3A_621 = arith.constant 0 : i32
      %dma_wait3A_622 = tpu.memref_slice %arg8[%dma_wait3A_620, %dma_wait3A_621] : memref<6x88xi32, #tpu.memory_space<vmem>> -> memref<1x88xi32, #tpu.memory_space<vmem>>
      %dma_wait3A_623 = tpu.memref_squeeze %dma_wait3A_622 : memref<1x88xi32, #tpu.memory_space<vmem>> -> memref<88xi32, #tpu.memory_space<vmem>>
      %dma_wait3A_624 = arith.constant 0 : i32
      %dma_wait3A_625 = arith.constant 0 : i32
      %dma_wait3A_626 = tpu.memref_slice %arg2[%dma_wait3A_624, %dma_wait3A_625] : memref<10112x128xf32, #tpu.memory_space<hbm>> -> memref<10112x128xf32, #tpu.memory_space<hbm>>
      tpu.wait_indirect_dma semaphore(%arg16 : memref<!tpu.dma_semaphore, #tpu.memory_space<semaphore_mem>>) src(%dma_wait3A_626 : memref<10112x128xf32, #tpu.memory_space<hbm>>) dst(%arg12 : memref<88x128xf32, #tpu.memory_space<vmem>>)
      %dma_start3A_627 = arith.constant 5 : i32
      %dma_start3A_628 = arith.constant 0 : i32
      %dma_start3A_629 = tpu.memref_slice %arg10[%dma_start3A_627, %dma_start3A_628] : memref<6x88xi32, #tpu.memory_space<vmem>> -> memref<1x88xi32, #tpu.memory_space<vmem>>
      %dma_start3A_630 = tpu.memref_squeeze %dma_start3A_629 : memref<1x88xi32, #tpu.memory_space<vmem>> -> memref<88xi32, #tpu.memory_space<vmem>>
      %dma_start3A_631 = arith.constant 0 : i32
      %dma_start3A_632 = arith.constant 0 : i32
      %dma_start3A_633 = tpu.memref_slice %arg27[%dma_start3A_631, %dma_start3A_632] : memref<10112x128xf32, #tpu.memory_space<vmem_shared>> -> memref<10112x128xf32, #tpu.memory_space<vmem_shared>>
      tpu.enqueue_indirect_dma source(%arg12 : memref<88x128xf32, #tpu.memory_space<vmem>>) target(%dma_start3A_633 : memref<10112x128xf32, #tpu.memory_space<vmem_shared>>) offsets(%dma_start3A_630 : memref<88xi32, #tpu.memory_space<vmem>>) semaphore(%arg20 : memref<!tpu.dma_semaphore, #tpu.memory_space<semaphore_mem>>) {add = true}
      %dma_wait3A_634 = arith.constant 2 : i32
      %dma_wait3A_635 = arith.constant 0 : i32
      %dma_wait3A_636 = tpu.memref_slice %arg10[%dma_wait3A_634, %dma_wait3A_635] : memref<6x88xi32, #tpu.memory_space<vmem>> -> memref<1x88xi32, #tpu.memory_space<vmem>>
      %dma_wait3A_637 = tpu.memref_squeeze %dma_wait3A_636 : memref<1x88xi32, #tpu.memory_space<vmem>> -> memref<88xi32, #tpu.memory_space<vmem>>
      %dma_wait3A_638 = arith.constant 0 : i32
      %dma_wait3A_639 = arith.constant 0 : i32
      %dma_wait3A_640 = tpu.memref_slice %arg27[%dma_wait3A_638, %dma_wait3A_639] : memref<10112x128xf32, #tpu.memory_space<vmem_shared>> -> memref<10112x128xf32, #tpu.memory_space<vmem_shared>>
      tpu.wait_indirect_dma semaphore(%arg21 : memref<!tpu.dma_semaphore, #tpu.memory_space<semaphore_mem>>) src(%arg13 : memref<88x128xf32, #tpu.memory_space<vmem>>) dst(%dma_wait3A_640 : memref<10112x128xf32, #tpu.memory_space<vmem_shared>>)
      %dma_wait3A_641 = arith.constant 3 : i32
      %dma_wait3A_642 = arith.constant 0 : i32
      %dma_wait3A_643 = tpu.memref_slice %arg10[%dma_wait3A_641, %dma_wait3A_642] : memref<6x88xi32, #tpu.memory_space<vmem>> -> memref<1x88xi32, #tpu.memory_space<vmem>>
      %dma_wait3A_644 = tpu.memref_squeeze %dma_wait3A_643 : memref<1x88xi32, #tpu.memory_space<vmem>> -> memref<88xi32, #tpu.memory_space<vmem>>
      %dma_wait3A_645 = arith.constant 0 : i32
      %dma_wait3A_646 = arith.constant 0 : i32
      %dma_wait3A_647 = tpu.memref_slice %arg27[%dma_wait3A_645, %dma_wait3A_646] : memref<10112x128xf32, #tpu.memory_space<vmem_shared>> -> memref<10112x128xf32, #tpu.memory_space<vmem_shared>>
      tpu.wait_indirect_dma semaphore(%arg22 : memref<!tpu.dma_semaphore, #tpu.memory_space<semaphore_mem>>) src(%arg14 : memref<88x128xf32, #tpu.memory_space<vmem>>) dst(%dma_wait3A_647 : memref<10112x128xf32, #tpu.memory_space<vmem_shared>>)
      %dma_wait3A_648 = arith.constant 4 : i32
      %dma_wait3A_649 = arith.constant 0 : i32
      %dma_wait3A_650 = tpu.memref_slice %arg10[%dma_wait3A_648, %dma_wait3A_649] : memref<6x88xi32, #tpu.memory_space<vmem>> -> memref<1x88xi32, #tpu.memory_space<vmem>>
      %dma_wait3A_651 = tpu.memref_squeeze %dma_wait3A_650 : memref<1x88xi32, #tpu.memory_space<vmem>> -> memref<88xi32, #tpu.memory_space<vmem>>
      %dma_wait3A_652 = arith.constant 0 : i32
      %dma_wait3A_653 = arith.constant 0 : i32
      %dma_wait3A_654 = tpu.memref_slice %arg27[%dma_wait3A_652, %dma_wait3A_653] : memref<10112x128xf32, #tpu.memory_space<vmem_shared>> -> memref<10112x128xf32, #tpu.memory_space<vmem_shared>>
      tpu.wait_indirect_dma semaphore(%arg19 : memref<!tpu.dma_semaphore, #tpu.memory_space<semaphore_mem>>) src(%arg11 : memref<88x128xf32, #tpu.memory_space<vmem>>) dst(%dma_wait3A_654 : memref<10112x128xf32, #tpu.memory_space<vmem_shared>>)
      %dma_wait3A_655 = arith.constant 5 : i32
      %dma_wait3A_656 = arith.constant 0 : i32
      %dma_wait3A_657 = tpu.memref_slice %arg10[%dma_wait3A_655, %dma_wait3A_656] : memref<6x88xi32, #tpu.memory_space<vmem>> -> memref<1x88xi32, #tpu.memory_space<vmem>>
      %dma_wait3A_658 = tpu.memref_squeeze %dma_wait3A_657 : memref<1x88xi32, #tpu.memory_space<vmem>> -> memref<88xi32, #tpu.memory_space<vmem>>
      %dma_wait3A_659 = arith.constant 0 : i32
      %dma_wait3A_660 = arith.constant 0 : i32
      %dma_wait3A_661 = tpu.memref_slice %arg27[%dma_wait3A_659, %dma_wait3A_660] : memref<10112x128xf32, #tpu.memory_space<vmem_shared>> -> memref<10112x128xf32, #tpu.memory_space<vmem_shared>>
      tpu.wait_indirect_dma semaphore(%arg20 : memref<!tpu.dma_semaphore, #tpu.memory_space<semaphore_mem>>) src(%arg12 : memref<88x128xf32, #tpu.memory_space<vmem>>) dst(%dma_wait3A_661 : memref<10112x128xf32, #tpu.memory_space<vmem_shared>>)
    }
    %scan3A_30 = arith.constant 9 : i32
    %mul3A_31 = arith.constant 19 : i32
    %mul3A_32 = arith.muli %add3A, %mul3A_31 : i32
    %add3A_33 = arith.constant 18 : i32
    %add3A_34 = arith.addi %mul3A_32, %add3A_33 : i32
    %dma_wait3A = arith.constant 0 : i32
    %dma_wait3A_35 = arith.constant 0 : i32
    %dma_wait3A_36 = tpu.memref_slice %arg3[%add3A_34, %dma_wait3A, %dma_wait3A_35] : memref<608x6x88xi32, #tpu.memory_space<hbm>> -> memref<1x6x88xi32, #tpu.memory_space<hbm>>
    %dma_wait3A_37 = tpu.memref_squeeze %dma_wait3A_36 : memref<1x6x88xi32, #tpu.memory_space<hbm>> -> memref<6x88xi32, #tpu.memory_space<hbm>>
    %dma_wait3A_38 = arith.constant 0 : i32
    %dma_wait3A_39 = arith.constant 0 : i32
    %dma_wait3A_40 = tpu.memref_slice %arg3[%add3A_34, %dma_wait3A_38, %dma_wait3A_39] : memref<608x6x88xi32, #tpu.memory_space<hbm>> -> memref<1x6x88xi32, #tpu.memory_space<hbm>>
    %dma_wait3A_41 = tpu.memref_squeeze %dma_wait3A_40 : memref<1x6x88xi32, #tpu.memory_space<hbm>> -> memref<6x88xi32, #tpu.memory_space<hbm>>
    tpu.wait_dma2 semaphore(%arg23 : memref<!tpu.dma_semaphore, #tpu.memory_space<semaphore_mem>>) src(%dma_wait3A_41 : memref<6x88xi32, #tpu.memory_space<hbm>>) dst(%arg7 : memref<6x88xi32, #tpu.memory_space<vmem>>)
    %mul3A_42 = arith.constant 19 : i32
    %mul3A_43 = arith.muli %add3A, %mul3A_42 : i32
    %add3A_44 = arith.constant 18 : i32
    %add3A_45 = arith.addi %mul3A_43, %add3A_44 : i32
    %dma_wait3A_46 = arith.constant 0 : i32
    %dma_wait3A_47 = arith.constant 0 : i32
    %dma_wait3A_48 = tpu.memref_slice %arg4[%add3A_45, %dma_wait3A_46, %dma_wait3A_47] : memref<608x6x88xi32, #tpu.memory_space<hbm>> -> memref<1x6x88xi32, #tpu.memory_space<hbm>>
    %dma_wait3A_49 = tpu.memref_squeeze %dma_wait3A_48 : memref<1x6x88xi32, #tpu.memory_space<hbm>> -> memref<6x88xi32, #tpu.memory_space<hbm>>
    %dma_wait3A_50 = arith.constant 0 : i32
    %dma_wait3A_51 = arith.constant 0 : i32
    %dma_wait3A_52 = tpu.memref_slice %arg4[%add3A_45, %dma_wait3A_50, %dma_wait3A_51] : memref<608x6x88xi32, #tpu.memory_space<hbm>> -> memref<1x6x88xi32, #tpu.memory_space<hbm>>
    %dma_wait3A_53 = tpu.memref_squeeze %dma_wait3A_52 : memref<1x6x88xi32, #tpu.memory_space<hbm>> -> memref<6x88xi32, #tpu.memory_space<hbm>>
    tpu.wait_dma2 semaphore(%arg25 : memref<!tpu.dma_semaphore, #tpu.memory_space<semaphore_mem>>) src(%dma_wait3A_53 : memref<6x88xi32, #tpu.memory_space<hbm>>) dst(%arg9 : memref<6x88xi32, #tpu.memory_space<vmem>>)
    %dma_start3A_54 = arith.constant 0 : i32
    %dma_start3A_55 = arith.constant 0 : i32
    %dma_start3A_56 = tpu.memref_slice %arg7[%dma_start3A_54, %dma_start3A_55] : memref<6x88xi32, #tpu.memory_space<vmem>> -> memref<1x88xi32, #tpu.memory_space<vmem>>
    %dma_start3A_57 = tpu.memref_squeeze %dma_start3A_56 : memref<1x88xi32, #tpu.memory_space<vmem>> -> memref<88xi32, #tpu.memory_space<vmem>>
    %dma_start3A_58 = arith.constant 0 : i32
    %dma_start3A_59 = arith.constant 0 : i32
    %dma_start3A_60 = tpu.memref_slice %arg2[%dma_start3A_58, %dma_start3A_59] : memref<10112x128xf32, #tpu.memory_space<hbm>> -> memref<10112x128xf32, #tpu.memory_space<hbm>>
    tpu.enqueue_indirect_dma source(%dma_start3A_60 : memref<10112x128xf32, #tpu.memory_space<hbm>>) target(%arg11 : memref<88x128xf32, #tpu.memory_space<vmem>>) offsets(%dma_start3A_57 : memref<88xi32, #tpu.memory_space<vmem>>) semaphore(%arg15 : memref<!tpu.dma_semaphore, #tpu.memory_space<semaphore_mem>>)
    %dma_start3A_61 = arith.constant 1 : i32
    %dma_start3A_62 = arith.constant 0 : i32
    %dma_start3A_63 = tpu.memref_slice %arg7[%dma_start3A_61, %dma_start3A_62] : memref<6x88xi32, #tpu.memory_space<vmem>> -> memref<1x88xi32, #tpu.memory_space<vmem>>
    %dma_start3A_64 = tpu.memref_squeeze %dma_start3A_63 : memref<1x88xi32, #tpu.memory_space<vmem>> -> memref<88xi32, #tpu.memory_space<vmem>>
    %dma_start3A_65 = arith.constant 0 : i32
    %dma_start3A_66 = arith.constant 0 : i32
    %dma_start3A_67 = tpu.memref_slice %arg2[%dma_start3A_65, %dma_start3A_66] : memref<10112x128xf32, #tpu.memory_space<hbm>> -> memref<10112x128xf32, #tpu.memory_space<hbm>>
    tpu.enqueue_indirect_dma source(%dma_start3A_67 : memref<10112x128xf32, #tpu.memory_space<hbm>>) target(%arg12 : memref<88x128xf32, #tpu.memory_space<vmem>>) offsets(%dma_start3A_64 : memref<88xi32, #tpu.memory_space<vmem>>) semaphore(%arg16 : memref<!tpu.dma_semaphore, #tpu.memory_space<semaphore_mem>>)
    %dma_wait3A_68 = arith.constant 0 : i32
    %dma_wait3A_69 = arith.constant 0 : i32
    %dma_wait3A_70 = tpu.memref_slice %arg7[%dma_wait3A_68, %dma_wait3A_69] : memref<6x88xi32, #tpu.memory_space<vmem>> -> memref<1x88xi32, #tpu.memory_space<vmem>>
    %dma_wait3A_71 = tpu.memref_squeeze %dma_wait3A_70 : memref<1x88xi32, #tpu.memory_space<vmem>> -> memref<88xi32, #tpu.memory_space<vmem>>
    %dma_wait3A_72 = arith.constant 0 : i32
    %dma_wait3A_73 = arith.constant 0 : i32
    %dma_wait3A_74 = tpu.memref_slice %arg2[%dma_wait3A_72, %dma_wait3A_73] : memref<10112x128xf32, #tpu.memory_space<hbm>> -> memref<10112x128xf32, #tpu.memory_space<hbm>>
    tpu.wait_indirect_dma semaphore(%arg15 : memref<!tpu.dma_semaphore, #tpu.memory_space<semaphore_mem>>) src(%dma_wait3A_74 : memref<10112x128xf32, #tpu.memory_space<hbm>>) dst(%arg11 : memref<88x128xf32, #tpu.memory_space<vmem>>)
    %dma_start3A_75 = arith.constant 0 : i32
    %dma_start3A_76 = arith.constant 0 : i32
    %dma_start3A_77 = tpu.memref_slice %arg9[%dma_start3A_75, %dma_start3A_76] : memref<6x88xi32, #tpu.memory_space<vmem>> -> memref<1x88xi32, #tpu.memory_space<vmem>>
    %dma_start3A_78 = tpu.memref_squeeze %dma_start3A_77 : memref<1x88xi32, #tpu.memory_space<vmem>> -> memref<88xi32, #tpu.memory_space<vmem>>
    %dma_start3A_79 = arith.constant 0 : i32
    %dma_start3A_80 = arith.constant 0 : i32
    %dma_start3A_81 = tpu.memref_slice %arg27[%dma_start3A_79, %dma_start3A_80] : memref<10112x128xf32, #tpu.memory_space<vmem_shared>> -> memref<10112x128xf32, #tpu.memory_space<vmem_shared>>
    tpu.enqueue_indirect_dma source(%arg11 : memref<88x128xf32, #tpu.memory_space<vmem>>) target(%dma_start3A_81 : memref<10112x128xf32, #tpu.memory_space<vmem_shared>>) offsets(%dma_start3A_78 : memref<88xi32, #tpu.memory_space<vmem>>) semaphore(%arg19 : memref<!tpu.dma_semaphore, #tpu.memory_space<semaphore_mem>>) {add = true}
    %dma_start3A_82 = arith.constant 2 : i32
    %dma_start3A_83 = arith.constant 0 : i32
    %dma_start3A_84 = tpu.memref_slice %arg7[%dma_start3A_82, %dma_start3A_83] : memref<6x88xi32, #tpu.memory_space<vmem>> -> memref<1x88xi32, #tpu.memory_space<vmem>>
    %dma_start3A_85 = tpu.memref_squeeze %dma_start3A_84 : memref<1x88xi32, #tpu.memory_space<vmem>> -> memref<88xi32, #tpu.memory_space<vmem>>
    %dma_start3A_86 = arith.constant 0 : i32
    %dma_start3A_87 = arith.constant 0 : i32
    %dma_start3A_88 = tpu.memref_slice %arg2[%dma_start3A_86, %dma_start3A_87] : memref<10112x128xf32, #tpu.memory_space<hbm>> -> memref<10112x128xf32, #tpu.memory_space<hbm>>
    tpu.enqueue_indirect_dma source(%dma_start3A_88 : memref<10112x128xf32, #tpu.memory_space<hbm>>) target(%arg13 : memref<88x128xf32, #tpu.memory_space<vmem>>) offsets(%dma_start3A_85 : memref<88xi32, #tpu.memory_space<vmem>>) semaphore(%arg17 : memref<!tpu.dma_semaphore, #tpu.memory_space<semaphore_mem>>)
    %dma_wait3A_89 = arith.constant 1 : i32
    %dma_wait3A_90 = arith.constant 0 : i32
    %dma_wait3A_91 = tpu.memref_slice %arg7[%dma_wait3A_89, %dma_wait3A_90] : memref<6x88xi32, #tpu.memory_space<vmem>> -> memref<1x88xi32, #tpu.memory_space<vmem>>
    %dma_wait3A_92 = tpu.memref_squeeze %dma_wait3A_91 : memref<1x88xi32, #tpu.memory_space<vmem>> -> memref<88xi32, #tpu.memory_space<vmem>>
    %dma_wait3A_93 = arith.constant 0 : i32
    %dma_wait3A_94 = arith.constant 0 : i32
    %dma_wait3A_95 = tpu.memref_slice %arg2[%dma_wait3A_93, %dma_wait3A_94] : memref<10112x128xf32, #tpu.memory_space<hbm>> -> memref<10112x128xf32, #tpu.memory_space<hbm>>
    tpu.wait_indirect_dma semaphore(%arg16 : memref<!tpu.dma_semaphore, #tpu.memory_space<semaphore_mem>>) src(%dma_wait3A_95 : memref<10112x128xf32, #tpu.memory_space<hbm>>) dst(%arg12 : memref<88x128xf32, #tpu.memory_space<vmem>>)
    %dma_start3A_96 = arith.constant 1 : i32
    %dma_start3A_97 = arith.constant 0 : i32
    %dma_start3A_98 = tpu.memref_slice %arg9[%dma_start3A_96, %dma_start3A_97] : memref<6x88xi32, #tpu.memory_space<vmem>> -> memref<1x88xi32, #tpu.memory_space<vmem>>
    %dma_start3A_99 = tpu.memref_squeeze %dma_start3A_98 : memref<1x88xi32, #tpu.memory_space<vmem>> -> memref<88xi32, #tpu.memory_space<vmem>>
    %dma_start3A_100 = arith.constant 0 : i32
    %dma_start3A_101 = arith.constant 0 : i32
    %dma_start3A_102 = tpu.memref_slice %arg27[%dma_start3A_100, %dma_start3A_101] : memref<10112x128xf32, #tpu.memory_space<vmem_shared>> -> memref<10112x128xf32, #tpu.memory_space<vmem_shared>>
    tpu.enqueue_indirect_dma source(%arg12 : memref<88x128xf32, #tpu.memory_space<vmem>>) target(%dma_start3A_102 : memref<10112x128xf32, #tpu.memory_space<vmem_shared>>) offsets(%dma_start3A_99 : memref<88xi32, #tpu.memory_space<vmem>>) semaphore(%arg20 : memref<!tpu.dma_semaphore, #tpu.memory_space<semaphore_mem>>) {add = true}
    %dma_start3A_103 = arith.constant 3 : i32
    %dma_start3A_104 = arith.constant 0 : i32
    %dma_start3A_105 = tpu.memref_slice %arg7[%dma_start3A_103, %dma_start3A_104] : memref<6x88xi32, #tpu.memory_space<vmem>> -> memref<1x88xi32, #tpu.memory_space<vmem>>
    %dma_start3A_106 = tpu.memref_squeeze %dma_start3A_105 : memref<1x88xi32, #tpu.memory_space<vmem>> -> memref<88xi32, #tpu.memory_space<vmem>>
    %dma_start3A_107 = arith.constant 0 : i32
    %dma_start3A_108 = arith.constant 0 : i32
    %dma_start3A_109 = tpu.memref_slice %arg2[%dma_start3A_107, %dma_start3A_108] : memref<10112x128xf32, #tpu.memory_space<hbm>> -> memref<10112x128xf32, #tpu.memory_space<hbm>>
    tpu.enqueue_indirect_dma source(%dma_start3A_109 : memref<10112x128xf32, #tpu.memory_space<hbm>>) target(%arg14 : memref<88x128xf32, #tpu.memory_space<vmem>>) offsets(%dma_start3A_106 : memref<88xi32, #tpu.memory_space<vmem>>) semaphore(%arg18 : memref<!tpu.dma_semaphore, #tpu.memory_space<semaphore_mem>>)
    %dma_wait3A_110 = arith.constant 2 : i32
    %dma_wait3A_111 = arith.constant 0 : i32
    %dma_wait3A_112 = tpu.memref_slice %arg7[%dma_wait3A_110, %dma_wait3A_111] : memref<6x88xi32, #tpu.memory_space<vmem>> -> memref<1x88xi32, #tpu.memory_space<vmem>>
    %dma_wait3A_113 = tpu.memref_squeeze %dma_wait3A_112 : memref<1x88xi32, #tpu.memory_space<vmem>> -> memref<88xi32, #tpu.memory_space<vmem>>
    %dma_wait3A_114 = arith.constant 0 : i32
    %dma_wait3A_115 = arith.constant 0 : i32
    %dma_wait3A_116 = tpu.memref_slice %arg2[%dma_wait3A_114, %dma_wait3A_115] : memref<10112x128xf32, #tpu.memory_space<hbm>> -> memref<10112x128xf32, #tpu.memory_space<hbm>>
    tpu.wait_indirect_dma semaphore(%arg17 : memref<!tpu.dma_semaphore, #tpu.memory_space<semaphore_mem>>) src(%dma_wait3A_116 : memref<10112x128xf32, #tpu.memory_space<hbm>>) dst(%arg13 : memref<88x128xf32, #tpu.memory_space<vmem>>)
    %dma_start3A_117 = arith.constant 2 : i32
    %dma_start3A_118 = arith.constant 0 : i32
    %dma_start3A_119 = tpu.memref_slice %arg9[%dma_start3A_117, %dma_start3A_118] : memref<6x88xi32, #tpu.memory_space<vmem>> -> memref<1x88xi32, #tpu.memory_space<vmem>>
    %dma_start3A_120 = tpu.memref_squeeze %dma_start3A_119 : memref<1x88xi32, #tpu.memory_space<vmem>> -> memref<88xi32, #tpu.memory_space<vmem>>
    %dma_start3A_121 = arith.constant 0 : i32
    %dma_start3A_122 = arith.constant 0 : i32
    %dma_start3A_123 = tpu.memref_slice %arg27[%dma_start3A_121, %dma_start3A_122] : memref<10112x128xf32, #tpu.memory_space<vmem_shared>> -> memref<10112x128xf32, #tpu.memory_space<vmem_shared>>
    tpu.enqueue_indirect_dma source(%arg13 : memref<88x128xf32, #tpu.memory_space<vmem>>) target(%dma_start3A_123 : memref<10112x128xf32, #tpu.memory_space<vmem_shared>>) offsets(%dma_start3A_120 : memref<88xi32, #tpu.memory_space<vmem>>) semaphore(%arg21 : memref<!tpu.dma_semaphore, #tpu.memory_space<semaphore_mem>>) {add = true}
    %dma_wait3A_124 = arith.constant 0 : i32
    %dma_wait3A_125 = arith.constant 0 : i32
    %dma_wait3A_126 = tpu.memref_slice %arg9[%dma_wait3A_124, %dma_wait3A_125] : memref<6x88xi32, #tpu.memory_space<vmem>> -> memref<1x88xi32, #tpu.memory_space<vmem>>
    %dma_wait3A_127 = tpu.memref_squeeze %dma_wait3A_126 : memref<1x88xi32, #tpu.memory_space<vmem>> -> memref<88xi32, #tpu.memory_space<vmem>>
    %dma_wait3A_128 = arith.constant 0 : i32
    %dma_wait3A_129 = arith.constant 0 : i32
    %dma_wait3A_130 = tpu.memref_slice %arg27[%dma_wait3A_128, %dma_wait3A_129] : memref<10112x128xf32, #tpu.memory_space<vmem_shared>> -> memref<10112x128xf32, #tpu.memory_space<vmem_shared>>
    tpu.wait_indirect_dma semaphore(%arg19 : memref<!tpu.dma_semaphore, #tpu.memory_space<semaphore_mem>>) src(%arg11 : memref<88x128xf32, #tpu.memory_space<vmem>>) dst(%dma_wait3A_130 : memref<10112x128xf32, #tpu.memory_space<vmem_shared>>)
    %dma_start3A_131 = arith.constant 4 : i32
    %dma_start3A_132 = arith.constant 0 : i32
    %dma_start3A_133 = tpu.memref_slice %arg7[%dma_start3A_131, %dma_start3A_132] : memref<6x88xi32, #tpu.memory_space<vmem>> -> memref<1x88xi32, #tpu.memory_space<vmem>>
    %dma_start3A_134 = tpu.memref_squeeze %dma_start3A_133 : memref<1x88xi32, #tpu.memory_space<vmem>> -> memref<88xi32, #tpu.memory_space<vmem>>
    %dma_start3A_135 = arith.constant 0 : i32
    %dma_start3A_136 = arith.constant 0 : i32
    %dma_start3A_137 = tpu.memref_slice %arg2[%dma_start3A_135, %dma_start3A_136] : memref<10112x128xf32, #tpu.memory_space<hbm>> -> memref<10112x128xf32, #tpu.memory_space<hbm>>
    tpu.enqueue_indirect_dma source(%dma_start3A_137 : memref<10112x128xf32, #tpu.memory_space<hbm>>) target(%arg11 : memref<88x128xf32, #tpu.memory_space<vmem>>) offsets(%dma_start3A_134 : memref<88xi32, #tpu.memory_space<vmem>>) semaphore(%arg15 : memref<!tpu.dma_semaphore, #tpu.memory_space<semaphore_mem>>)
    %dma_wait3A_138 = arith.constant 3 : i32
    %dma_wait3A_139 = arith.constant 0 : i32
    %dma_wait3A_140 = tpu.memref_slice %arg7[%dma_wait3A_138, %dma_wait3A_139] : memref<6x88xi32, #tpu.memory_space<vmem>> -> memref<1x88xi32, #tpu.memory_space<vmem>>
    %dma_wait3A_141 = tpu.memref_squeeze %dma_wait3A_140 : memref<1x88xi32, #tpu.memory_space<vmem>> -> memref<88xi32, #tpu.memory_space<vmem>>
    %dma_wait3A_142 = arith.constant 0 : i32
    %dma_wait3A_143 = arith.constant 0 : i32
    %dma_wait3A_144 = tpu.memref_slice %arg2[%dma_wait3A_142, %dma_wait3A_143] : memref<10112x128xf32, #tpu.memory_space<hbm>> -> memref<10112x128xf32, #tpu.memory_space<hbm>>
    tpu.wait_indirect_dma semaphore(%arg18 : memref<!tpu.dma_semaphore, #tpu.memory_space<semaphore_mem>>) src(%dma_wait3A_144 : memref<10112x128xf32, #tpu.memory_space<hbm>>) dst(%arg14 : memref<88x128xf32, #tpu.memory_space<vmem>>)
    %dma_start3A_145 = arith.constant 3 : i32
    %dma_start3A_146 = arith.constant 0 : i32
    %dma_start3A_147 = tpu.memref_slice %arg9[%dma_start3A_145, %dma_start3A_146] : memref<6x88xi32, #tpu.memory_space<vmem>> -> memref<1x88xi32, #tpu.memory_space<vmem>>
    %dma_start3A_148 = tpu.memref_squeeze %dma_start3A_147 : memref<1x88xi32, #tpu.memory_space<vmem>> -> memref<88xi32, #tpu.memory_space<vmem>>
    %dma_start3A_149 = arith.constant 0 : i32
    %dma_start3A_150 = arith.constant 0 : i32
    %dma_start3A_151 = tpu.memref_slice %arg27[%dma_start3A_149, %dma_start3A_150] : memref<10112x128xf32, #tpu.memory_space<vmem_shared>> -> memref<10112x128xf32, #tpu.memory_space<vmem_shared>>
    tpu.enqueue_indirect_dma source(%arg14 : memref<88x128xf32, #tpu.memory_space<vmem>>) target(%dma_start3A_151 : memref<10112x128xf32, #tpu.memory_space<vmem_shared>>) offsets(%dma_start3A_148 : memref<88xi32, #tpu.memory_space<vmem>>) semaphore(%arg22 : memref<!tpu.dma_semaphore, #tpu.memory_space<semaphore_mem>>) {add = true}
    %dma_wait3A_152 = arith.constant 1 : i32
    %dma_wait3A_153 = arith.constant 0 : i32
    %dma_wait3A_154 = tpu.memref_slice %arg9[%dma_wait3A_152, %dma_wait3A_153] : memref<6x88xi32, #tpu.memory_space<vmem>> -> memref<1x88xi32, #tpu.memory_space<vmem>>
    %dma_wait3A_155 = tpu.memref_squeeze %dma_wait3A_154 : memref<1x88xi32, #tpu.memory_space<vmem>> -> memref<88xi32, #tpu.memory_space<vmem>>
    %dma_wait3A_156 = arith.constant 0 : i32
    %dma_wait3A_157 = arith.constant 0 : i32
    %dma_wait3A_158 = tpu.memref_slice %arg27[%dma_wait3A_156, %dma_wait3A_157] : memref<10112x128xf32, #tpu.memory_space<vmem_shared>> -> memref<10112x128xf32, #tpu.memory_space<vmem_shared>>
    tpu.wait_indirect_dma semaphore(%arg20 : memref<!tpu.dma_semaphore, #tpu.memory_space<semaphore_mem>>) src(%arg12 : memref<88x128xf32, #tpu.memory_space<vmem>>) dst(%dma_wait3A_158 : memref<10112x128xf32, #tpu.memory_space<vmem_shared>>)
    %dma_start3A_159 = arith.constant 5 : i32
    %dma_start3A_160 = arith.constant 0 : i32
    %dma_start3A_161 = tpu.memref_slice %arg7[%dma_start3A_159, %dma_start3A_160] : memref<6x88xi32, #tpu.memory_space<vmem>> -> memref<1x88xi32, #tpu.memory_space<vmem>>
    %dma_start3A_162 = tpu.memref_squeeze %dma_start3A_161 : memref<1x88xi32, #tpu.memory_space<vmem>> -> memref<88xi32, #tpu.memory_space<vmem>>
    %dma_start3A_163 = arith.constant 0 : i32
    %dma_start3A_164 = arith.constant 0 : i32
    %dma_start3A_165 = tpu.memref_slice %arg2[%dma_start3A_163, %dma_start3A_164] : memref<10112x128xf32, #tpu.memory_space<hbm>> -> memref<10112x128xf32, #tpu.memory_space<hbm>>
    tpu.enqueue_indirect_dma source(%dma_start3A_165 : memref<10112x128xf32, #tpu.memory_space<hbm>>) target(%arg12 : memref<88x128xf32, #tpu.memory_space<vmem>>) offsets(%dma_start3A_162 : memref<88xi32, #tpu.memory_space<vmem>>) semaphore(%arg16 : memref<!tpu.dma_semaphore, #tpu.memory_space<semaphore_mem>>)
    %dma_wait3A_166 = arith.constant 4 : i32
    %dma_wait3A_167 = arith.constant 0 : i32
    %dma_wait3A_168 = tpu.memref_slice %arg7[%dma_wait3A_166, %dma_wait3A_167] : memref<6x88xi32, #tpu.memory_space<vmem>> -> memref<1x88xi32, #tpu.memory_space<vmem>>
    %dma_wait3A_169 = tpu.memref_squeeze %dma_wait3A_168 : memref<1x88xi32, #tpu.memory_space<vmem>> -> memref<88xi32, #tpu.memory_space<vmem>>
    %dma_wait3A_170 = arith.constant 0 : i32
    %dma_wait3A_171 = arith.constant 0 : i32
    %dma_wait3A_172 = tpu.memref_slice %arg2[%dma_wait3A_170, %dma_wait3A_171] : memref<10112x128xf32, #tpu.memory_space<hbm>> -> memref<10112x128xf32, #tpu.memory_space<hbm>>
    tpu.wait_indirect_dma semaphore(%arg15 : memref<!tpu.dma_semaphore, #tpu.memory_space<semaphore_mem>>) src(%dma_wait3A_172 : memref<10112x128xf32, #tpu.memory_space<hbm>>) dst(%arg11 : memref<88x128xf32, #tpu.memory_space<vmem>>)
    %dma_start3A_173 = arith.constant 4 : i32
    %dma_start3A_174 = arith.constant 0 : i32
    %dma_start3A_175 = tpu.memref_slice %arg9[%dma_start3A_173, %dma_start3A_174] : memref<6x88xi32, #tpu.memory_space<vmem>> -> memref<1x88xi32, #tpu.memory_space<vmem>>
    %dma_start3A_176 = tpu.memref_squeeze %dma_start3A_175 : memref<1x88xi32, #tpu.memory_space<vmem>> -> memref<88xi32, #tpu.memory_space<vmem>>
    %dma_start3A_177 = arith.constant 0 : i32
    %dma_start3A_178 = arith.constant 0 : i32
    %dma_start3A_179 = tpu.memref_slice %arg27[%dma_start3A_177, %dma_start3A_178] : memref<10112x128xf32, #tpu.memory_space<vmem_shared>> -> memref<10112x128xf32, #tpu.memory_space<vmem_shared>>
    tpu.enqueue_indirect_dma source(%arg11 : memref<88x128xf32, #tpu.memory_space<vmem>>) target(%dma_start3A_179 : memref<10112x128xf32, #tpu.memory_space<vmem_shared>>) offsets(%dma_start3A_176 : memref<88xi32, #tpu.memory_space<vmem>>) semaphore(%arg19 : memref<!tpu.dma_semaphore, #tpu.memory_space<semaphore_mem>>) {add = true}
    %dma_wait3A_180 = arith.constant 5 : i32
    %dma_wait3A_181 = arith.constant 0 : i32
    %dma_wait3A_182 = tpu.memref_slice %arg7[%dma_wait3A_180, %dma_wait3A_181] : memref<6x88xi32, #tpu.memory_space<vmem>> -> memref<1x88xi32, #tpu.memory_space<vmem>>
    %dma_wait3A_183 = tpu.memref_squeeze %dma_wait3A_182 : memref<1x88xi32, #tpu.memory_space<vmem>> -> memref<88xi32, #tpu.memory_space<vmem>>
    %dma_wait3A_184 = arith.constant 0 : i32
    %dma_wait3A_185 = arith.constant 0 : i32
    %dma_wait3A_186 = tpu.memref_slice %arg2[%dma_wait3A_184, %dma_wait3A_185] : memref<10112x128xf32, #tpu.memory_space<hbm>> -> memref<10112x128xf32, #tpu.memory_space<hbm>>
    tpu.wait_indirect_dma semaphore(%arg16 : memref<!tpu.dma_semaphore, #tpu.memory_space<semaphore_mem>>) src(%dma_wait3A_186 : memref<10112x128xf32, #tpu.memory_space<hbm>>) dst(%arg12 : memref<88x128xf32, #tpu.memory_space<vmem>>)
    %dma_start3A_187 = arith.constant 5 : i32
    %dma_start3A_188 = arith.constant 0 : i32
    %dma_start3A_189 = tpu.memref_slice %arg9[%dma_start3A_187, %dma_start3A_188] : memref<6x88xi32, #tpu.memory_space<vmem>> -> memref<1x88xi32, #tpu.memory_space<vmem>>
    %dma_start3A_190 = tpu.memref_squeeze %dma_start3A_189 : memref<1x88xi32, #tpu.memory_space<vmem>> -> memref<88xi32, #tpu.memory_space<vmem>>
    %dma_start3A_191 = arith.constant 0 : i32
    %dma_start3A_192 = arith.constant 0 : i32
    %dma_start3A_193 = tpu.memref_slice %arg27[%dma_start3A_191, %dma_start3A_192] : memref<10112x128xf32, #tpu.memory_space<vmem_shared>> -> memref<10112x128xf32, #tpu.memory_space<vmem_shared>>
    tpu.enqueue_indirect_dma source(%arg12 : memref<88x128xf32, #tpu.memory_space<vmem>>) target(%dma_start3A_193 : memref<10112x128xf32, #tpu.memory_space<vmem_shared>>) offsets(%dma_start3A_190 : memref<88xi32, #tpu.memory_space<vmem>>) semaphore(%arg20 : memref<!tpu.dma_semaphore, #tpu.memory_space<semaphore_mem>>) {add = true}
    %dma_wait3A_194 = arith.constant 2 : i32
    %dma_wait3A_195 = arith.constant 0 : i32
    %dma_wait3A_196 = tpu.memref_slice %arg9[%dma_wait3A_194, %dma_wait3A_195] : memref<6x88xi32, #tpu.memory_space<vmem>> -> memref<1x88xi32, #tpu.memory_space<vmem>>
    %dma_wait3A_197 = tpu.memref_squeeze %dma_wait3A_196 : memref<1x88xi32, #tpu.memory_space<vmem>> -> memref<88xi32, #tpu.memory_space<vmem>>
    %dma_wait3A_198 = arith.constant 0 : i32
    %dma_wait3A_199 = arith.constant 0 : i32
    %dma_wait3A_200 = tpu.memref_slice %arg27[%dma_wait3A_198, %dma_wait3A_199] : memref<10112x128xf32, #tpu.memory_space<vmem_shared>> -> memref<10112x128xf32, #tpu.memory_space<vmem_shared>>
    tpu.wait_indirect_dma semaphore(%arg21 : memref<!tpu.dma_semaphore, #tpu.memory_space<semaphore_mem>>) src(%arg13 : memref<88x128xf32, #tpu.memory_space<vmem>>) dst(%dma_wait3A_200 : memref<10112x128xf32, #tpu.memory_space<vmem_shared>>)
    %dma_wait3A_201 = arith.constant 3 : i32
    %dma_wait3A_202 = arith.constant 0 : i32
    %dma_wait3A_203 = tpu.memref_slice %arg9[%dma_wait3A_201, %dma_wait3A_202] : memref<6x88xi32, #tpu.memory_space<vmem>> -> memref<1x88xi32, #tpu.memory_space<vmem>>
    %dma_wait3A_204 = tpu.memref_squeeze %dma_wait3A_203 : memref<1x88xi32, #tpu.memory_space<vmem>> -> memref<88xi32, #tpu.memory_space<vmem>>
    %dma_wait3A_205 = arith.constant 0 : i32
    %dma_wait3A_206 = arith.constant 0 : i32
    %dma_wait3A_207 = tpu.memref_slice %arg27[%dma_wait3A_205, %dma_wait3A_206] : memref<10112x128xf32, #tpu.memory_space<vmem_shared>> -> memref<10112x128xf32, #tpu.memory_space<vmem_shared>>
    tpu.wait_indirect_dma semaphore(%arg22 : memref<!tpu.dma_semaphore, #tpu.memory_space<semaphore_mem>>) src(%arg14 : memref<88x128xf32, #tpu.memory_space<vmem>>) dst(%dma_wait3A_207 : memref<10112x128xf32, #tpu.memory_space<vmem_shared>>)
    %dma_wait3A_208 = arith.constant 4 : i32
    %dma_wait3A_209 = arith.constant 0 : i32
    %dma_wait3A_210 = tpu.memref_slice %arg9[%dma_wait3A_208, %dma_wait3A_209] : memref<6x88xi32, #tpu.memory_space<vmem>> -> memref<1x88xi32, #tpu.memory_space<vmem>>
    %dma_wait3A_211 = tpu.memref_squeeze %dma_wait3A_210 : memref<1x88xi32, #tpu.memory_space<vmem>> -> memref<88xi32, #tpu.memory_space<vmem>>
    %dma_wait3A_212 = arith.constant 0 : i32
    %dma_wait3A_213 = arith.constant 0 : i32
    %dma_wait3A_214 = tpu.memref_slice %arg27[%dma_wait3A_212, %dma_wait3A_213] : memref<10112x128xf32, #tpu.memory_space<vmem_shared>> -> memref<10112x128xf32, #tpu.memory_space<vmem_shared>>
    tpu.wait_indirect_dma semaphore(%arg19 : memref<!tpu.dma_semaphore, #tpu.memory_space<semaphore_mem>>) src(%arg11 : memref<88x128xf32, #tpu.memory_space<vmem>>) dst(%dma_wait3A_214 : memref<10112x128xf32, #tpu.memory_space<vmem_shared>>)
    %dma_wait3A_215 = arith.constant 5 : i32
    %dma_wait3A_216 = arith.constant 0 : i32
    %dma_wait3A_217 = tpu.memref_slice %arg9[%dma_wait3A_215, %dma_wait3A_216] : memref<6x88xi32, #tpu.memory_space<vmem>> -> memref<1x88xi32, #tpu.memory_space<vmem>>
    %dma_wait3A_218 = tpu.memref_squeeze %dma_wait3A_217 : memref<1x88xi32, #tpu.memory_space<vmem>> -> memref<88xi32, #tpu.memory_space<vmem>>
    %dma_wait3A_219 = arith.constant 0 : i32
    %dma_wait3A_220 = arith.constant 0 : i32
    %dma_wait3A_221 = tpu.memref_slice %arg27[%dma_wait3A_219, %dma_wait3A_220] : memref<10112x128xf32, #tpu.memory_space<vmem_shared>> -> memref<10112x128xf32, #tpu.memory_space<vmem_shared>>
    tpu.wait_indirect_dma semaphore(%arg20 : memref<!tpu.dma_semaphore, #tpu.memory_space<semaphore_mem>>) src(%arg12 : memref<88x128xf32, #tpu.memory_space<vmem>>) dst(%dma_wait3A_221 : memref<10112x128xf32, #tpu.memory_space<vmem_shared>>)
    %barrier3A_222 = arith.constant 0 : index
    tpu.barrier barrier_id(%barrier3A_222)
    %mul3A_223 = arith.constant 632 : i32
    %mul3A_224 = arith.muli %arg1, %mul3A_223 : i32
    %mul3A_225 = arith.constant 632 : i32
    %mul3A_226 = arith.muli %arg1, %mul3A_225 : i32
    "tpu.region"() ({
      %run_scoped3A = tpu.sem_alloc : memref<!tpu.dma_semaphore, #tpu.memory_space<semaphore_mem>>
      %dma_start3A_227 = arith.constant 0 : i32
      %dma_start3A_228 = tpu.memref_slice %arg6[%arg0, %mul3A_226, %dma_start3A_227] : memref<2x10112x128xf32, #tpu.memory_space<hbm>> -> memref<1x632x128xf32, #tpu.memory_space<hbm>>
      %dma_start3A_229 = tpu.memref_squeeze %dma_start3A_228 : memref<1x632x128xf32, #tpu.memory_space<hbm>> -> memref<632x128xf32, #tpu.memory_space<hbm>>
      %dma_start3A_230 = arith.constant 0 : i32
      %dma_start3A_231 = tpu.memref_slice %arg27[%mul3A_224, %dma_start3A_230] : memref<10112x128xf32, #tpu.memory_space<vmem_shared>> -> memref<632x128xf32, #tpu.memory_space<vmem_shared>>
      tpu.enqueue_dma source(%dma_start3A_231 : memref<632x128xf32, #tpu.memory_space<vmem_shared>>) target(%dma_start3A_229 : memref<632x128xf32, #tpu.memory_space<hbm>>) target_semaphore(%run_scoped3A : memref<!tpu.dma_semaphore, #tpu.memory_space<semaphore_mem>>)
      %dma_wait3A_232 = arith.constant 0 : i32
      %dma_wait3A_233 = tpu.memref_slice %arg6[%arg0, %mul3A_226, %dma_wait3A_232] : memref<2x10112x128xf32, #tpu.memory_space<hbm>> -> memref<1x632x128xf32, #tpu.memory_space<hbm>>
      %dma_wait3A_234 = tpu.memref_squeeze %dma_wait3A_233 : memref<1x632x128xf32, #tpu.memory_space<hbm>> -> memref<632x128xf32, #tpu.memory_space<hbm>>
      %dma_wait3A_235 = arith.constant 0 : i32
      %dma_wait3A_236 = tpu.memref_slice %arg27[%mul3A_224, %dma_wait3A_235] : memref<10112x128xf32, #tpu.memory_space<vmem_shared>> -> memref<632x128xf32, #tpu.memory_space<vmem_shared>>
      tpu.wait_dma2 semaphore(%run_scoped3A : memref<!tpu.dma_semaphore, #tpu.memory_space<semaphore_mem>>) src(%dma_wait3A_236 : memref<632x128xf32, #tpu.memory_space<vmem_shared>>) dst(%dma_wait3A_234 : memref<632x128xf32, #tpu.memory_space<hbm>>)
      tpu.yield
    }) : () -> ()
    return
  }
}

#map = affine_map<(d0, d1) -> (0, 0)>
#map1 = affine_map<(d0, d1) -> (0, 0, 0)>
module attributes {stable_mosaic.version = 14 : i64} {
  func.func @_deg_kernel(%arg0: i32, %arg1: i32, %arg2: memref<32x10032xi32, #tpu.memory_space<hbm>>, %arg3: memref<632x128xf32, #tpu.memory_space<hbm>>, %arg4: memref<32x80x128xf32, #tpu.memory_space<hbm>>, %arg5: memref<10032xi32, #tpu.memory_space<vmem>>, %arg6: memref<80x128xf32, #tpu.memory_space<vmem>>) attributes {dimension_semantics = [#tpu.dimension_semantics<core_parallel>, #tpu.dimension_semantics<subcore_parallel>], iteration_bounds = array<i64: 2, 16>, scalar_prefetch = 0 : i64, scratch_operands = 2 : i64, tpu.core_type = #tpu.core_type<sc_vector_subcore>, window_params = [{transform_indices = #map}, {transform_indices = #map}, {transform_indices = #map1}]} {
    %mul3A = arith.constant 16 : i32
    %mul3A_0 = arith.muli %arg0, %mul3A : i32
    %add3A = arith.addi %mul3A_0, %arg1 : i32
    "tpu.region"() ({
      %run_scoped3A = tpu.sem_alloc : memref<!tpu.dma_semaphore, #tpu.memory_space<semaphore_mem>>
      %dma_start3A = arith.constant 0 : i32
      %dma_start3A_7 = tpu.memref_slice %arg2[%add3A, %dma_start3A] : memref<32x10032xi32, #tpu.memory_space<hbm>> -> memref<1x10032xi32, #tpu.memory_space<hbm>>
      %dma_start3A_8 = tpu.memref_squeeze %dma_start3A_7 : memref<1x10032xi32, #tpu.memory_space<hbm>> -> memref<10032xi32, #tpu.memory_space<hbm>>
      %dma_start3A_9 = arith.constant 0 : i32
      %dma_start3A_10 = tpu.memref_slice %arg2[%add3A, %dma_start3A_9] : memref<32x10032xi32, #tpu.memory_space<hbm>> -> memref<1x10032xi32, #tpu.memory_space<hbm>>
      %dma_start3A_11 = tpu.memref_squeeze %dma_start3A_10 : memref<1x10032xi32, #tpu.memory_space<hbm>> -> memref<10032xi32, #tpu.memory_space<hbm>>
      tpu.enqueue_dma source(%dma_start3A_11 : memref<10032xi32, #tpu.memory_space<hbm>>) target(%arg5 : memref<10032xi32, #tpu.memory_space<vmem>>) target_semaphore(%run_scoped3A : memref<!tpu.dma_semaphore, #tpu.memory_space<semaphore_mem>>)
      %dma_wait3A = arith.constant 0 : i32
      %dma_wait3A_12 = tpu.memref_slice %arg2[%add3A, %dma_wait3A] : memref<32x10032xi32, #tpu.memory_space<hbm>> -> memref<1x10032xi32, #tpu.memory_space<hbm>>
      %dma_wait3A_13 = tpu.memref_squeeze %dma_wait3A_12 : memref<1x10032xi32, #tpu.memory_space<hbm>> -> memref<10032xi32, #tpu.memory_space<hbm>>
      %dma_wait3A_14 = arith.constant 0 : i32
      %dma_wait3A_15 = tpu.memref_slice %arg2[%add3A, %dma_wait3A_14] : memref<32x10032xi32, #tpu.memory_space<hbm>> -> memref<1x10032xi32, #tpu.memory_space<hbm>>
      %dma_wait3A_16 = tpu.memref_squeeze %dma_wait3A_15 : memref<1x10032xi32, #tpu.memory_space<hbm>> -> memref<10032xi32, #tpu.memory_space<hbm>>
      tpu.wait_dma2 semaphore(%run_scoped3A : memref<!tpu.dma_semaphore, #tpu.memory_space<semaphore_mem>>) src(%dma_wait3A_16 : memref<10032xi32, #tpu.memory_space<hbm>>) dst(%arg5 : memref<10032xi32, #tpu.memory_space<vmem>>)
      tpu.yield
    }) : () -> ()
    "tpu.region"() ({
      %run_scoped3A = tpu.sem_alloc : memref<!tpu.dma_semaphore, #tpu.memory_space<semaphore_mem>>
      %dma_start3A = arith.constant 0 : i32
      %dma_start3A_7 = arith.constant 0 : i32
      %dma_start3A_8 = tpu.memref_slice %arg3[%dma_start3A, %dma_start3A_7] : memref<632x128xf32, #tpu.memory_space<hbm>> -> memref<80x128xf32, #tpu.memory_space<hbm>>
      %dma_start3A_9 = arith.constant 0 : i32
      %dma_start3A_10 = arith.constant 0 : i32
      %dma_start3A_11 = tpu.memref_slice %arg3[%dma_start3A_9, %dma_start3A_10] : memref<632x128xf32, #tpu.memory_space<hbm>> -> memref<80x128xf32, #tpu.memory_space<hbm>>
      tpu.enqueue_dma source(%dma_start3A_11 : memref<80x128xf32, #tpu.memory_space<hbm>>) target(%arg6 : memref<80x128xf32, #tpu.memory_space<vmem>>) target_semaphore(%run_scoped3A : memref<!tpu.dma_semaphore, #tpu.memory_space<semaphore_mem>>)
      %dma_wait3A = arith.constant 0 : i32
      %dma_wait3A_12 = arith.constant 0 : i32
      %dma_wait3A_13 = tpu.memref_slice %arg3[%dma_wait3A, %dma_wait3A_12] : memref<632x128xf32, #tpu.memory_space<hbm>> -> memref<80x128xf32, #tpu.memory_space<hbm>>
      %dma_wait3A_14 = arith.constant 0 : i32
      %dma_wait3A_15 = arith.constant 0 : i32
      %dma_wait3A_16 = tpu.memref_slice %arg3[%dma_wait3A_14, %dma_wait3A_15] : memref<632x128xf32, #tpu.memory_space<hbm>> -> memref<80x128xf32, #tpu.memory_space<hbm>>
      tpu.wait_dma2 semaphore(%run_scoped3A : memref<!tpu.dma_semaphore, #tpu.memory_space<semaphore_mem>>) src(%dma_wait3A_16 : memref<80x128xf32, #tpu.memory_space<hbm>>) dst(%arg6 : memref<80x128xf32, #tpu.memory_space<vmem>>)
      tpu.yield
    }) : () -> ()
    %broadcast_in_dim3A = arith.constant 1.000000e+00 : f32
    %broadcast_in_dim3A_1 = vector.broadcast %broadcast_in_dim3A : f32 to vector<16xf32>
    %scan3A = arith.constant 0 : i32
    %scan3A_2 = arith.constant 0 : i32
    %scan3A_3 = arith.constant 627 : i32
    %scan3A_4 = arith.addi %scan3A_2, %scan3A_3 : i32
    %scan3A_5 = arith.constant 1 : i32
    scf.for %scan3A_7 = %scan3A_2 to %scan3A_4 step %scan3A_5  : i32 {
      %mul3A_8 = arith.constant 16 : i32
      %mul3A_9 = arith.muli %scan3A_7, %mul3A_8 : i32
      %get3A = arith.index_cast %mul3A_9 : i32 to index
      %get3A_10 = tpu.vector_load %arg5[%get3A] {strides = array<i32>} : memref<10032xi32, #tpu.memory_space<vmem>>, vector<16xi32>,
      %shift_right_arithmetic3A = arith.constant 7 : i32
      %shift_right_arithmetic3A_11 = vector.broadcast %shift_right_arithmetic3A : i32 to vector<16xi32>
      %shift_right_arithmetic3A_12 = arith.shrsi %get3A_10, %shift_right_arithmetic3A_11 : vector<16xi32>
      %and3A = arith.constant 127 : i32
      %and3A_13 = vector.broadcast %and3A : i32 to vector<16xi32>
      %and3A_14 = arith.andi %get3A_10, %and3A_13 : vector<16xi32>
      tpu.vector_store_idx %arg6[%shift_right_arithmetic3A_12, %and3A_14], %broadcast_in_dim3A_1 {add = true} : memref<80x128xf32, #tpu.memory_space<vmem>>[vector<16xi32>, vector<16xi32>], vector<16xf32>,
    }
    %scan3A_6 = arith.constant 627 : i32
    "tpu.region"() ({
      %run_scoped3A = tpu.sem_alloc : memref<!tpu.dma_semaphore, #tpu.memory_space<semaphore_mem>>
      %dma_start3A = arith.constant 0 : i32
      %dma_start3A_7 = arith.constant 0 : i32
      %dma_start3A_8 = tpu.memref_slice %arg4[%add3A, %dma_start3A, %dma_start3A_7] : memref<32x80x128xf32, #tpu.memory_space<hbm>> -> memref<1x80x128xf32, #tpu.memory_space<hbm>>
      %dma_start3A_9 = tpu.memref_squeeze %dma_start3A_8 : memref<1x80x128xf32, #tpu.memory_space<hbm>> -> memref<80x128xf32, #tpu.memory_space<hbm>>
      %dma_start3A_10 = arith.constant 0 : i32
      %dma_start3A_11 = arith.constant 0 : i32
      %dma_start3A_12 = tpu.memref_slice %arg4[%add3A, %dma_start3A_10, %dma_start3A_11] : memref<32x80x128xf32, #tpu.memory_space<hbm>> -> memref<1x80x128xf32, #tpu.memory_space<hbm>>
      %dma_start3A_13 = tpu.memref_squeeze %dma_start3A_12 : memref<1x80x128xf32, #tpu.memory_space<hbm>> -> memref<80x128xf32, #tpu.memory_space<hbm>>
      tpu.enqueue_dma source(%arg6 : memref<80x128xf32, #tpu.memory_space<vmem>>) target(%dma_start3A_13 : memref<80x128xf32, #tpu.memory_space<hbm>>) target_semaphore(%run_scoped3A : memref<!tpu.dma_semaphore, #tpu.memory_space<semaphore_mem>>)
      %dma_wait3A = arith.constant 0 : i32
      %dma_wait3A_14 = arith.constant 0 : i32
      %dma_wait3A_15 = tpu.memref_slice %arg4[%add3A, %dma_wait3A, %dma_wait3A_14] : memref<32x80x128xf32, #tpu.memory_space<hbm>> -> memref<1x80x128xf32, #tpu.memory_space<hbm>>
      %dma_wait3A_16 = tpu.memref_squeeze %dma_wait3A_15 : memref<1x80x128xf32, #tpu.memory_space<hbm>> -> memref<80x128xf32, #tpu.memory_space<hbm>>
      %dma_wait3A_17 = arith.constant 0 : i32
      %dma_wait3A_18 = arith.constant 0 : i32
      %dma_wait3A_19 = tpu.memref_slice %arg4[%add3A, %dma_wait3A_17, %dma_wait3A_18] : memref<32x80x128xf32, #tpu.memory_space<hbm>> -> memref<1x80x128xf32, #tpu.memory_space<hbm>>
      %dma_wait3A_20 = tpu.memref_squeeze %dma_wait3A_19 : memref<1x80x128xf32, #tpu.memory_space<hbm>> -> memref<80x128xf32, #tpu.memory_space<hbm>>
      tpu.wait_dma2 semaphore(%run_scoped3A : memref<!tpu.dma_semaphore, #tpu.memory_space<semaphore_mem>>) src(%arg6 : memref<80x128xf32, #tpu.memory_space<vmem>>) dst(%dma_wait3A_20 : memref<80x128xf32, #tpu.memory_space<hbm>>)
      tpu.yield
    }) : () -> ()
    return
  }
}

#map = affine_map<(d0, d1) -> (0, 0)>
#map1 = affine_map<(d0, d1) -> (0, 0, 0)>
module attributes {stable_mosaic.version = 14 : i64} {
  func.func @_prop_kernel(%arg0: i32, %arg1: i32, %arg2: memref<10112x128xf32, #tpu.memory_space<hbm>>, %arg3: memref<608x6x88xi32, #tpu.memory_space<hbm>>, %arg4: memref<608x6x88xi32, #tpu.memory_space<hbm>>, %arg5: memref<632x128xf32, #tpu.memory_space<hbm>>, %arg6: memref<2x10112x128xf32, #tpu.memory_space<hbm>>, %arg7: memref<6x88xi32, #tpu.memory_space<vmem>>, %arg8: memref<6x88xi32, #tpu.memory_space<vmem>>, %arg9: memref<6x88xi32, #tpu.memory_space<vmem>>, %arg10: memref<6x88xi32, #tpu.memory_space<vmem>>, %arg11: memref<88x128xf32, #tpu.memory_space<vmem>>, %arg12: memref<88x128xf32, #tpu.memory_space<vmem>>, %arg13: memref<88x128xf32, #tpu.memory_space<vmem>>, %arg14: memref<88x128xf32, #tpu.memory_space<vmem>>, %arg15: memref<!tpu.dma_semaphore, #tpu.memory_space<semaphore_mem>>, %arg16: memref<!tpu.dma_semaphore, #tpu.memory_space<semaphore_mem>>, %arg17: memref<!tpu.dma_semaphore, #tpu.memory_space<semaphore_mem>>, %arg18: memref<!tpu.dma_semaphore, #tpu.memory_space<semaphore_mem>>, %arg19: memref<!tpu.dma_semaphore, #tpu.memory_space<semaphore_mem>>, %arg20: memref<!tpu.dma_semaphore, #tpu.memory_space<semaphore_mem>>, %arg21: memref<!tpu.dma_semaphore, #tpu.memory_space<semaphore_mem>>, %arg22: memref<!tpu.dma_semaphore, #tpu.memory_space<semaphore_mem>>, %arg23: memref<!tpu.dma_semaphore, #tpu.memory_space<semaphore_mem>>, %arg24: memref<!tpu.dma_semaphore, #tpu.memory_space<semaphore_mem>>, %arg25: memref<!tpu.dma_semaphore, #tpu.memory_space<semaphore_mem>>, %arg26: memref<!tpu.dma_semaphore, #tpu.memory_space<semaphore_mem>>, %arg27: memref<10112x128xf32, #tpu.memory_space<vmem_shared>>) attributes {dimension_semantics = [#tpu.dimension_semantics<core_parallel>, #tpu.dimension_semantics<subcore_parallel>], iteration_bounds = array<i64: 2, 16>, scalar_prefetch = 0 : i64, scratch_operands = 21 : i64, tpu.core_type = #tpu.core_type<sc_vector_subcore>, window_params = [{transform_indices = #map}, {transform_indices = #map1}, {transform_indices = #map1}, {transform_indices = #map}, {transform_indices = #map1}]} {
    %mul3A = arith.constant 16 : i32
    %mul3A_0 = arith.muli %arg0, %mul3A : i32
    %add3A = arith.addi %mul3A_0, %arg1 : i32
    %mul3A_1 = arith.constant 19 : i32
    %mul3A_2 = arith.muli %add3A, %mul3A_1 : i32
    %add3A_3 = arith.constant 0 : i32
    %add3A_4 = arith.addi %mul3A_2, %add3A_3 : i32
    %dma_start3A = arith.constant 0 : i32
    %dma_start3A_5 = arith.constant 0 : i32
    %dma_start3A_6 = tpu.memref_slice %arg3[%add3A_4, %dma_start3A, %dma_start3A_5] : memref<608x6x88xi32, #tpu.memory_space<hbm>> -> memref<1x6x88xi32, #tpu.memory_space<hbm>>
    %dma_start3A_7 = tpu.memref_squeeze %dma_start3A_6 : memref<1x6x88xi32, #tpu.memory_space<hbm>> -> memref<6x88xi32, #tpu.memory_space<hbm>>
    %dma_start3A_8 = arith.constant 0 : i32
    %dma_start3A_9 = arith.constant 0 : i32
    %dma_start3A_10 = tpu.memref_slice %arg3[%add3A_4, %dma_start3A_8, %dma_start3A_9] : memref<608x6x88xi32, #tpu.memory_space<hbm>> -> memref<1x6x88xi32, #tpu.memory_space<hbm>>
    %dma_start3A_11 = tpu.memref_squeeze %dma_start3A_10 : memref<1x6x88xi32, #tpu.memory_space<hbm>> -> memref<6x88xi32, #tpu.memory_space<hbm>>
    tpu.enqueue_dma source(%dma_start3A_11 : memref<6x88xi32, #tpu.memory_space<hbm>>) target(%arg7 : memref<6x88xi32, #tpu.memory_space<vmem>>) target_semaphore(%arg23 : memref<!tpu.dma_semaphore, #tpu.memory_space<semaphore_mem>>)
    %mul3A_12 = arith.constant 19 : i32
    %mul3A_13 = arith.muli %add3A, %mul3A_12 : i32
    %add3A_14 = arith.constant 0 : i32
    %add3A_15 = arith.addi %mul3A_13, %add3A_14 : i32
    %dma_start3A_16 = arith.constant 0 : i32
    %dma_start3A_17 = arith.constant 0 : i32
    %dma_start3A_18 = tpu.memref_slice %arg4[%add3A_15, %dma_start3A_16, %dma_start3A_17] : memref<608x6x88xi32, #tpu.memory_space<hbm>> -> memref<1x6x88xi32, #tpu.memory_space<hbm>>
    %dma_start3A_19 = tpu.memref_squeeze %dma_start3A_18 : memref<1x6x88xi32, #tpu.memory_space<hbm>> -> memref<6x88xi32, #tpu.memory_space<hbm>>
    %dma_start3A_20 = arith.constant 0 : i32
    %dma_start3A_21 = arith.constant 0 : i32
    %dma_start3A_22 = tpu.memref_slice %arg4[%add3A_15, %dma_start3A_20, %dma_start3A_21] : memref<608x6x88xi32, #tpu.memory_space<hbm>> -> memref<1x6x88xi32, #tpu.memory_space<hbm>>
    %dma_start3A_23 = tpu.memref_squeeze %dma_start3A_22 : memref<1x6x88xi32, #tpu.memory_space<hbm>> -> memref<6x88xi32, #tpu.memory_space<hbm>>
    tpu.enqueue_dma source(%dma_start3A_23 : memref<6x88xi32, #tpu.memory_space<hbm>>) target(%arg9 : memref<6x88xi32, #tpu.memory_space<vmem>>) target_semaphore(%arg25 : memref<!tpu.dma_semaphore, #tpu.memory_space<semaphore_mem>>)
    %mul3A_24 = arith.constant 632 : i32
    %mul3A_25 = arith.muli %arg1, %mul3A_24 : i32
    "tpu.region"() ({
      %run_scoped3A = tpu.sem_alloc : memref<!tpu.dma_semaphore, #tpu.memory_space<semaphore_mem>>
      %dma_start3A_227 = arith.constant 0 : i32
      %dma_start3A_228 = tpu.memref_slice %arg27[%mul3A_25, %dma_start3A_227] : memref<10112x128xf32, #tpu.memory_space<vmem_shared>> -> memref<632x128xf32, #tpu.memory_space<vmem_shared>>
      tpu.enqueue_dma source(%arg5 : memref<632x128xf32, #tpu.memory_space<hbm>>) target(%dma_start3A_228 : memref<632x128xf32, #tpu.memory_space<vmem_shared>>) target_semaphore(%run_scoped3A : memref<!tpu.dma_semaphore, #tpu.memory_space<semaphore_mem>>)
      %dma_wait3A_229 = arith.constant 0 : i32
      %dma_wait3A_230 = tpu.memref_slice %arg27[%mul3A_25, %dma_wait3A_229] : memref<10112x128xf32, #tpu.memory_space<vmem_shared>> -> memref<632x128xf32, #tpu.memory_space<vmem_shared>>
      tpu.wait_dma2 semaphore(%run_scoped3A : memref<!tpu.dma_semaphore, #tpu.memory_space<semaphore_mem>>) src(%arg5 : memref<632x128xf32, #tpu.memory_space<hbm>>) dst(%dma_wait3A_230 : memref<632x128xf32, #tpu.memory_space<vmem_shared>>)
      tpu.yield
    }) : () -> ()
    %barrier3A = arith.constant 0 : index
    tpu.barrier barrier_id(%barrier3A)
    %scan3A = arith.constant 0 : i32
    %scan3A_26 = arith.constant 0 : i32
    %scan3A_27 = arith.constant 9 : i32
    %scan3A_28 = arith.addi %scan3A_26, %scan3A_27 : i32
    %scan3A_29 = arith.constant 1 : i32
    scf.for %scan3A_227 = %scan3A_26 to %scan3A_28 step %scan3A_29  : i32 {
      %mul3A_228 = arith.constant 2 : i32
      %mul3A_229 = arith.muli %mul3A_228, %scan3A_227 : i32
      %mul3A_230 = arith.constant 19 : i32
      %mul3A_231 = arith.muli %add3A, %mul3A_230 : i32
      %add3A_232 = arith.addi %mul3A_231, %mul3A_229 : i32
      %dma_wait3A_233 = arith.constant 0 : i32
      %dma_wait3A_234 = arith.constant 0 : i32
      %dma_wait3A_235 = tpu.memref_slice %arg3[%add3A_232, %dma_wait3A_233, %dma_wait3A_234] : memref<608x6x88xi32, #tpu.memory_space<hbm>> -> memref<1x6x88xi32, #tpu.memory_space<hbm>>
      %dma_wait3A_236 = tpu.memref_squeeze %dma_wait3A_235 : memref<1x6x88xi32, #tpu.memory_space<hbm>> -> memref<6x88xi32, #tpu.memory_space<hbm>>
      %dma_wait3A_237 = arith.constant 0 : i32
      %dma_wait3A_238 = arith.constant 0 : i32
      %dma_wait3A_239 = tpu.memref_slice %arg3[%add3A_232, %dma_wait3A_237, %dma_wait3A_238] : memref<608x6x88xi32, #tpu.memory_space<hbm>> -> memref<1x6x88xi32, #tpu.memory_space<hbm>>
      %dma_wait3A_240 = tpu.memref_squeeze %dma_wait3A_239 : memref<1x6x88xi32, #tpu.memory_space<hbm>> -> memref<6x88xi32, #tpu.memory_space<hbm>>
      tpu.wait_dma2 semaphore(%arg23 : memref<!tpu.dma_semaphore, #tpu.memory_space<semaphore_mem>>) src(%dma_wait3A_240 : memref<6x88xi32, #tpu.memory_space<hbm>>) dst(%arg7 : memref<6x88xi32, #tpu.memory_space<vmem>>)
      %mul3A_241 = arith.constant 19 : i32
      %mul3A_242 = arith.muli %add3A, %mul3A_241 : i32
      %add3A_243 = arith.addi %mul3A_242, %mul3A_229 : i32
      %dma_wait3A_244 = arith.constant 0 : i32
      %dma_wait3A_245 = arith.constant 0 : i32
      %dma_wait3A_246 = tpu.memref_slice %arg4[%add3A_243, %dma_wait3A_244, %dma_wait3A_245] : memref<608x6x88xi32, #tpu.memory_space<hbm>> -> memref<1x6x88xi32, #tpu.memory_space<hbm>>
      %dma_wait3A_247 = tpu.memref_squeeze %dma_wait3A_246 : memref<1x6x88xi32, #tpu.memory_space<hbm>> -> memref<6x88xi32, #tpu.memory_space<hbm>>
      %dma_wait3A_248 = arith.constant 0 : i32
      %dma_wait3A_249 = arith.constant 0 : i32
      %dma_wait3A_250 = tpu.memref_slice %arg4[%add3A_243, %dma_wait3A_248, %dma_wait3A_249] : memref<608x6x88xi32, #tpu.memory_space<hbm>> -> memref<1x6x88xi32, #tpu.memory_space<hbm>>
      %dma_wait3A_251 = tpu.memref_squeeze %dma_wait3A_250 : memref<1x6x88xi32, #tpu.memory_space<hbm>> -> memref<6x88xi32, #tpu.memory_space<hbm>>
      tpu.wait_dma2 semaphore(%arg25 : memref<!tpu.dma_semaphore, #tpu.memory_space<semaphore_mem>>) src(%dma_wait3A_251 : memref<6x88xi32, #tpu.memory_space<hbm>>) dst(%arg9 : memref<6x88xi32, #tpu.memory_space<vmem>>)
      %add3A_252 = arith.constant 1 : i32
      %add3A_253 = arith.addi %mul3A_229, %add3A_252 : i32
      %mul3A_254 = arith.constant 19 : i32
      %mul3A_255 = arith.muli %add3A, %mul3A_254 : i32
      %add3A_256 = arith.addi %mul3A_255, %add3A_253 : i32
      %dma_start3A_257 = arith.constant 0 : i32
      %dma_start3A_258 = arith.constant 0 : i32
      %dma_start3A_259 = tpu.memref_slice %arg3[%add3A_256, %dma_start3A_257, %dma_start3A_258] : memref<608x6x88xi32, #tpu.memory_space<hbm>> -> memref<1x6x88xi32, #tpu.memory_space<hbm>>
      %dma_start3A_260 = tpu.memref_squeeze %dma_start3A_259 : memref<1x6x88xi32, #tpu.memory_space<hbm>> -> memref<6x88xi32, #tpu.memory_space<hbm>>
      %dma_start3A_261 = arith.constant 0 : i32
      %dma_start3A_262 = arith.constant 0 : i32
      %dma_start3A_263 = tpu.memref_slice %arg3[%add3A_256, %dma_start3A_261, %dma_start3A_262] : memref<608x6x88xi32, #tpu.memory_space<hbm>> -> memref<1x6x88xi32, #tpu.memory_space<hbm>>
      %dma_start3A_264 = tpu.memref_squeeze %dma_start3A_263 : memref<1x6x88xi32, #tpu.memory_space<hbm>> -> memref<6x88xi32, #tpu.memory_space<hbm>>
      tpu.enqueue_dma source(%dma_start3A_264 : memref<6x88xi32, #tpu.memory_space<hbm>>) target(%arg8 : memref<6x88xi32, #tpu.memory_space<vmem>>) target_semaphore(%arg24 : memref<!tpu.dma_semaphore, #tpu.memory_space<semaphore_mem>>)
      %mul3A_265 = arith.constant 19 : i32
      %mul3A_266 = arith.muli %add3A, %mul3A_265 : i32
      %add3A_267 = arith.addi %mul3A_266, %add3A_253 : i32
      %dma_start3A_268 = arith.constant 0 : i32
      %dma_start3A_269 = arith.constant 0 : i32
      %dma_start3A_270 = tpu.memref_slice %arg4[%add3A_267, %dma_start3A_268, %dma_start3A_269] : memref<608x6x88xi32, #tpu.memory_space<hbm>> -> memref<1x6x88xi32, #tpu.memory_space<hbm>>
      %dma_start3A_271 = tpu.memref_squeeze %dma_start3A_270 : memref<1x6x88xi32, #tpu.memory_space<hbm>> -> memref<6x88xi32, #tpu.memory_space<hbm>>
      %dma_start3A_272 = arith.constant 0 : i32
      %dma_start3A_273 = arith.constant 0 : i32
      %dma_start3A_274 = tpu.memref_slice %arg4[%add3A_267, %dma_start3A_272, %dma_start3A_273] : memref<608x6x88xi32, #tpu.memory_space<hbm>> -> memref<1x6x88xi32, #tpu.memory_space<hbm>>
      %dma_start3A_275 = tpu.memref_squeeze %dma_start3A_274 : memref<1x6x88xi32, #tpu.memory_space<hbm>> -> memref<6x88xi32, #tpu.memory_space<hbm>>
      tpu.enqueue_dma source(%dma_start3A_275 : memref<6x88xi32, #tpu.memory_space<hbm>>) target(%arg10 : memref<6x88xi32, #tpu.memory_space<vmem>>) target_semaphore(%arg26 : memref<!tpu.dma_semaphore, #tpu.memory_space<semaphore_mem>>)
      %dma_start3A_276 = arith.constant 0 : i32
      %dma_start3A_277 = arith.constant 0 : i32
      %dma_start3A_278 = tpu.memref_slice %arg7[%dma_start3A_276, %dma_start3A_277] : memref<6x88xi32, #tpu.memory_space<vmem>> -> memref<1x88xi32, #tpu.memory_space<vmem>>
      %dma_start3A_279 = tpu.memref_squeeze %dma_start3A_278 : memref<1x88xi32, #tpu.memory_space<vmem>> -> memref<88xi32, #tpu.memory_space<vmem>>
      %dma_start3A_280 = arith.constant 0 : i32
      %dma_start3A_281 = arith.constant 0 : i32
      %dma_start3A_282 = tpu.memref_slice %arg2[%dma_start3A_280, %dma_start3A_281] : memref<10112x128xf32, #tpu.memory_space<hbm>> -> memref<10112x128xf32, #tpu.memory_space<hbm>>
      tpu.enqueue_indirect_dma source(%dma_start3A_282 : memref<10112x128xf32, #tpu.memory_space<hbm>>) target(%arg11 : memref<88x128xf32, #tpu.memory_space<vmem>>) offsets(%dma_start3A_279 : memref<88xi32, #tpu.memory_space<vmem>>) semaphore(%arg15 : memref<!tpu.dma_semaphore, #tpu.memory_space<semaphore_mem>>)
      %dma_start3A_283 = arith.constant 1 : i32
      %dma_start3A_284 = arith.constant 0 : i32
      %dma_start3A_285 = tpu.memref_slice %arg7[%dma_start3A_283, %dma_start3A_284] : memref<6x88xi32, #tpu.memory_space<vmem>> -> memref<1x88xi32, #tpu.memory_space<vmem>>
      %dma_start3A_286 = tpu.memref_squeeze %dma_start3A_285 : memref<1x88xi32, #tpu.memory_space<vmem>> -> memref<88xi32, #tpu.memory_space<vmem>>
      %dma_start3A_287 = arith.constant 0 : i32
      %dma_start3A_288 = arith.constant 0 : i32
      %dma_start3A_289 = tpu.memref_slice %arg2[%dma_start3A_287, %dma_start3A_288] : memref<10112x128xf32, #tpu.memory_space<hbm>> -> memref<10112x128xf32, #tpu.memory_space<hbm>>
      tpu.enqueue_indirect_dma source(%dma_start3A_289 : memref<10112x128xf32, #tpu.memory_space<hbm>>) target(%arg12 : memref<88x128xf32, #tpu.memory_space<vmem>>) offsets(%dma_start3A_286 : memref<88xi32, #tpu.memory_space<vmem>>) semaphore(%arg16 : memref<!tpu.dma_semaphore, #tpu.memory_space<semaphore_mem>>)
      %dma_wait3A_290 = arith.constant 0 : i32
      %dma_wait3A_291 = arith.constant 0 : i32
      %dma_wait3A_292 = tpu.memref_slice %arg7[%dma_wait3A_290, %dma_wait3A_291] : memref<6x88xi32, #tpu.memory_space<vmem>> -> memref<1x88xi32, #tpu.memory_space<vmem>>
      %dma_wait3A_293 = tpu.memref_squeeze %dma_wait3A_292 : memref<1x88xi32, #tpu.memory_space<vmem>> -> memref<88xi32, #tpu.memory_space<vmem>>
      %dma_wait3A_294 = arith.constant 0 : i32
      %dma_wait3A_295 = arith.constant 0 : i32
      %dma_wait3A_296 = tpu.memref_slice %arg2[%dma_wait3A_294, %dma_wait3A_295] : memref<10112x128xf32, #tpu.memory_space<hbm>> -> memref<10112x128xf32, #tpu.memory_space<hbm>>
      tpu.wait_indirect_dma semaphore(%arg15 : memref<!tpu.dma_semaphore, #tpu.memory_space<semaphore_mem>>) src(%dma_wait3A_296 : memref<10112x128xf32, #tpu.memory_space<hbm>>) dst(%arg11 : memref<88x128xf32, #tpu.memory_space<vmem>>)
      %dma_start3A_297 = arith.constant 0 : i32
      %dma_start3A_298 = arith.constant 0 : i32
      %dma_start3A_299 = tpu.memref_slice %arg9[%dma_start3A_297, %dma_start3A_298] : memref<6x88xi32, #tpu.memory_space<vmem>> -> memref<1x88xi32, #tpu.memory_space<vmem>>
      %dma_start3A_300 = tpu.memref_squeeze %dma_start3A_299 : memref<1x88xi32, #tpu.memory_space<vmem>> -> memref<88xi32, #tpu.memory_space<vmem>>
      %dma_start3A_301 = arith.constant 0 : i32
      %dma_start3A_302 = arith.constant 0 : i32
      %dma_start3A_303 = tpu.memref_slice %arg27[%dma_start3A_301, %dma_start3A_302] : memref<10112x128xf32, #tpu.memory_space<vmem_shared>> -> memref<10112x128xf32, #tpu.memory_space<vmem_shared>>
      tpu.enqueue_indirect_dma source(%arg11 : memref<88x128xf32, #tpu.memory_space<vmem>>) target(%dma_start3A_303 : memref<10112x128xf32, #tpu.memory_space<vmem_shared>>) offsets(%dma_start3A_300 : memref<88xi32, #tpu.memory_space<vmem>>) semaphore(%arg19 : memref<!tpu.dma_semaphore, #tpu.memory_space<semaphore_mem>>) {add = true}
      %dma_start3A_304 = arith.constant 2 : i32
      %dma_start3A_305 = arith.constant 0 : i32
      %dma_start3A_306 = tpu.memref_slice %arg7[%dma_start3A_304, %dma_start3A_305] : memref<6x88xi32, #tpu.memory_space<vmem>> -> memref<1x88xi32, #tpu.memory_space<vmem>>
      %dma_start3A_307 = tpu.memref_squeeze %dma_start3A_306 : memref<1x88xi32, #tpu.memory_space<vmem>> -> memref<88xi32, #tpu.memory_space<vmem>>
      %dma_start3A_308 = arith.constant 0 : i32
      %dma_start3A_309 = arith.constant 0 : i32
      %dma_start3A_310 = tpu.memref_slice %arg2[%dma_start3A_308, %dma_start3A_309] : memref<10112x128xf32, #tpu.memory_space<hbm>> -> memref<10112x128xf32, #tpu.memory_space<hbm>>
      tpu.enqueue_indirect_dma source(%dma_start3A_310 : memref<10112x128xf32, #tpu.memory_space<hbm>>) target(%arg13 : memref<88x128xf32, #tpu.memory_space<vmem>>) offsets(%dma_start3A_307 : memref<88xi32, #tpu.memory_space<vmem>>) semaphore(%arg17 : memref<!tpu.dma_semaphore, #tpu.memory_space<semaphore_mem>>)
      %dma_wait3A_311 = arith.constant 1 : i32
      %dma_wait3A_312 = arith.constant 0 : i32
      %dma_wait3A_313 = tpu.memref_slice %arg7[%dma_wait3A_311, %dma_wait3A_312] : memref<6x88xi32, #tpu.memory_space<vmem>> -> memref<1x88xi32, #tpu.memory_space<vmem>>
      %dma_wait3A_314 = tpu.memref_squeeze %dma_wait3A_313 : memref<1x88xi32, #tpu.memory_space<vmem>> -> memref<88xi32, #tpu.memory_space<vmem>>
      %dma_wait3A_315 = arith.constant 0 : i32
      %dma_wait3A_316 = arith.constant 0 : i32
      %dma_wait3A_317 = tpu.memref_slice %arg2[%dma_wait3A_315, %dma_wait3A_316] : memref<10112x128xf32, #tpu.memory_space<hbm>> -> memref<10112x128xf32, #tpu.memory_space<hbm>>
      tpu.wait_indirect_dma semaphore(%arg16 : memref<!tpu.dma_semaphore, #tpu.memory_space<semaphore_mem>>) src(%dma_wait3A_317 : memref<10112x128xf32, #tpu.memory_space<hbm>>) dst(%arg12 : memref<88x128xf32, #tpu.memory_space<vmem>>)
      %dma_start3A_318 = arith.constant 1 : i32
      %dma_start3A_319 = arith.constant 0 : i32
      %dma_start3A_320 = tpu.memref_slice %arg9[%dma_start3A_318, %dma_start3A_319] : memref<6x88xi32, #tpu.memory_space<vmem>> -> memref<1x88xi32, #tpu.memory_space<vmem>>
      %dma_start3A_321 = tpu.memref_squeeze %dma_start3A_320 : memref<1x88xi32, #tpu.memory_space<vmem>> -> memref<88xi32, #tpu.memory_space<vmem>>
      %dma_start3A_322 = arith.constant 0 : i32
      %dma_start3A_323 = arith.constant 0 : i32
      %dma_start3A_324 = tpu.memref_slice %arg27[%dma_start3A_322, %dma_start3A_323] : memref<10112x128xf32, #tpu.memory_space<vmem_shared>> -> memref<10112x128xf32, #tpu.memory_space<vmem_shared>>
      tpu.enqueue_indirect_dma source(%arg12 : memref<88x128xf32, #tpu.memory_space<vmem>>) target(%dma_start3A_324 : memref<10112x128xf32, #tpu.memory_space<vmem_shared>>) offsets(%dma_start3A_321 : memref<88xi32, #tpu.memory_space<vmem>>) semaphore(%arg20 : memref<!tpu.dma_semaphore, #tpu.memory_space<semaphore_mem>>) {add = true}
      %dma_start3A_325 = arith.constant 3 : i32
      %dma_start3A_326 = arith.constant 0 : i32
      %dma_start3A_327 = tpu.memref_slice %arg7[%dma_start3A_325, %dma_start3A_326] : memref<6x88xi32, #tpu.memory_space<vmem>> -> memref<1x88xi32, #tpu.memory_space<vmem>>
      %dma_start3A_328 = tpu.memref_squeeze %dma_start3A_327 : memref<1x88xi32, #tpu.memory_space<vmem>> -> memref<88xi32, #tpu.memory_space<vmem>>
      %dma_start3A_329 = arith.constant 0 : i32
      %dma_start3A_330 = arith.constant 0 : i32
      %dma_start3A_331 = tpu.memref_slice %arg2[%dma_start3A_329, %dma_start3A_330] : memref<10112x128xf32, #tpu.memory_space<hbm>> -> memref<10112x128xf32, #tpu.memory_space<hbm>>
      tpu.enqueue_indirect_dma source(%dma_start3A_331 : memref<10112x128xf32, #tpu.memory_space<hbm>>) target(%arg14 : memref<88x128xf32, #tpu.memory_space<vmem>>) offsets(%dma_start3A_328 : memref<88xi32, #tpu.memory_space<vmem>>) semaphore(%arg18 : memref<!tpu.dma_semaphore, #tpu.memory_space<semaphore_mem>>)
      %dma_wait3A_332 = arith.constant 2 : i32
      %dma_wait3A_333 = arith.constant 0 : i32
      %dma_wait3A_334 = tpu.memref_slice %arg7[%dma_wait3A_332, %dma_wait3A_333] : memref<6x88xi32, #tpu.memory_space<vmem>> -> memref<1x88xi32, #tpu.memory_space<vmem>>
      %dma_wait3A_335 = tpu.memref_squeeze %dma_wait3A_334 : memref<1x88xi32, #tpu.memory_space<vmem>> -> memref<88xi32, #tpu.memory_space<vmem>>
      %dma_wait3A_336 = arith.constant 0 : i32
      %dma_wait3A_337 = arith.constant 0 : i32
      %dma_wait3A_338 = tpu.memref_slice %arg2[%dma_wait3A_336, %dma_wait3A_337] : memref<10112x128xf32, #tpu.memory_space<hbm>> -> memref<10112x128xf32, #tpu.memory_space<hbm>>
      tpu.wait_indirect_dma semaphore(%arg17 : memref<!tpu.dma_semaphore, #tpu.memory_space<semaphore_mem>>) src(%dma_wait3A_338 : memref<10112x128xf32, #tpu.memory_space<hbm>>) dst(%arg13 : memref<88x128xf32, #tpu.memory_space<vmem>>)
      %dma_start3A_339 = arith.constant 2 : i32
      %dma_start3A_340 = arith.constant 0 : i32
      %dma_start3A_341 = tpu.memref_slice %arg9[%dma_start3A_339, %dma_start3A_340] : memref<6x88xi32, #tpu.memory_space<vmem>> -> memref<1x88xi32, #tpu.memory_space<vmem>>
      %dma_start3A_342 = tpu.memref_squeeze %dma_start3A_341 : memref<1x88xi32, #tpu.memory_space<vmem>> -> memref<88xi32, #tpu.memory_space<vmem>>
      %dma_start3A_343 = arith.constant 0 : i32
      %dma_start3A_344 = arith.constant 0 : i32
      %dma_start3A_345 = tpu.memref_slice %arg27[%dma_start3A_343, %dma_start3A_344] : memref<10112x128xf32, #tpu.memory_space<vmem_shared>> -> memref<10112x128xf32, #tpu.memory_space<vmem_shared>>
      tpu.enqueue_indirect_dma source(%arg13 : memref<88x128xf32, #tpu.memory_space<vmem>>) target(%dma_start3A_345 : memref<10112x128xf32, #tpu.memory_space<vmem_shared>>) offsets(%dma_start3A_342 : memref<88xi32, #tpu.memory_space<vmem>>) semaphore(%arg21 : memref<!tpu.dma_semaphore, #tpu.memory_space<semaphore_mem>>) {add = true}
      %dma_wait3A_346 = arith.constant 0 : i32
      %dma_wait3A_347 = arith.constant 0 : i32
      %dma_wait3A_348 = tpu.memref_slice %arg9[%dma_wait3A_346, %dma_wait3A_347] : memref<6x88xi32, #tpu.memory_space<vmem>> -> memref<1x88xi32, #tpu.memory_space<vmem>>
      %dma_wait3A_349 = tpu.memref_squeeze %dma_wait3A_348 : memref<1x88xi32, #tpu.memory_space<vmem>> -> memref<88xi32, #tpu.memory_space<vmem>>
      %dma_wait3A_350 = arith.constant 0 : i32
      %dma_wait3A_351 = arith.constant 0 : i32
      %dma_wait3A_352 = tpu.memref_slice %arg27[%dma_wait3A_350, %dma_wait3A_351] : memref<10112x128xf32, #tpu.memory_space<vmem_shared>> -> memref<10112x128xf32, #tpu.memory_space<vmem_shared>>
      tpu.wait_indirect_dma semaphore(%arg19 : memref<!tpu.dma_semaphore, #tpu.memory_space<semaphore_mem>>) src(%arg11 : memref<88x128xf32, #tpu.memory_space<vmem>>) dst(%dma_wait3A_352 : memref<10112x128xf32, #tpu.memory_space<vmem_shared>>)
      %dma_start3A_353 = arith.constant 4 : i32
      %dma_start3A_354 = arith.constant 0 : i32
      %dma_start3A_355 = tpu.memref_slice %arg7[%dma_start3A_353, %dma_start3A_354] : memref<6x88xi32, #tpu.memory_space<vmem>> -> memref<1x88xi32, #tpu.memory_space<vmem>>
      %dma_start3A_356 = tpu.memref_squeeze %dma_start3A_355 : memref<1x88xi32, #tpu.memory_space<vmem>> -> memref<88xi32, #tpu.memory_space<vmem>>
      %dma_start3A_357 = arith.constant 0 : i32
      %dma_start3A_358 = arith.constant 0 : i32
      %dma_start3A_359 = tpu.memref_slice %arg2[%dma_start3A_357, %dma_start3A_358] : memref<10112x128xf32, #tpu.memory_space<hbm>> -> memref<10112x128xf32, #tpu.memory_space<hbm>>
      tpu.enqueue_indirect_dma source(%dma_start3A_359 : memref<10112x128xf32, #tpu.memory_space<hbm>>) target(%arg11 : memref<88x128xf32, #tpu.memory_space<vmem>>) offsets(%dma_start3A_356 : memref<88xi32, #tpu.memory_space<vmem>>) semaphore(%arg15 : memref<!tpu.dma_semaphore, #tpu.memory_space<semaphore_mem>>)
      %dma_wait3A_360 = arith.constant 3 : i32
      %dma_wait3A_361 = arith.constant 0 : i32
      %dma_wait3A_362 = tpu.memref_slice %arg7[%dma_wait3A_360, %dma_wait3A_361] : memref<6x88xi32, #tpu.memory_space<vmem>> -> memref<1x88xi32, #tpu.memory_space<vmem>>
      %dma_wait3A_363 = tpu.memref_squeeze %dma_wait3A_362 : memref<1x88xi32, #tpu.memory_space<vmem>> -> memref<88xi32, #tpu.memory_space<vmem>>
      %dma_wait3A_364 = arith.constant 0 : i32
      %dma_wait3A_365 = arith.constant 0 : i32
      %dma_wait3A_366 = tpu.memref_slice %arg2[%dma_wait3A_364, %dma_wait3A_365] : memref<10112x128xf32, #tpu.memory_space<hbm>> -> memref<10112x128xf32, #tpu.memory_space<hbm>>
      tpu.wait_indirect_dma semaphore(%arg18 : memref<!tpu.dma_semaphore, #tpu.memory_space<semaphore_mem>>) src(%dma_wait3A_366 : memref<10112x128xf32, #tpu.memory_space<hbm>>) dst(%arg14 : memref<88x128xf32, #tpu.memory_space<vmem>>)
      %dma_start3A_367 = arith.constant 3 : i32
      %dma_start3A_368 = arith.constant 0 : i32
      %dma_start3A_369 = tpu.memref_slice %arg9[%dma_start3A_367, %dma_start3A_368] : memref<6x88xi32, #tpu.memory_space<vmem>> -> memref<1x88xi32, #tpu.memory_space<vmem>>
      %dma_start3A_370 = tpu.memref_squeeze %dma_start3A_369 : memref<1x88xi32, #tpu.memory_space<vmem>> -> memref<88xi32, #tpu.memory_space<vmem>>
      %dma_start3A_371 = arith.constant 0 : i32
      %dma_start3A_372 = arith.constant 0 : i32
      %dma_start3A_373 = tpu.memref_slice %arg27[%dma_start3A_371, %dma_start3A_372] : memref<10112x128xf32, #tpu.memory_space<vmem_shared>> -> memref<10112x128xf32, #tpu.memory_space<vmem_shared>>
      tpu.enqueue_indirect_dma source(%arg14 : memref<88x128xf32, #tpu.memory_space<vmem>>) target(%dma_start3A_373 : memref<10112x128xf32, #tpu.memory_space<vmem_shared>>) offsets(%dma_start3A_370 : memref<88xi32, #tpu.memory_space<vmem>>) semaphore(%arg22 : memref<!tpu.dma_semaphore, #tpu.memory_space<semaphore_mem>>) {add = true}
      %dma_wait3A_374 = arith.constant 1 : i32
      %dma_wait3A_375 = arith.constant 0 : i32
      %dma_wait3A_376 = tpu.memref_slice %arg9[%dma_wait3A_374, %dma_wait3A_375] : memref<6x88xi32, #tpu.memory_space<vmem>> -> memref<1x88xi32, #tpu.memory_space<vmem>>
      %dma_wait3A_377 = tpu.memref_squeeze %dma_wait3A_376 : memref<1x88xi32, #tpu.memory_space<vmem>> -> memref<88xi32, #tpu.memory_space<vmem>>
      %dma_wait3A_378 = arith.constant 0 : i32
      %dma_wait3A_379 = arith.constant 0 : i32
      %dma_wait3A_380 = tpu.memref_slice %arg27[%dma_wait3A_378, %dma_wait3A_379] : memref<10112x128xf32, #tpu.memory_space<vmem_shared>> -> memref<10112x128xf32, #tpu.memory_space<vmem_shared>>
      tpu.wait_indirect_dma semaphore(%arg20 : memref<!tpu.dma_semaphore, #tpu.memory_space<semaphore_mem>>) src(%arg12 : memref<88x128xf32, #tpu.memory_space<vmem>>) dst(%dma_wait3A_380 : memref<10112x128xf32, #tpu.memory_space<vmem_shared>>)
      %dma_start3A_381 = arith.constant 5 : i32
      %dma_start3A_382 = arith.constant 0 : i32
      %dma_start3A_383 = tpu.memref_slice %arg7[%dma_start3A_381, %dma_start3A_382] : memref<6x88xi32, #tpu.memory_space<vmem>> -> memref<1x88xi32, #tpu.memory_space<vmem>>
      %dma_start3A_384 = tpu.memref_squeeze %dma_start3A_383 : memref<1x88xi32, #tpu.memory_space<vmem>> -> memref<88xi32, #tpu.memory_space<vmem>>
      %dma_start3A_385 = arith.constant 0 : i32
      %dma_start3A_386 = arith.constant 0 : i32
      %dma_start3A_387 = tpu.memref_slice %arg2[%dma_start3A_385, %dma_start3A_386] : memref<10112x128xf32, #tpu.memory_space<hbm>> -> memref<10112x128xf32, #tpu.memory_space<hbm>>
      tpu.enqueue_indirect_dma source(%dma_start3A_387 : memref<10112x128xf32, #tpu.memory_space<hbm>>) target(%arg12 : memref<88x128xf32, #tpu.memory_space<vmem>>) offsets(%dma_start3A_384 : memref<88xi32, #tpu.memory_space<vmem>>) semaphore(%arg16 : memref<!tpu.dma_semaphore, #tpu.memory_space<semaphore_mem>>)
      %dma_wait3A_388 = arith.constant 4 : i32
      %dma_wait3A_389 = arith.constant 0 : i32
      %dma_wait3A_390 = tpu.memref_slice %arg7[%dma_wait3A_388, %dma_wait3A_389] : memref<6x88xi32, #tpu.memory_space<vmem>> -> memref<1x88xi32, #tpu.memory_space<vmem>>
      %dma_wait3A_391 = tpu.memref_squeeze %dma_wait3A_390 : memref<1x88xi32, #tpu.memory_space<vmem>> -> memref<88xi32, #tpu.memory_space<vmem>>
      %dma_wait3A_392 = arith.constant 0 : i32
      %dma_wait3A_393 = arith.constant 0 : i32
      %dma_wait3A_394 = tpu.memref_slice %arg2[%dma_wait3A_392, %dma_wait3A_393] : memref<10112x128xf32, #tpu.memory_space<hbm>> -> memref<10112x128xf32, #tpu.memory_space<hbm>>
      tpu.wait_indirect_dma semaphore(%arg15 : memref<!tpu.dma_semaphore, #tpu.memory_space<semaphore_mem>>) src(%dma_wait3A_394 : memref<10112x128xf32, #tpu.memory_space<hbm>>) dst(%arg11 : memref<88x128xf32, #tpu.memory_space<vmem>>)
      %dma_start3A_395 = arith.constant 4 : i32
      %dma_start3A_396 = arith.constant 0 : i32
      %dma_start3A_397 = tpu.memref_slice %arg9[%dma_start3A_395, %dma_start3A_396] : memref<6x88xi32, #tpu.memory_space<vmem>> -> memref<1x88xi32, #tpu.memory_space<vmem>>
      %dma_start3A_398 = tpu.memref_squeeze %dma_start3A_397 : memref<1x88xi32, #tpu.memory_space<vmem>> -> memref<88xi32, #tpu.memory_space<vmem>>
      %dma_start3A_399 = arith.constant 0 : i32
      %dma_start3A_400 = arith.constant 0 : i32
      %dma_start3A_401 = tpu.memref_slice %arg27[%dma_start3A_399, %dma_start3A_400] : memref<10112x128xf32, #tpu.memory_space<vmem_shared>> -> memref<10112x128xf32, #tpu.memory_space<vmem_shared>>
      tpu.enqueue_indirect_dma source(%arg11 : memref<88x128xf32, #tpu.memory_space<vmem>>) target(%dma_start3A_401 : memref<10112x128xf32, #tpu.memory_space<vmem_shared>>) offsets(%dma_start3A_398 : memref<88xi32, #tpu.memory_space<vmem>>) semaphore(%arg19 : memref<!tpu.dma_semaphore, #tpu.memory_space<semaphore_mem>>) {add = true}
      %dma_wait3A_402 = arith.constant 5 : i32
      %dma_wait3A_403 = arith.constant 0 : i32
      %dma_wait3A_404 = tpu.memref_slice %arg7[%dma_wait3A_402, %dma_wait3A_403] : memref<6x88xi32, #tpu.memory_space<vmem>> -> memref<1x88xi32, #tpu.memory_space<vmem>>
      %dma_wait3A_405 = tpu.memref_squeeze %dma_wait3A_404 : memref<1x88xi32, #tpu.memory_space<vmem>> -> memref<88xi32, #tpu.memory_space<vmem>>
      %dma_wait3A_406 = arith.constant 0 : i32
      %dma_wait3A_407 = arith.constant 0 : i32
      %dma_wait3A_408 = tpu.memref_slice %arg2[%dma_wait3A_406, %dma_wait3A_407] : memref<10112x128xf32, #tpu.memory_space<hbm>> -> memref<10112x128xf32, #tpu.memory_space<hbm>>
      tpu.wait_indirect_dma semaphore(%arg16 : memref<!tpu.dma_semaphore, #tpu.memory_space<semaphore_mem>>) src(%dma_wait3A_408 : memref<10112x128xf32, #tpu.memory_space<hbm>>) dst(%arg12 : memref<88x128xf32, #tpu.memory_space<vmem>>)
      %dma_start3A_409 = arith.constant 5 : i32
      %dma_start3A_410 = arith.constant 0 : i32
      %dma_start3A_411 = tpu.memref_slice %arg9[%dma_start3A_409, %dma_start3A_410] : memref<6x88xi32, #tpu.memory_space<vmem>> -> memref<1x88xi32, #tpu.memory_space<vmem>>
      %dma_start3A_412 = tpu.memref_squeeze %dma_start3A_411 : memref<1x88xi32, #tpu.memory_space<vmem>> -> memref<88xi32, #tpu.memory_space<vmem>>
      %dma_start3A_413 = arith.constant 0 : i32
      %dma_start3A_414 = arith.constant 0 : i32
      %dma_start3A_415 = tpu.memref_slice %arg27[%dma_start3A_413, %dma_start3A_414] : memref<10112x128xf32, #tpu.memory_space<vmem_shared>> -> memref<10112x128xf32, #tpu.memory_space<vmem_shared>>
      tpu.enqueue_indirect_dma source(%arg12 : memref<88x128xf32, #tpu.memory_space<vmem>>) target(%dma_start3A_415 : memref<10112x128xf32, #tpu.memory_space<vmem_shared>>) offsets(%dma_start3A_412 : memref<88xi32, #tpu.memory_space<vmem>>) semaphore(%arg20 : memref<!tpu.dma_semaphore, #tpu.memory_space<semaphore_mem>>) {add = true}
      %dma_wait3A_416 = arith.constant 2 : i32
      %dma_wait3A_417 = arith.constant 0 : i32
      %dma_wait3A_418 = tpu.memref_slice %arg9[%dma_wait3A_416, %dma_wait3A_417] : memref<6x88xi32, #tpu.memory_space<vmem>> -> memref<1x88xi32, #tpu.memory_space<vmem>>
      %dma_wait3A_419 = tpu.memref_squeeze %dma_wait3A_418 : memref<1x88xi32, #tpu.memory_space<vmem>> -> memref<88xi32, #tpu.memory_space<vmem>>
      %dma_wait3A_420 = arith.constant 0 : i32
      %dma_wait3A_421 = arith.constant 0 : i32
      %dma_wait3A_422 = tpu.memref_slice %arg27[%dma_wait3A_420, %dma_wait3A_421] : memref<10112x128xf32, #tpu.memory_space<vmem_shared>> -> memref<10112x128xf32, #tpu.memory_space<vmem_shared>>
      tpu.wait_indirect_dma semaphore(%arg21 : memref<!tpu.dma_semaphore, #tpu.memory_space<semaphore_mem>>) src(%arg13 : memref<88x128xf32, #tpu.memory_space<vmem>>) dst(%dma_wait3A_422 : memref<10112x128xf32, #tpu.memory_space<vmem_shared>>)
      %dma_wait3A_423 = arith.constant 3 : i32
      %dma_wait3A_424 = arith.constant 0 : i32
      %dma_wait3A_425 = tpu.memref_slice %arg9[%dma_wait3A_423, %dma_wait3A_424] : memref<6x88xi32, #tpu.memory_space<vmem>> -> memref<1x88xi32, #tpu.memory_space<vmem>>
      %dma_wait3A_426 = tpu.memref_squeeze %dma_wait3A_425 : memref<1x88xi32, #tpu.memory_space<vmem>> -> memref<88xi32, #tpu.memory_space<vmem>>
      %dma_wait3A_427 = arith.constant 0 : i32
      %dma_wait3A_428 = arith.constant 0 : i32
      %dma_wait3A_429 = tpu.memref_slice %arg27[%dma_wait3A_427, %dma_wait3A_428] : memref<10112x128xf32, #tpu.memory_space<vmem_shared>> -> memref<10112x128xf32, #tpu.memory_space<vmem_shared>>
      tpu.wait_indirect_dma semaphore(%arg22 : memref<!tpu.dma_semaphore, #tpu.memory_space<semaphore_mem>>) src(%arg14 : memref<88x128xf32, #tpu.memory_space<vmem>>) dst(%dma_wait3A_429 : memref<10112x128xf32, #tpu.memory_space<vmem_shared>>)
      %dma_wait3A_430 = arith.constant 4 : i32
      %dma_wait3A_431 = arith.constant 0 : i32
      %dma_wait3A_432 = tpu.memref_slice %arg9[%dma_wait3A_430, %dma_wait3A_431] : memref<6x88xi32, #tpu.memory_space<vmem>> -> memref<1x88xi32, #tpu.memory_space<vmem>>
      %dma_wait3A_433 = tpu.memref_squeeze %dma_wait3A_432 : memref<1x88xi32, #tpu.memory_space<vmem>> -> memref<88xi32, #tpu.memory_space<vmem>>
      %dma_wait3A_434 = arith.constant 0 : i32
      %dma_wait3A_435 = arith.constant 0 : i32
      %dma_wait3A_436 = tpu.memref_slice %arg27[%dma_wait3A_434, %dma_wait3A_435] : memref<10112x128xf32, #tpu.memory_space<vmem_shared>> -> memref<10112x128xf32, #tpu.memory_space<vmem_shared>>
      tpu.wait_indirect_dma semaphore(%arg19 : memref<!tpu.dma_semaphore, #tpu.memory_space<semaphore_mem>>) src(%arg11 : memref<88x128xf32, #tpu.memory_space<vmem>>) dst(%dma_wait3A_436 : memref<10112x128xf32, #tpu.memory_space<vmem_shared>>)
      %dma_wait3A_437 = arith.constant 5 : i32
      %dma_wait3A_438 = arith.constant 0 : i32
      %dma_wait3A_439 = tpu.memref_slice %arg9[%dma_wait3A_437, %dma_wait3A_438] : memref<6x88xi32, #tpu.memory_space<vmem>> -> memref<1x88xi32, #tpu.memory_space<vmem>>
      %dma_wait3A_440 = tpu.memref_squeeze %dma_wait3A_439 : memref<1x88xi32, #tpu.memory_space<vmem>> -> memref<88xi32, #tpu.memory_space<vmem>>
      %dma_wait3A_441 = arith.constant 0 : i32
      %dma_wait3A_442 = arith.constant 0 : i32
      %dma_wait3A_443 = tpu.memref_slice %arg27[%dma_wait3A_441, %dma_wait3A_442] : memref<10112x128xf32, #tpu.memory_space<vmem_shared>> -> memref<10112x128xf32, #tpu.memory_space<vmem_shared>>
      tpu.wait_indirect_dma semaphore(%arg20 : memref<!tpu.dma_semaphore, #tpu.memory_space<semaphore_mem>>) src(%arg12 : memref<88x128xf32, #tpu.memory_space<vmem>>) dst(%dma_wait3A_443 : memref<10112x128xf32, #tpu.memory_space<vmem_shared>>)
      %mul3A_444 = arith.constant 2 : i32
      %mul3A_445 = arith.muli %mul3A_444, %scan3A_227 : i32
      %add3A_446 = arith.constant 1 : i32
      %add3A_447 = arith.addi %mul3A_445, %add3A_446 : i32
      %mul3A_448 = arith.constant 19 : i32
      %mul3A_449 = arith.muli %add3A, %mul3A_448 : i32
      %add3A_450 = arith.addi %mul3A_449, %add3A_447 : i32
      %dma_wait3A_451 = arith.constant 0 : i32
      %dma_wait3A_452 = arith.constant 0 : i32
      %dma_wait3A_453 = tpu.memref_slice %arg3[%add3A_450, %dma_wait3A_451, %dma_wait3A_452] : memref<608x6x88xi32, #tpu.memory_space<hbm>> -> memref<1x6x88xi32, #tpu.memory_space<hbm>>
      %dma_wait3A_454 = tpu.memref_squeeze %dma_wait3A_453 : memref<1x6x88xi32, #tpu.memory_space<hbm>> -> memref<6x88xi32, #tpu.memory_space<hbm>>
      %dma_wait3A_455 = arith.constant 0 : i32
      %dma_wait3A_456 = arith.constant 0 : i32
      %dma_wait3A_457 = tpu.memref_slice %arg3[%add3A_450, %dma_wait3A_455, %dma_wait3A_456] : memref<608x6x88xi32, #tpu.memory_space<hbm>> -> memref<1x6x88xi32, #tpu.memory_space<hbm>>
      %dma_wait3A_458 = tpu.memref_squeeze %dma_wait3A_457 : memref<1x6x88xi32, #tpu.memory_space<hbm>> -> memref<6x88xi32, #tpu.memory_space<hbm>>
      tpu.wait_dma2 semaphore(%arg24 : memref<!tpu.dma_semaphore, #tpu.memory_space<semaphore_mem>>) src(%dma_wait3A_458 : memref<6x88xi32, #tpu.memory_space<hbm>>) dst(%arg8 : memref<6x88xi32, #tpu.memory_space<vmem>>)
      %mul3A_459 = arith.constant 19 : i32
      %mul3A_460 = arith.muli %add3A, %mul3A_459 : i32
      %add3A_461 = arith.addi %mul3A_460, %add3A_447 : i32
      %dma_wait3A_462 = arith.constant 0 : i32
      %dma_wait3A_463 = arith.constant 0 : i32
      %dma_wait3A_464 = tpu.memref_slice %arg4[%add3A_461, %dma_wait3A_462, %dma_wait3A_463] : memref<608x6x88xi32, #tpu.memory_space<hbm>> -> memref<1x6x88xi32, #tpu.memory_space<hbm>>
      %dma_wait3A_465 = tpu.memref_squeeze %dma_wait3A_464 : memref<1x6x88xi32, #tpu.memory_space<hbm>> -> memref<6x88xi32, #tpu.memory_space<hbm>>
      %dma_wait3A_466 = arith.constant 0 : i32
      %dma_wait3A_467 = arith.constant 0 : i32
      %dma_wait3A_468 = tpu.memref_slice %arg4[%add3A_461, %dma_wait3A_466, %dma_wait3A_467] : memref<608x6x88xi32, #tpu.memory_space<hbm>> -> memref<1x6x88xi32, #tpu.memory_space<hbm>>
      %dma_wait3A_469 = tpu.memref_squeeze %dma_wait3A_468 : memref<1x6x88xi32, #tpu.memory_space<hbm>> -> memref<6x88xi32, #tpu.memory_space<hbm>>
      tpu.wait_dma2 semaphore(%arg26 : memref<!tpu.dma_semaphore, #tpu.memory_space<semaphore_mem>>) src(%dma_wait3A_469 : memref<6x88xi32, #tpu.memory_space<hbm>>) dst(%arg10 : memref<6x88xi32, #tpu.memory_space<vmem>>)
      %add3A_470 = arith.constant 1 : i32
      %add3A_471 = arith.addi %add3A_447, %add3A_470 : i32
      %mul3A_472 = arith.constant 19 : i32
      %mul3A_473 = arith.muli %add3A, %mul3A_472 : i32
      %add3A_474 = arith.addi %mul3A_473, %add3A_471 : i32
      %dma_start3A_475 = arith.constant 0 : i32
      %dma_start3A_476 = arith.constant 0 : i32
      %dma_start3A_477 = tpu.memref_slice %arg3[%add3A_474, %dma_start3A_475, %dma_start3A_476] : memref<608x6x88xi32, #tpu.memory_space<hbm>> -> memref<1x6x88xi32, #tpu.memory_space<hbm>>
      %dma_start3A_478 = tpu.memref_squeeze %dma_start3A_477 : memref<1x6x88xi32, #tpu.memory_space<hbm>> -> memref<6x88xi32, #tpu.memory_space<hbm>>
      %dma_start3A_479 = arith.constant 0 : i32
      %dma_start3A_480 = arith.constant 0 : i32
      %dma_start3A_481 = tpu.memref_slice %arg3[%add3A_474, %dma_start3A_479, %dma_start3A_480] : memref<608x6x88xi32, #tpu.memory_space<hbm>> -> memref<1x6x88xi32, #tpu.memory_space<hbm>>
      %dma_start3A_482 = tpu.memref_squeeze %dma_start3A_481 : memref<1x6x88xi32, #tpu.memory_space<hbm>> -> memref<6x88xi32, #tpu.memory_space<hbm>>
      tpu.enqueue_dma source(%dma_start3A_482 : memref<6x88xi32, #tpu.memory_space<hbm>>) target(%arg7 : memref<6x88xi32, #tpu.memory_space<vmem>>) target_semaphore(%arg23 : memref<!tpu.dma_semaphore, #tpu.memory_space<semaphore_mem>>)
      %mul3A_483 = arith.constant 19 : i32
      %mul3A_484 = arith.muli %add3A, %mul3A_483 : i32
      %add3A_485 = arith.addi %mul3A_484, %add3A_471 : i32
      %dma_start3A_486 = arith.constant 0 : i32
      %dma_start3A_487 = arith.constant 0 : i32
      %dma_start3A_488 = tpu.memref_slice %arg4[%add3A_485, %dma_start3A_486, %dma_start3A_487] : memref<608x6x88xi32, #tpu.memory_space<hbm>> -> memref<1x6x88xi32, #tpu.memory_space<hbm>>
      %dma_start3A_489 = tpu.memref_squeeze %dma_start3A_488 : memref<1x6x88xi32, #tpu.memory_space<hbm>> -> memref<6x88xi32, #tpu.memory_space<hbm>>
      %dma_start3A_490 = arith.constant 0 : i32
      %dma_start3A_491 = arith.constant 0 : i32
      %dma_start3A_492 = tpu.memref_slice %arg4[%add3A_485, %dma_start3A_490, %dma_start3A_491] : memref<608x6x88xi32, #tpu.memory_space<hbm>> -> memref<1x6x88xi32, #tpu.memory_space<hbm>>
      %dma_start3A_493 = tpu.memref_squeeze %dma_start3A_492 : memref<1x6x88xi32, #tpu.memory_space<hbm>> -> memref<6x88xi32, #tpu.memory_space<hbm>>
      tpu.enqueue_dma source(%dma_start3A_493 : memref<6x88xi32, #tpu.memory_space<hbm>>) target(%arg9 : memref<6x88xi32, #tpu.memory_space<vmem>>) target_semaphore(%arg25 : memref<!tpu.dma_semaphore, #tpu.memory_space<semaphore_mem>>)
      %dma_start3A_494 = arith.constant 0 : i32
      %dma_start3A_495 = arith.constant 0 : i32
      %dma_start3A_496 = tpu.memref_slice %arg8[%dma_start3A_494, %dma_start3A_495] : memref<6x88xi32, #tpu.memory_space<vmem>> -> memref<1x88xi32, #tpu.memory_space<vmem>>
      %dma_start3A_497 = tpu.memref_squeeze %dma_start3A_496 : memref<1x88xi32, #tpu.memory_space<vmem>> -> memref<88xi32, #tpu.memory_space<vmem>>
      %dma_start3A_498 = arith.constant 0 : i32
      %dma_start3A_499 = arith.constant 0 : i32
      %dma_start3A_500 = tpu.memref_slice %arg2[%dma_start3A_498, %dma_start3A_499] : memref<10112x128xf32, #tpu.memory_space<hbm>> -> memref<10112x128xf32, #tpu.memory_space<hbm>>
      tpu.enqueue_indirect_dma source(%dma_start3A_500 : memref<10112x128xf32, #tpu.memory_space<hbm>>) target(%arg11 : memref<88x128xf32, #tpu.memory_space<vmem>>) offsets(%dma_start3A_497 : memref<88xi32, #tpu.memory_space<vmem>>) semaphore(%arg15 : memref<!tpu.dma_semaphore, #tpu.memory_space<semaphore_mem>>)
      %dma_start3A_501 = arith.constant 1 : i32
      %dma_start3A_502 = arith.constant 0 : i32
      %dma_start3A_503 = tpu.memref_slice %arg8[%dma_start3A_501, %dma_start3A_502] : memref<6x88xi32, #tpu.memory_space<vmem>> -> memref<1x88xi32, #tpu.memory_space<vmem>>
      %dma_start3A_504 = tpu.memref_squeeze %dma_start3A_503 : memref<1x88xi32, #tpu.memory_space<vmem>> -> memref<88xi32, #tpu.memory_space<vmem>>
      %dma_start3A_505 = arith.constant 0 : i32
      %dma_start3A_506 = arith.constant 0 : i32
      %dma_start3A_507 = tpu.memref_slice %arg2[%dma_start3A_505, %dma_start3A_506] : memref<10112x128xf32, #tpu.memory_space<hbm>> -> memref<10112x128xf32, #tpu.memory_space<hbm>>
      tpu.enqueue_indirect_dma source(%dma_start3A_507 : memref<10112x128xf32, #tpu.memory_space<hbm>>) target(%arg12 : memref<88x128xf32, #tpu.memory_space<vmem>>) offsets(%dma_start3A_504 : memref<88xi32, #tpu.memory_space<vmem>>) semaphore(%arg16 : memref<!tpu.dma_semaphore, #tpu.memory_space<semaphore_mem>>)
      %dma_wait3A_508 = arith.constant 0 : i32
      %dma_wait3A_509 = arith.constant 0 : i32
      %dma_wait3A_510 = tpu.memref_slice %arg8[%dma_wait3A_508, %dma_wait3A_509] : memref<6x88xi32, #tpu.memory_space<vmem>> -> memref<1x88xi32, #tpu.memory_space<vmem>>
      %dma_wait3A_511 = tpu.memref_squeeze %dma_wait3A_510 : memref<1x88xi32, #tpu.memory_space<vmem>> -> memref<88xi32, #tpu.memory_space<vmem>>
      %dma_wait3A_512 = arith.constant 0 : i32
      %dma_wait3A_513 = arith.constant 0 : i32
      %dma_wait3A_514 = tpu.memref_slice %arg2[%dma_wait3A_512, %dma_wait3A_513] : memref<10112x128xf32, #tpu.memory_space<hbm>> -> memref<10112x128xf32, #tpu.memory_space<hbm>>
      tpu.wait_indirect_dma semaphore(%arg15 : memref<!tpu.dma_semaphore, #tpu.memory_space<semaphore_mem>>) src(%dma_wait3A_514 : memref<10112x128xf32, #tpu.memory_space<hbm>>) dst(%arg11 : memref<88x128xf32, #tpu.memory_space<vmem>>)
      %dma_start3A_515 = arith.constant 0 : i32
      %dma_start3A_516 = arith.constant 0 : i32
      %dma_start3A_517 = tpu.memref_slice %arg10[%dma_start3A_515, %dma_start3A_516] : memref<6x88xi32, #tpu.memory_space<vmem>> -> memref<1x88xi32, #tpu.memory_space<vmem>>
      %dma_start3A_518 = tpu.memref_squeeze %dma_start3A_517 : memref<1x88xi32, #tpu.memory_space<vmem>> -> memref<88xi32, #tpu.memory_space<vmem>>
      %dma_start3A_519 = arith.constant 0 : i32
      %dma_start3A_520 = arith.constant 0 : i32
      %dma_start3A_521 = tpu.memref_slice %arg27[%dma_start3A_519, %dma_start3A_520] : memref<10112x128xf32, #tpu.memory_space<vmem_shared>> -> memref<10112x128xf32, #tpu.memory_space<vmem_shared>>
      tpu.enqueue_indirect_dma source(%arg11 : memref<88x128xf32, #tpu.memory_space<vmem>>) target(%dma_start3A_521 : memref<10112x128xf32, #tpu.memory_space<vmem_shared>>) offsets(%dma_start3A_518 : memref<88xi32, #tpu.memory_space<vmem>>) semaphore(%arg19 : memref<!tpu.dma_semaphore, #tpu.memory_space<semaphore_mem>>) {add = true}
      %dma_start3A_522 = arith.constant 2 : i32
      %dma_start3A_523 = arith.constant 0 : i32
      %dma_start3A_524 = tpu.memref_slice %arg8[%dma_start3A_522, %dma_start3A_523] : memref<6x88xi32, #tpu.memory_space<vmem>> -> memref<1x88xi32, #tpu.memory_space<vmem>>
      %dma_start3A_525 = tpu.memref_squeeze %dma_start3A_524 : memref<1x88xi32, #tpu.memory_space<vmem>> -> memref<88xi32, #tpu.memory_space<vmem>>
      %dma_start3A_526 = arith.constant 0 : i32
      %dma_start3A_527 = arith.constant 0 : i32
      %dma_start3A_528 = tpu.memref_slice %arg2[%dma_start3A_526, %dma_start3A_527] : memref<10112x128xf32, #tpu.memory_space<hbm>> -> memref<10112x128xf32, #tpu.memory_space<hbm>>
      tpu.enqueue_indirect_dma source(%dma_start3A_528 : memref<10112x128xf32, #tpu.memory_space<hbm>>) target(%arg13 : memref<88x128xf32, #tpu.memory_space<vmem>>) offsets(%dma_start3A_525 : memref<88xi32, #tpu.memory_space<vmem>>) semaphore(%arg17 : memref<!tpu.dma_semaphore, #tpu.memory_space<semaphore_mem>>)
      %dma_wait3A_529 = arith.constant 1 : i32
      %dma_wait3A_530 = arith.constant 0 : i32
      %dma_wait3A_531 = tpu.memref_slice %arg8[%dma_wait3A_529, %dma_wait3A_530] : memref<6x88xi32, #tpu.memory_space<vmem>> -> memref<1x88xi32, #tpu.memory_space<vmem>>
      %dma_wait3A_532 = tpu.memref_squeeze %dma_wait3A_531 : memref<1x88xi32, #tpu.memory_space<vmem>> -> memref<88xi32, #tpu.memory_space<vmem>>
      %dma_wait3A_533 = arith.constant 0 : i32
      %dma_wait3A_534 = arith.constant 0 : i32
      %dma_wait3A_535 = tpu.memref_slice %arg2[%dma_wait3A_533, %dma_wait3A_534] : memref<10112x128xf32, #tpu.memory_space<hbm>> -> memref<10112x128xf32, #tpu.memory_space<hbm>>
      tpu.wait_indirect_dma semaphore(%arg16 : memref<!tpu.dma_semaphore, #tpu.memory_space<semaphore_mem>>) src(%dma_wait3A_535 : memref<10112x128xf32, #tpu.memory_space<hbm>>) dst(%arg12 : memref<88x128xf32, #tpu.memory_space<vmem>>)
      %dma_start3A_536 = arith.constant 1 : i32
      %dma_start3A_537 = arith.constant 0 : i32
      %dma_start3A_538 = tpu.memref_slice %arg10[%dma_start3A_536, %dma_start3A_537] : memref<6x88xi32, #tpu.memory_space<vmem>> -> memref<1x88xi32, #tpu.memory_space<vmem>>
      %dma_start3A_539 = tpu.memref_squeeze %dma_start3A_538 : memref<1x88xi32, #tpu.memory_space<vmem>> -> memref<88xi32, #tpu.memory_space<vmem>>
      %dma_start3A_540 = arith.constant 0 : i32
      %dma_start3A_541 = arith.constant 0 : i32
      %dma_start3A_542 = tpu.memref_slice %arg27[%dma_start3A_540, %dma_start3A_541] : memref<10112x128xf32, #tpu.memory_space<vmem_shared>> -> memref<10112x128xf32, #tpu.memory_space<vmem_shared>>
      tpu.enqueue_indirect_dma source(%arg12 : memref<88x128xf32, #tpu.memory_space<vmem>>) target(%dma_start3A_542 : memref<10112x128xf32, #tpu.memory_space<vmem_shared>>) offsets(%dma_start3A_539 : memref<88xi32, #tpu.memory_space<vmem>>) semaphore(%arg20 : memref<!tpu.dma_semaphore, #tpu.memory_space<semaphore_mem>>) {add = true}
      %dma_start3A_543 = arith.constant 3 : i32
      %dma_start3A_544 = arith.constant 0 : i32
      %dma_start3A_545 = tpu.memref_slice %arg8[%dma_start3A_543, %dma_start3A_544] : memref<6x88xi32, #tpu.memory_space<vmem>> -> memref<1x88xi32, #tpu.memory_space<vmem>>
      %dma_start3A_546 = tpu.memref_squeeze %dma_start3A_545 : memref<1x88xi32, #tpu.memory_space<vmem>> -> memref<88xi32, #tpu.memory_space<vmem>>
      %dma_start3A_547 = arith.constant 0 : i32
      %dma_start3A_548 = arith.constant 0 : i32
      %dma_start3A_549 = tpu.memref_slice %arg2[%dma_start3A_547, %dma_start3A_548] : memref<10112x128xf32, #tpu.memory_space<hbm>> -> memref<10112x128xf32, #tpu.memory_space<hbm>>
      tpu.enqueue_indirect_dma source(%dma_start3A_549 : memref<10112x128xf32, #tpu.memory_space<hbm>>) target(%arg14 : memref<88x128xf32, #tpu.memory_space<vmem>>) offsets(%dma_start3A_546 : memref<88xi32, #tpu.memory_space<vmem>>) semaphore(%arg18 : memref<!tpu.dma_semaphore, #tpu.memory_space<semaphore_mem>>)
      %dma_wait3A_550 = arith.constant 2 : i32
      %dma_wait3A_551 = arith.constant 0 : i32
      %dma_wait3A_552 = tpu.memref_slice %arg8[%dma_wait3A_550, %dma_wait3A_551] : memref<6x88xi32, #tpu.memory_space<vmem>> -> memref<1x88xi32, #tpu.memory_space<vmem>>
      %dma_wait3A_553 = tpu.memref_squeeze %dma_wait3A_552 : memref<1x88xi32, #tpu.memory_space<vmem>> -> memref<88xi32, #tpu.memory_space<vmem>>
      %dma_wait3A_554 = arith.constant 0 : i32
      %dma_wait3A_555 = arith.constant 0 : i32
      %dma_wait3A_556 = tpu.memref_slice %arg2[%dma_wait3A_554, %dma_wait3A_555] : memref<10112x128xf32, #tpu.memory_space<hbm>> -> memref<10112x128xf32, #tpu.memory_space<hbm>>
      tpu.wait_indirect_dma semaphore(%arg17 : memref<!tpu.dma_semaphore, #tpu.memory_space<semaphore_mem>>) src(%dma_wait3A_556 : memref<10112x128xf32, #tpu.memory_space<hbm>>) dst(%arg13 : memref<88x128xf32, #tpu.memory_space<vmem>>)
      %dma_start3A_557 = arith.constant 2 : i32
      %dma_start3A_558 = arith.constant 0 : i32
      %dma_start3A_559 = tpu.memref_slice %arg10[%dma_start3A_557, %dma_start3A_558] : memref<6x88xi32, #tpu.memory_space<vmem>> -> memref<1x88xi32, #tpu.memory_space<vmem>>
      %dma_start3A_560 = tpu.memref_squeeze %dma_start3A_559 : memref<1x88xi32, #tpu.memory_space<vmem>> -> memref<88xi32, #tpu.memory_space<vmem>>
      %dma_start3A_561 = arith.constant 0 : i32
      %dma_start3A_562 = arith.constant 0 : i32
      %dma_start3A_563 = tpu.memref_slice %arg27[%dma_start3A_561, %dma_start3A_562] : memref<10112x128xf32, #tpu.memory_space<vmem_shared>> -> memref<10112x128xf32, #tpu.memory_space<vmem_shared>>
      tpu.enqueue_indirect_dma source(%arg13 : memref<88x128xf32, #tpu.memory_space<vmem>>) target(%dma_start3A_563 : memref<10112x128xf32, #tpu.memory_space<vmem_shared>>) offsets(%dma_start3A_560 : memref<88xi32, #tpu.memory_space<vmem>>) semaphore(%arg21 : memref<!tpu.dma_semaphore, #tpu.memory_space<semaphore_mem>>) {add = true}
      %dma_wait3A_564 = arith.constant 0 : i32
      %dma_wait3A_565 = arith.constant 0 : i32
      %dma_wait3A_566 = tpu.memref_slice %arg10[%dma_wait3A_564, %dma_wait3A_565] : memref<6x88xi32, #tpu.memory_space<vmem>> -> memref<1x88xi32, #tpu.memory_space<vmem>>
      %dma_wait3A_567 = tpu.memref_squeeze %dma_wait3A_566 : memref<1x88xi32, #tpu.memory_space<vmem>> -> memref<88xi32, #tpu.memory_space<vmem>>
      %dma_wait3A_568 = arith.constant 0 : i32
      %dma_wait3A_569 = arith.constant 0 : i32
      %dma_wait3A_570 = tpu.memref_slice %arg27[%dma_wait3A_568, %dma_wait3A_569] : memref<10112x128xf32, #tpu.memory_space<vmem_shared>> -> memref<10112x128xf32, #tpu.memory_space<vmem_shared>>
      tpu.wait_indirect_dma semaphore(%arg19 : memref<!tpu.dma_semaphore, #tpu.memory_space<semaphore_mem>>) src(%arg11 : memref<88x128xf32, #tpu.memory_space<vmem>>) dst(%dma_wait3A_570 : memref<10112x128xf32, #tpu.memory_space<vmem_shared>>)
      %dma_start3A_571 = arith.constant 4 : i32
      %dma_start3A_572 = arith.constant 0 : i32
      %dma_start3A_573 = tpu.memref_slice %arg8[%dma_start3A_571, %dma_start3A_572] : memref<6x88xi32, #tpu.memory_space<vmem>> -> memref<1x88xi32, #tpu.memory_space<vmem>>
      %dma_start3A_574 = tpu.memref_squeeze %dma_start3A_573 : memref<1x88xi32, #tpu.memory_space<vmem>> -> memref<88xi32, #tpu.memory_space<vmem>>
      %dma_start3A_575 = arith.constant 0 : i32
      %dma_start3A_576 = arith.constant 0 : i32
      %dma_start3A_577 = tpu.memref_slice %arg2[%dma_start3A_575, %dma_start3A_576] : memref<10112x128xf32, #tpu.memory_space<hbm>> -> memref<10112x128xf32, #tpu.memory_space<hbm>>
      tpu.enqueue_indirect_dma source(%dma_start3A_577 : memref<10112x128xf32, #tpu.memory_space<hbm>>) target(%arg11 : memref<88x128xf32, #tpu.memory_space<vmem>>) offsets(%dma_start3A_574 : memref<88xi32, #tpu.memory_space<vmem>>) semaphore(%arg15 : memref<!tpu.dma_semaphore, #tpu.memory_space<semaphore_mem>>)
      %dma_wait3A_578 = arith.constant 3 : i32
      %dma_wait3A_579 = arith.constant 0 : i32
      %dma_wait3A_580 = tpu.memref_slice %arg8[%dma_wait3A_578, %dma_wait3A_579] : memref<6x88xi32, #tpu.memory_space<vmem>> -> memref<1x88xi32, #tpu.memory_space<vmem>>
      %dma_wait3A_581 = tpu.memref_squeeze %dma_wait3A_580 : memref<1x88xi32, #tpu.memory_space<vmem>> -> memref<88xi32, #tpu.memory_space<vmem>>
      %dma_wait3A_582 = arith.constant 0 : i32
      %dma_wait3A_583 = arith.constant 0 : i32
      %dma_wait3A_584 = tpu.memref_slice %arg2[%dma_wait3A_582, %dma_wait3A_583] : memref<10112x128xf32, #tpu.memory_space<hbm>> -> memref<10112x128xf32, #tpu.memory_space<hbm>>
      tpu.wait_indirect_dma semaphore(%arg18 : memref<!tpu.dma_semaphore, #tpu.memory_space<semaphore_mem>>) src(%dma_wait3A_584 : memref<10112x128xf32, #tpu.memory_space<hbm>>) dst(%arg14 : memref<88x128xf32, #tpu.memory_space<vmem>>)
      %dma_start3A_585 = arith.constant 3 : i32
      %dma_start3A_586 = arith.constant 0 : i32
      %dma_start3A_587 = tpu.memref_slice %arg10[%dma_start3A_585, %dma_start3A_586] : memref<6x88xi32, #tpu.memory_space<vmem>> -> memref<1x88xi32, #tpu.memory_space<vmem>>
      %dma_start3A_588 = tpu.memref_squeeze %dma_start3A_587 : memref<1x88xi32, #tpu.memory_space<vmem>> -> memref<88xi32, #tpu.memory_space<vmem>>
      %dma_start3A_589 = arith.constant 0 : i32
      %dma_start3A_590 = arith.constant 0 : i32
      %dma_start3A_591 = tpu.memref_slice %arg27[%dma_start3A_589, %dma_start3A_590] : memref<10112x128xf32, #tpu.memory_space<vmem_shared>> -> memref<10112x128xf32, #tpu.memory_space<vmem_shared>>
      tpu.enqueue_indirect_dma source(%arg14 : memref<88x128xf32, #tpu.memory_space<vmem>>) target(%dma_start3A_591 : memref<10112x128xf32, #tpu.memory_space<vmem_shared>>) offsets(%dma_start3A_588 : memref<88xi32, #tpu.memory_space<vmem>>) semaphore(%arg22 : memref<!tpu.dma_semaphore, #tpu.memory_space<semaphore_mem>>) {add = true}
      %dma_wait3A_592 = arith.constant 1 : i32
      %dma_wait3A_593 = arith.constant 0 : i32
      %dma_wait3A_594 = tpu.memref_slice %arg10[%dma_wait3A_592, %dma_wait3A_593] : memref<6x88xi32, #tpu.memory_space<vmem>> -> memref<1x88xi32, #tpu.memory_space<vmem>>
      %dma_wait3A_595 = tpu.memref_squeeze %dma_wait3A_594 : memref<1x88xi32, #tpu.memory_space<vmem>> -> memref<88xi32, #tpu.memory_space<vmem>>
      %dma_wait3A_596 = arith.constant 0 : i32
      %dma_wait3A_597 = arith.constant 0 : i32
      %dma_wait3A_598 = tpu.memref_slice %arg27[%dma_wait3A_596, %dma_wait3A_597] : memref<10112x128xf32, #tpu.memory_space<vmem_shared>> -> memref<10112x128xf32, #tpu.memory_space<vmem_shared>>
      tpu.wait_indirect_dma semaphore(%arg20 : memref<!tpu.dma_semaphore, #tpu.memory_space<semaphore_mem>>) src(%arg12 : memref<88x128xf32, #tpu.memory_space<vmem>>) dst(%dma_wait3A_598 : memref<10112x128xf32, #tpu.memory_space<vmem_shared>>)
      %dma_start3A_599 = arith.constant 5 : i32
      %dma_start3A_600 = arith.constant 0 : i32
      %dma_start3A_601 = tpu.memref_slice %arg8[%dma_start3A_599, %dma_start3A_600] : memref<6x88xi32, #tpu.memory_space<vmem>> -> memref<1x88xi32, #tpu.memory_space<vmem>>
      %dma_start3A_602 = tpu.memref_squeeze %dma_start3A_601 : memref<1x88xi32, #tpu.memory_space<vmem>> -> memref<88xi32, #tpu.memory_space<vmem>>
      %dma_start3A_603 = arith.constant 0 : i32
      %dma_start3A_604 = arith.constant 0 : i32
      %dma_start3A_605 = tpu.memref_slice %arg2[%dma_start3A_603, %dma_start3A_604] : memref<10112x128xf32, #tpu.memory_space<hbm>> -> memref<10112x128xf32, #tpu.memory_space<hbm>>
      tpu.enqueue_indirect_dma source(%dma_start3A_605 : memref<10112x128xf32, #tpu.memory_space<hbm>>) target(%arg12 : memref<88x128xf32, #tpu.memory_space<vmem>>) offsets(%dma_start3A_602 : memref<88xi32, #tpu.memory_space<vmem>>) semaphore(%arg16 : memref<!tpu.dma_semaphore, #tpu.memory_space<semaphore_mem>>)
      %dma_wait3A_606 = arith.constant 4 : i32
      %dma_wait3A_607 = arith.constant 0 : i32
      %dma_wait3A_608 = tpu.memref_slice %arg8[%dma_wait3A_606, %dma_wait3A_607] : memref<6x88xi32, #tpu.memory_space<vmem>> -> memref<1x88xi32, #tpu.memory_space<vmem>>
      %dma_wait3A_609 = tpu.memref_squeeze %dma_wait3A_608 : memref<1x88xi32, #tpu.memory_space<vmem>> -> memref<88xi32, #tpu.memory_space<vmem>>
      %dma_wait3A_610 = arith.constant 0 : i32
      %dma_wait3A_611 = arith.constant 0 : i32
      %dma_wait3A_612 = tpu.memref_slice %arg2[%dma_wait3A_610, %dma_wait3A_611] : memref<10112x128xf32, #tpu.memory_space<hbm>> -> memref<10112x128xf32, #tpu.memory_space<hbm>>
      tpu.wait_indirect_dma semaphore(%arg15 : memref<!tpu.dma_semaphore, #tpu.memory_space<semaphore_mem>>) src(%dma_wait3A_612 : memref<10112x128xf32, #tpu.memory_space<hbm>>) dst(%arg11 : memref<88x128xf32, #tpu.memory_space<vmem>>)
      %dma_start3A_613 = arith.constant 4 : i32
      %dma_start3A_614 = arith.constant 0 : i32
      %dma_start3A_615 = tpu.memref_slice %arg10[%dma_start3A_613, %dma_start3A_614] : memref<6x88xi32, #tpu.memory_space<vmem>> -> memref<1x88xi32, #tpu.memory_space<vmem>>
      %dma_start3A_616 = tpu.memref_squeeze %dma_start3A_615 : memref<1x88xi32, #tpu.memory_space<vmem>> -> memref<88xi32, #tpu.memory_space<vmem>>
      %dma_start3A_617 = arith.constant 0 : i32
      %dma_start3A_618 = arith.constant 0 : i32
      %dma_start3A_619 = tpu.memref_slice %arg27[%dma_start3A_617, %dma_start3A_618] : memref<10112x128xf32, #tpu.memory_space<vmem_shared>> -> memref<10112x128xf32, #tpu.memory_space<vmem_shared>>
      tpu.enqueue_indirect_dma source(%arg11 : memref<88x128xf32, #tpu.memory_space<vmem>>) target(%dma_start3A_619 : memref<10112x128xf32, #tpu.memory_space<vmem_shared>>) offsets(%dma_start3A_616 : memref<88xi32, #tpu.memory_space<vmem>>) semaphore(%arg19 : memref<!tpu.dma_semaphore, #tpu.memory_space<semaphore_mem>>) {add = true}
      %dma_wait3A_620 = arith.constant 5 : i32
      %dma_wait3A_621 = arith.constant 0 : i32
      %dma_wait3A_622 = tpu.memref_slice %arg8[%dma_wait3A_620, %dma_wait3A_621] : memref<6x88xi32, #tpu.memory_space<vmem>> -> memref<1x88xi32, #tpu.memory_space<vmem>>
      %dma_wait3A_623 = tpu.memref_squeeze %dma_wait3A_622 : memref<1x88xi32, #tpu.memory_space<vmem>> -> memref<88xi32, #tpu.memory_space<vmem>>
      %dma_wait3A_624 = arith.constant 0 : i32
      %dma_wait3A_625 = arith.constant 0 : i32
      %dma_wait3A_626 = tpu.memref_slice %arg2[%dma_wait3A_624, %dma_wait3A_625] : memref<10112x128xf32, #tpu.memory_space<hbm>> -> memref<10112x128xf32, #tpu.memory_space<hbm>>
      tpu.wait_indirect_dma semaphore(%arg16 : memref<!tpu.dma_semaphore, #tpu.memory_space<semaphore_mem>>) src(%dma_wait3A_626 : memref<10112x128xf32, #tpu.memory_space<hbm>>) dst(%arg12 : memref<88x128xf32, #tpu.memory_space<vmem>>)
      %dma_start3A_627 = arith.constant 5 : i32
      %dma_start3A_628 = arith.constant 0 : i32
      %dma_start3A_629 = tpu.memref_slice %arg10[%dma_start3A_627, %dma_start3A_628] : memref<6x88xi32, #tpu.memory_space<vmem>> -> memref<1x88xi32, #tpu.memory_space<vmem>>
      %dma_start3A_630 = tpu.memref_squeeze %dma_start3A_629 : memref<1x88xi32, #tpu.memory_space<vmem>> -> memref<88xi32, #tpu.memory_space<vmem>>
      %dma_start3A_631 = arith.constant 0 : i32
      %dma_start3A_632 = arith.constant 0 : i32
      %dma_start3A_633 = tpu.memref_slice %arg27[%dma_start3A_631, %dma_start3A_632] : memref<10112x128xf32, #tpu.memory_space<vmem_shared>> -> memref<10112x128xf32, #tpu.memory_space<vmem_shared>>
      tpu.enqueue_indirect_dma source(%arg12 : memref<88x128xf32, #tpu.memory_space<vmem>>) target(%dma_start3A_633 : memref<10112x128xf32, #tpu.memory_space<vmem_shared>>) offsets(%dma_start3A_630 : memref<88xi32, #tpu.memory_space<vmem>>) semaphore(%arg20 : memref<!tpu.dma_semaphore, #tpu.memory_space<semaphore_mem>>) {add = true}
      %dma_wait3A_634 = arith.constant 2 : i32
      %dma_wait3A_635 = arith.constant 0 : i32
      %dma_wait3A_636 = tpu.memref_slice %arg10[%dma_wait3A_634, %dma_wait3A_635] : memref<6x88xi32, #tpu.memory_space<vmem>> -> memref<1x88xi32, #tpu.memory_space<vmem>>
      %dma_wait3A_637 = tpu.memref_squeeze %dma_wait3A_636 : memref<1x88xi32, #tpu.memory_space<vmem>> -> memref<88xi32, #tpu.memory_space<vmem>>
      %dma_wait3A_638 = arith.constant 0 : i32
      %dma_wait3A_639 = arith.constant 0 : i32
      %dma_wait3A_640 = tpu.memref_slice %arg27[%dma_wait3A_638, %dma_wait3A_639] : memref<10112x128xf32, #tpu.memory_space<vmem_shared>> -> memref<10112x128xf32, #tpu.memory_space<vmem_shared>>
      tpu.wait_indirect_dma semaphore(%arg21 : memref<!tpu.dma_semaphore, #tpu.memory_space<semaphore_mem>>) src(%arg13 : memref<88x128xf32, #tpu.memory_space<vmem>>) dst(%dma_wait3A_640 : memref<10112x128xf32, #tpu.memory_space<vmem_shared>>)
      %dma_wait3A_641 = arith.constant 3 : i32
      %dma_wait3A_642 = arith.constant 0 : i32
      %dma_wait3A_643 = tpu.memref_slice %arg10[%dma_wait3A_641, %dma_wait3A_642] : memref<6x88xi32, #tpu.memory_space<vmem>> -> memref<1x88xi32, #tpu.memory_space<vmem>>
      %dma_wait3A_644 = tpu.memref_squeeze %dma_wait3A_643 : memref<1x88xi32, #tpu.memory_space<vmem>> -> memref<88xi32, #tpu.memory_space<vmem>>
      %dma_wait3A_645 = arith.constant 0 : i32
      %dma_wait3A_646 = arith.constant 0 : i32
      %dma_wait3A_647 = tpu.memref_slice %arg27[%dma_wait3A_645, %dma_wait3A_646] : memref<10112x128xf32, #tpu.memory_space<vmem_shared>> -> memref<10112x128xf32, #tpu.memory_space<vmem_shared>>
      tpu.wait_indirect_dma semaphore(%arg22 : memref<!tpu.dma_semaphore, #tpu.memory_space<semaphore_mem>>) src(%arg14 : memref<88x128xf32, #tpu.memory_space<vmem>>) dst(%dma_wait3A_647 : memref<10112x128xf32, #tpu.memory_space<vmem_shared>>)
      %dma_wait3A_648 = arith.constant 4 : i32
      %dma_wait3A_649 = arith.constant 0 : i32
      %dma_wait3A_650 = tpu.memref_slice %arg10[%dma_wait3A_648, %dma_wait3A_649] : memref<6x88xi32, #tpu.memory_space<vmem>> -> memref<1x88xi32, #tpu.memory_space<vmem>>
      %dma_wait3A_651 = tpu.memref_squeeze %dma_wait3A_650 : memref<1x88xi32, #tpu.memory_space<vmem>> -> memref<88xi32, #tpu.memory_space<vmem>>
      %dma_wait3A_652 = arith.constant 0 : i32
      %dma_wait3A_653 = arith.constant 0 : i32
      %dma_wait3A_654 = tpu.memref_slice %arg27[%dma_wait3A_652, %dma_wait3A_653] : memref<10112x128xf32, #tpu.memory_space<vmem_shared>> -> memref<10112x128xf32, #tpu.memory_space<vmem_shared>>
      tpu.wait_indirect_dma semaphore(%arg19 : memref<!tpu.dma_semaphore, #tpu.memory_space<semaphore_mem>>) src(%arg11 : memref<88x128xf32, #tpu.memory_space<vmem>>) dst(%dma_wait3A_654 : memref<10112x128xf32, #tpu.memory_space<vmem_shared>>)
      %dma_wait3A_655 = arith.constant 5 : i32
      %dma_wait3A_656 = arith.constant 0 : i32
      %dma_wait3A_657 = tpu.memref_slice %arg10[%dma_wait3A_655, %dma_wait3A_656] : memref<6x88xi32, #tpu.memory_space<vmem>> -> memref<1x88xi32, #tpu.memory_space<vmem>>
      %dma_wait3A_658 = tpu.memref_squeeze %dma_wait3A_657 : memref<1x88xi32, #tpu.memory_space<vmem>> -> memref<88xi32, #tpu.memory_space<vmem>>
      %dma_wait3A_659 = arith.constant 0 : i32
      %dma_wait3A_660 = arith.constant 0 : i32
      %dma_wait3A_661 = tpu.memref_slice %arg27[%dma_wait3A_659, %dma_wait3A_660] : memref<10112x128xf32, #tpu.memory_space<vmem_shared>> -> memref<10112x128xf32, #tpu.memory_space<vmem_shared>>
      tpu.wait_indirect_dma semaphore(%arg20 : memref<!tpu.dma_semaphore, #tpu.memory_space<semaphore_mem>>) src(%arg12 : memref<88x128xf32, #tpu.memory_space<vmem>>) dst(%dma_wait3A_661 : memref<10112x128xf32, #tpu.memory_space<vmem_shared>>)
    }
    %scan3A_30 = arith.constant 9 : i32
    %mul3A_31 = arith.constant 19 : i32
    %mul3A_32 = arith.muli %add3A, %mul3A_31 : i32
    %add3A_33 = arith.constant 18 : i32
    %add3A_34 = arith.addi %mul3A_32, %add3A_33 : i32
    %dma_wait3A = arith.constant 0 : i32
    %dma_wait3A_35 = arith.constant 0 : i32
    %dma_wait3A_36 = tpu.memref_slice %arg3[%add3A_34, %dma_wait3A, %dma_wait3A_35] : memref<608x6x88xi32, #tpu.memory_space<hbm>> -> memref<1x6x88xi32, #tpu.memory_space<hbm>>
    %dma_wait3A_37 = tpu.memref_squeeze %dma_wait3A_36 : memref<1x6x88xi32, #tpu.memory_space<hbm>> -> memref<6x88xi32, #tpu.memory_space<hbm>>
    %dma_wait3A_38 = arith.constant 0 : i32
    %dma_wait3A_39 = arith.constant 0 : i32
    %dma_wait3A_40 = tpu.memref_slice %arg3[%add3A_34, %dma_wait3A_38, %dma_wait3A_39] : memref<608x6x88xi32, #tpu.memory_space<hbm>> -> memref<1x6x88xi32, #tpu.memory_space<hbm>>
    %dma_wait3A_41 = tpu.memref_squeeze %dma_wait3A_40 : memref<1x6x88xi32, #tpu.memory_space<hbm>> -> memref<6x88xi32, #tpu.memory_space<hbm>>
    tpu.wait_dma2 semaphore(%arg23 : memref<!tpu.dma_semaphore, #tpu.memory_space<semaphore_mem>>) src(%dma_wait3A_41 : memref<6x88xi32, #tpu.memory_space<hbm>>) dst(%arg7 : memref<6x88xi32, #tpu.memory_space<vmem>>)
    %mul3A_42 = arith.constant 19 : i32
    %mul3A_43 = arith.muli %add3A, %mul3A_42 : i32
    %add3A_44 = arith.constant 18 : i32
    %add3A_45 = arith.addi %mul3A_43, %add3A_44 : i32
    %dma_wait3A_46 = arith.constant 0 : i32
    %dma_wait3A_47 = arith.constant 0 : i32
    %dma_wait3A_48 = tpu.memref_slice %arg4[%add3A_45, %dma_wait3A_46, %dma_wait3A_47] : memref<608x6x88xi32, #tpu.memory_space<hbm>> -> memref<1x6x88xi32, #tpu.memory_space<hbm>>
    %dma_wait3A_49 = tpu.memref_squeeze %dma_wait3A_48 : memref<1x6x88xi32, #tpu.memory_space<hbm>> -> memref<6x88xi32, #tpu.memory_space<hbm>>
    %dma_wait3A_50 = arith.constant 0 : i32
    %dma_wait3A_51 = arith.constant 0 : i32
    %dma_wait3A_52 = tpu.memref_slice %arg4[%add3A_45, %dma_wait3A_50, %dma_wait3A_51] : memref<608x6x88xi32, #tpu.memory_space<hbm>> -> memref<1x6x88xi32, #tpu.memory_space<hbm>>
    %dma_wait3A_53 = tpu.memref_squeeze %dma_wait3A_52 : memref<1x6x88xi32, #tpu.memory_space<hbm>> -> memref<6x88xi32, #tpu.memory_space<hbm>>
    tpu.wait_dma2 semaphore(%arg25 : memref<!tpu.dma_semaphore, #tpu.memory_space<semaphore_mem>>) src(%dma_wait3A_53 : memref<6x88xi32, #tpu.memory_space<hbm>>) dst(%arg9 : memref<6x88xi32, #tpu.memory_space<vmem>>)
    %dma_start3A_54 = arith.constant 0 : i32
    %dma_start3A_55 = arith.constant 0 : i32
    %dma_start3A_56 = tpu.memref_slice %arg7[%dma_start3A_54, %dma_start3A_55] : memref<6x88xi32, #tpu.memory_space<vmem>> -> memref<1x88xi32, #tpu.memory_space<vmem>>
    %dma_start3A_57 = tpu.memref_squeeze %dma_start3A_56 : memref<1x88xi32, #tpu.memory_space<vmem>> -> memref<88xi32, #tpu.memory_space<vmem>>
    %dma_start3A_58 = arith.constant 0 : i32
    %dma_start3A_59 = arith.constant 0 : i32
    %dma_start3A_60 = tpu.memref_slice %arg2[%dma_start3A_58, %dma_start3A_59] : memref<10112x128xf32, #tpu.memory_space<hbm>> -> memref<10112x128xf32, #tpu.memory_space<hbm>>
    tpu.enqueue_indirect_dma source(%dma_start3A_60 : memref<10112x128xf32, #tpu.memory_space<hbm>>) target(%arg11 : memref<88x128xf32, #tpu.memory_space<vmem>>) offsets(%dma_start3A_57 : memref<88xi32, #tpu.memory_space<vmem>>) semaphore(%arg15 : memref<!tpu.dma_semaphore, #tpu.memory_space<semaphore_mem>>)
    %dma_start3A_61 = arith.constant 1 : i32
    %dma_start3A_62 = arith.constant 0 : i32
    %dma_start3A_63 = tpu.memref_slice %arg7[%dma_start3A_61, %dma_start3A_62] : memref<6x88xi32, #tpu.memory_space<vmem>> -> memref<1x88xi32, #tpu.memory_space<vmem>>
    %dma_start3A_64 = tpu.memref_squeeze %dma_start3A_63 : memref<1x88xi32, #tpu.memory_space<vmem>> -> memref<88xi32, #tpu.memory_space<vmem>>
    %dma_start3A_65 = arith.constant 0 : i32
    %dma_start3A_66 = arith.constant 0 : i32
    %dma_start3A_67 = tpu.memref_slice %arg2[%dma_start3A_65, %dma_start3A_66] : memref<10112x128xf32, #tpu.memory_space<hbm>> -> memref<10112x128xf32, #tpu.memory_space<hbm>>
    tpu.enqueue_indirect_dma source(%dma_start3A_67 : memref<10112x128xf32, #tpu.memory_space<hbm>>) target(%arg12 : memref<88x128xf32, #tpu.memory_space<vmem>>) offsets(%dma_start3A_64 : memref<88xi32, #tpu.memory_space<vmem>>) semaphore(%arg16 : memref<!tpu.dma_semaphore, #tpu.memory_space<semaphore_mem>>)
    %dma_wait3A_68 = arith.constant 0 : i32
    %dma_wait3A_69 = arith.constant 0 : i32
    %dma_wait3A_70 = tpu.memref_slice %arg7[%dma_wait3A_68, %dma_wait3A_69] : memref<6x88xi32, #tpu.memory_space<vmem>> -> memref<1x88xi32, #tpu.memory_space<vmem>>
    %dma_wait3A_71 = tpu.memref_squeeze %dma_wait3A_70 : memref<1x88xi32, #tpu.memory_space<vmem>> -> memref<88xi32, #tpu.memory_space<vmem>>
    %dma_wait3A_72 = arith.constant 0 : i32
    %dma_wait3A_73 = arith.constant 0 : i32
    %dma_wait3A_74 = tpu.memref_slice %arg2[%dma_wait3A_72, %dma_wait3A_73] : memref<10112x128xf32, #tpu.memory_space<hbm>> -> memref<10112x128xf32, #tpu.memory_space<hbm>>
    tpu.wait_indirect_dma semaphore(%arg15 : memref<!tpu.dma_semaphore, #tpu.memory_space<semaphore_mem>>) src(%dma_wait3A_74 : memref<10112x128xf32, #tpu.memory_space<hbm>>) dst(%arg11 : memref<88x128xf32, #tpu.memory_space<vmem>>)
    %dma_start3A_75 = arith.constant 0 : i32
    %dma_start3A_76 = arith.constant 0 : i32
    %dma_start3A_77 = tpu.memref_slice %arg9[%dma_start3A_75, %dma_start3A_76] : memref<6x88xi32, #tpu.memory_space<vmem>> -> memref<1x88xi32, #tpu.memory_space<vmem>>
    %dma_start3A_78 = tpu.memref_squeeze %dma_start3A_77 : memref<1x88xi32, #tpu.memory_space<vmem>> -> memref<88xi32, #tpu.memory_space<vmem>>
    %dma_start3A_79 = arith.constant 0 : i32
    %dma_start3A_80 = arith.constant 0 : i32
    %dma_start3A_81 = tpu.memref_slice %arg27[%dma_start3A_79, %dma_start3A_80] : memref<10112x128xf32, #tpu.memory_space<vmem_shared>> -> memref<10112x128xf32, #tpu.memory_space<vmem_shared>>
    tpu.enqueue_indirect_dma source(%arg11 : memref<88x128xf32, #tpu.memory_space<vmem>>) target(%dma_start3A_81 : memref<10112x128xf32, #tpu.memory_space<vmem_shared>>) offsets(%dma_start3A_78 : memref<88xi32, #tpu.memory_space<vmem>>) semaphore(%arg19 : memref<!tpu.dma_semaphore, #tpu.memory_space<semaphore_mem>>) {add = true}
    %dma_start3A_82 = arith.constant 2 : i32
    %dma_start3A_83 = arith.constant 0 : i32
    %dma_start3A_84 = tpu.memref_slice %arg7[%dma_start3A_82, %dma_start3A_83] : memref<6x88xi32, #tpu.memory_space<vmem>> -> memref<1x88xi32, #tpu.memory_space<vmem>>
    %dma_start3A_85 = tpu.memref_squeeze %dma_start3A_84 : memref<1x88xi32, #tpu.memory_space<vmem>> -> memref<88xi32, #tpu.memory_space<vmem>>
    %dma_start3A_86 = arith.constant 0 : i32
    %dma_start3A_87 = arith.constant 0 : i32
    %dma_start3A_88 = tpu.memref_slice %arg2[%dma_start3A_86, %dma_start3A_87] : memref<10112x128xf32, #tpu.memory_space<hbm>> -> memref<10112x128xf32, #tpu.memory_space<hbm>>
    tpu.enqueue_indirect_dma source(%dma_start3A_88 : memref<10112x128xf32, #tpu.memory_space<hbm>>) target(%arg13 : memref<88x128xf32, #tpu.memory_space<vmem>>) offsets(%dma_start3A_85 : memref<88xi32, #tpu.memory_space<vmem>>) semaphore(%arg17 : memref<!tpu.dma_semaphore, #tpu.memory_space<semaphore_mem>>)
    %dma_wait3A_89 = arith.constant 1 : i32
    %dma_wait3A_90 = arith.constant 0 : i32
    %dma_wait3A_91 = tpu.memref_slice %arg7[%dma_wait3A_89, %dma_wait3A_90] : memref<6x88xi32, #tpu.memory_space<vmem>> -> memref<1x88xi32, #tpu.memory_space<vmem>>
    %dma_wait3A_92 = tpu.memref_squeeze %dma_wait3A_91 : memref<1x88xi32, #tpu.memory_space<vmem>> -> memref<88xi32, #tpu.memory_space<vmem>>
    %dma_wait3A_93 = arith.constant 0 : i32
    %dma_wait3A_94 = arith.constant 0 : i32
    %dma_wait3A_95 = tpu.memref_slice %arg2[%dma_wait3A_93, %dma_wait3A_94] : memref<10112x128xf32, #tpu.memory_space<hbm>> -> memref<10112x128xf32, #tpu.memory_space<hbm>>
    tpu.wait_indirect_dma semaphore(%arg16 : memref<!tpu.dma_semaphore, #tpu.memory_space<semaphore_mem>>) src(%dma_wait3A_95 : memref<10112x128xf32, #tpu.memory_space<hbm>>) dst(%arg12 : memref<88x128xf32, #tpu.memory_space<vmem>>)
    %dma_start3A_96 = arith.constant 1 : i32
    %dma_start3A_97 = arith.constant 0 : i32
    %dma_start3A_98 = tpu.memref_slice %arg9[%dma_start3A_96, %dma_start3A_97] : memref<6x88xi32, #tpu.memory_space<vmem>> -> memref<1x88xi32, #tpu.memory_space<vmem>>
    %dma_start3A_99 = tpu.memref_squeeze %dma_start3A_98 : memref<1x88xi32, #tpu.memory_space<vmem>> -> memref<88xi32, #tpu.memory_space<vmem>>
    %dma_start3A_100 = arith.constant 0 : i32
    %dma_start3A_101 = arith.constant 0 : i32
    %dma_start3A_102 = tpu.memref_slice %arg27[%dma_start3A_100, %dma_start3A_101] : memref<10112x128xf32, #tpu.memory_space<vmem_shared>> -> memref<10112x128xf32, #tpu.memory_space<vmem_shared>>
    tpu.enqueue_indirect_dma source(%arg12 : memref<88x128xf32, #tpu.memory_space<vmem>>) target(%dma_start3A_102 : memref<10112x128xf32, #tpu.memory_space<vmem_shared>>) offsets(%dma_start3A_99 : memref<88xi32, #tpu.memory_space<vmem>>) semaphore(%arg20 : memref<!tpu.dma_semaphore, #tpu.memory_space<semaphore_mem>>) {add = true}
    %dma_start3A_103 = arith.constant 3 : i32
    %dma_start3A_104 = arith.constant 0 : i32
    %dma_start3A_105 = tpu.memref_slice %arg7[%dma_start3A_103, %dma_start3A_104] : memref<6x88xi32, #tpu.memory_space<vmem>> -> memref<1x88xi32, #tpu.memory_space<vmem>>
    %dma_start3A_106 = tpu.memref_squeeze %dma_start3A_105 : memref<1x88xi32, #tpu.memory_space<vmem>> -> memref<88xi32, #tpu.memory_space<vmem>>
    %dma_start3A_107 = arith.constant 0 : i32
    %dma_start3A_108 = arith.constant 0 : i32
    %dma_start3A_109 = tpu.memref_slice %arg2[%dma_start3A_107, %dma_start3A_108] : memref<10112x128xf32, #tpu.memory_space<hbm>> -> memref<10112x128xf32, #tpu.memory_space<hbm>>
    tpu.enqueue_indirect_dma source(%dma_start3A_109 : memref<10112x128xf32, #tpu.memory_space<hbm>>) target(%arg14 : memref<88x128xf32, #tpu.memory_space<vmem>>) offsets(%dma_start3A_106 : memref<88xi32, #tpu.memory_space<vmem>>) semaphore(%arg18 : memref<!tpu.dma_semaphore, #tpu.memory_space<semaphore_mem>>)
    %dma_wait3A_110 = arith.constant 2 : i32
    %dma_wait3A_111 = arith.constant 0 : i32
    %dma_wait3A_112 = tpu.memref_slice %arg7[%dma_wait3A_110, %dma_wait3A_111] : memref<6x88xi32, #tpu.memory_space<vmem>> -> memref<1x88xi32, #tpu.memory_space<vmem>>
    %dma_wait3A_113 = tpu.memref_squeeze %dma_wait3A_112 : memref<1x88xi32, #tpu.memory_space<vmem>> -> memref<88xi32, #tpu.memory_space<vmem>>
    %dma_wait3A_114 = arith.constant 0 : i32
    %dma_wait3A_115 = arith.constant 0 : i32
    %dma_wait3A_116 = tpu.memref_slice %arg2[%dma_wait3A_114, %dma_wait3A_115] : memref<10112x128xf32, #tpu.memory_space<hbm>> -> memref<10112x128xf32, #tpu.memory_space<hbm>>
    tpu.wait_indirect_dma semaphore(%arg17 : memref<!tpu.dma_semaphore, #tpu.memory_space<semaphore_mem>>) src(%dma_wait3A_116 : memref<10112x128xf32, #tpu.memory_space<hbm>>) dst(%arg13 : memref<88x128xf32, #tpu.memory_space<vmem>>)
    %dma_start3A_117 = arith.constant 2 : i32
    %dma_start3A_118 = arith.constant 0 : i32
    %dma_start3A_119 = tpu.memref_slice %arg9[%dma_start3A_117, %dma_start3A_118] : memref<6x88xi32, #tpu.memory_space<vmem>> -> memref<1x88xi32, #tpu.memory_space<vmem>>
    %dma_start3A_120 = tpu.memref_squeeze %dma_start3A_119 : memref<1x88xi32, #tpu.memory_space<vmem>> -> memref<88xi32, #tpu.memory_space<vmem>>
    %dma_start3A_121 = arith.constant 0 : i32
    %dma_start3A_122 = arith.constant 0 : i32
    %dma_start3A_123 = tpu.memref_slice %arg27[%dma_start3A_121, %dma_start3A_122] : memref<10112x128xf32, #tpu.memory_space<vmem_shared>> -> memref<10112x128xf32, #tpu.memory_space<vmem_shared>>
    tpu.enqueue_indirect_dma source(%arg13 : memref<88x128xf32, #tpu.memory_space<vmem>>) target(%dma_start3A_123 : memref<10112x128xf32, #tpu.memory_space<vmem_shared>>) offsets(%dma_start3A_120 : memref<88xi32, #tpu.memory_space<vmem>>) semaphore(%arg21 : memref<!tpu.dma_semaphore, #tpu.memory_space<semaphore_mem>>) {add = true}
    %dma_wait3A_124 = arith.constant 0 : i32
    %dma_wait3A_125 = arith.constant 0 : i32
    %dma_wait3A_126 = tpu.memref_slice %arg9[%dma_wait3A_124, %dma_wait3A_125] : memref<6x88xi32, #tpu.memory_space<vmem>> -> memref<1x88xi32, #tpu.memory_space<vmem>>
    %dma_wait3A_127 = tpu.memref_squeeze %dma_wait3A_126 : memref<1x88xi32, #tpu.memory_space<vmem>> -> memref<88xi32, #tpu.memory_space<vmem>>
    %dma_wait3A_128 = arith.constant 0 : i32
    %dma_wait3A_129 = arith.constant 0 : i32
    %dma_wait3A_130 = tpu.memref_slice %arg27[%dma_wait3A_128, %dma_wait3A_129] : memref<10112x128xf32, #tpu.memory_space<vmem_shared>> -> memref<10112x128xf32, #tpu.memory_space<vmem_shared>>
    tpu.wait_indirect_dma semaphore(%arg19 : memref<!tpu.dma_semaphore, #tpu.memory_space<semaphore_mem>>) src(%arg11 : memref<88x128xf32, #tpu.memory_space<vmem>>) dst(%dma_wait3A_130 : memref<10112x128xf32, #tpu.memory_space<vmem_shared>>)
    %dma_start3A_131 = arith.constant 4 : i32
    %dma_start3A_132 = arith.constant 0 : i32
    %dma_start3A_133 = tpu.memref_slice %arg7[%dma_start3A_131, %dma_start3A_132] : memref<6x88xi32, #tpu.memory_space<vmem>> -> memref<1x88xi32, #tpu.memory_space<vmem>>
    %dma_start3A_134 = tpu.memref_squeeze %dma_start3A_133 : memref<1x88xi32, #tpu.memory_space<vmem>> -> memref<88xi32, #tpu.memory_space<vmem>>
    %dma_start3A_135 = arith.constant 0 : i32
    %dma_start3A_136 = arith.constant 0 : i32
    %dma_start3A_137 = tpu.memref_slice %arg2[%dma_start3A_135, %dma_start3A_136] : memref<10112x128xf32, #tpu.memory_space<hbm>> -> memref<10112x128xf32, #tpu.memory_space<hbm>>
    tpu.enqueue_indirect_dma source(%dma_start3A_137 : memref<10112x128xf32, #tpu.memory_space<hbm>>) target(%arg11 : memref<88x128xf32, #tpu.memory_space<vmem>>) offsets(%dma_start3A_134 : memref<88xi32, #tpu.memory_space<vmem>>) semaphore(%arg15 : memref<!tpu.dma_semaphore, #tpu.memory_space<semaphore_mem>>)
    %dma_wait3A_138 = arith.constant 3 : i32
    %dma_wait3A_139 = arith.constant 0 : i32
    %dma_wait3A_140 = tpu.memref_slice %arg7[%dma_wait3A_138, %dma_wait3A_139] : memref<6x88xi32, #tpu.memory_space<vmem>> -> memref<1x88xi32, #tpu.memory_space<vmem>>
    %dma_wait3A_141 = tpu.memref_squeeze %dma_wait3A_140 : memref<1x88xi32, #tpu.memory_space<vmem>> -> memref<88xi32, #tpu.memory_space<vmem>>
    %dma_wait3A_142 = arith.constant 0 : i32
    %dma_wait3A_143 = arith.constant 0 : i32
    %dma_wait3A_144 = tpu.memref_slice %arg2[%dma_wait3A_142, %dma_wait3A_143] : memref<10112x128xf32, #tpu.memory_space<hbm>> -> memref<10112x128xf32, #tpu.memory_space<hbm>>
    tpu.wait_indirect_dma semaphore(%arg18 : memref<!tpu.dma_semaphore, #tpu.memory_space<semaphore_mem>>) src(%dma_wait3A_144 : memref<10112x128xf32, #tpu.memory_space<hbm>>) dst(%arg14 : memref<88x128xf32, #tpu.memory_space<vmem>>)
    %dma_start3A_145 = arith.constant 3 : i32
    %dma_start3A_146 = arith.constant 0 : i32
    %dma_start3A_147 = tpu.memref_slice %arg9[%dma_start3A_145, %dma_start3A_146] : memref<6x88xi32, #tpu.memory_space<vmem>> -> memref<1x88xi32, #tpu.memory_space<vmem>>
    %dma_start3A_148 = tpu.memref_squeeze %dma_start3A_147 : memref<1x88xi32, #tpu.memory_space<vmem>> -> memref<88xi32, #tpu.memory_space<vmem>>
    %dma_start3A_149 = arith.constant 0 : i32
    %dma_start3A_150 = arith.constant 0 : i32
    %dma_start3A_151 = tpu.memref_slice %arg27[%dma_start3A_149, %dma_start3A_150] : memref<10112x128xf32, #tpu.memory_space<vmem_shared>> -> memref<10112x128xf32, #tpu.memory_space<vmem_shared>>
    tpu.enqueue_indirect_dma source(%arg14 : memref<88x128xf32, #tpu.memory_space<vmem>>) target(%dma_start3A_151 : memref<10112x128xf32, #tpu.memory_space<vmem_shared>>) offsets(%dma_start3A_148 : memref<88xi32, #tpu.memory_space<vmem>>) semaphore(%arg22 : memref<!tpu.dma_semaphore, #tpu.memory_space<semaphore_mem>>) {add = true}
    %dma_wait3A_152 = arith.constant 1 : i32
    %dma_wait3A_153 = arith.constant 0 : i32
    %dma_wait3A_154 = tpu.memref_slice %arg9[%dma_wait3A_152, %dma_wait3A_153] : memref<6x88xi32, #tpu.memory_space<vmem>> -> memref<1x88xi32, #tpu.memory_space<vmem>>
    %dma_wait3A_155 = tpu.memref_squeeze %dma_wait3A_154 : memref<1x88xi32, #tpu.memory_space<vmem>> -> memref<88xi32, #tpu.memory_space<vmem>>
    %dma_wait3A_156 = arith.constant 0 : i32
    %dma_wait3A_157 = arith.constant 0 : i32
    %dma_wait3A_158 = tpu.memref_slice %arg27[%dma_wait3A_156, %dma_wait3A_157] : memref<10112x128xf32, #tpu.memory_space<vmem_shared>> -> memref<10112x128xf32, #tpu.memory_space<vmem_shared>>
    tpu.wait_indirect_dma semaphore(%arg20 : memref<!tpu.dma_semaphore, #tpu.memory_space<semaphore_mem>>) src(%arg12 : memref<88x128xf32, #tpu.memory_space<vmem>>) dst(%dma_wait3A_158 : memref<10112x128xf32, #tpu.memory_space<vmem_shared>>)
    %dma_start3A_159 = arith.constant 5 : i32
    %dma_start3A_160 = arith.constant 0 : i32
    %dma_start3A_161 = tpu.memref_slice %arg7[%dma_start3A_159, %dma_start3A_160] : memref<6x88xi32, #tpu.memory_space<vmem>> -> memref<1x88xi32, #tpu.memory_space<vmem>>
    %dma_start3A_162 = tpu.memref_squeeze %dma_start3A_161 : memref<1x88xi32, #tpu.memory_space<vmem>> -> memref<88xi32, #tpu.memory_space<vmem>>
    %dma_start3A_163 = arith.constant 0 : i32
    %dma_start3A_164 = arith.constant 0 : i32
    %dma_start3A_165 = tpu.memref_slice %arg2[%dma_start3A_163, %dma_start3A_164] : memref<10112x128xf32, #tpu.memory_space<hbm>> -> memref<10112x128xf32, #tpu.memory_space<hbm>>
    tpu.enqueue_indirect_dma source(%dma_start3A_165 : memref<10112x128xf32, #tpu.memory_space<hbm>>) target(%arg12 : memref<88x128xf32, #tpu.memory_space<vmem>>) offsets(%dma_start3A_162 : memref<88xi32, #tpu.memory_space<vmem>>) semaphore(%arg16 : memref<!tpu.dma_semaphore, #tpu.memory_space<semaphore_mem>>)
    %dma_wait3A_166 = arith.constant 4 : i32
    %dma_wait3A_167 = arith.constant 0 : i32
    %dma_wait3A_168 = tpu.memref_slice %arg7[%dma_wait3A_166, %dma_wait3A_167] : memref<6x88xi32, #tpu.memory_space<vmem>> -> memref<1x88xi32, #tpu.memory_space<vmem>>
    %dma_wait3A_169 = tpu.memref_squeeze %dma_wait3A_168 : memref<1x88xi32, #tpu.memory_space<vmem>> -> memref<88xi32, #tpu.memory_space<vmem>>
    %dma_wait3A_170 = arith.constant 0 : i32
    %dma_wait3A_171 = arith.constant 0 : i32
    %dma_wait3A_172 = tpu.memref_slice %arg2[%dma_wait3A_170, %dma_wait3A_171] : memref<10112x128xf32, #tpu.memory_space<hbm>> -> memref<10112x128xf32, #tpu.memory_space<hbm>>
    tpu.wait_indirect_dma semaphore(%arg15 : memref<!tpu.dma_semaphore, #tpu.memory_space<semaphore_mem>>) src(%dma_wait3A_172 : memref<10112x128xf32, #tpu.memory_space<hbm>>) dst(%arg11 : memref<88x128xf32, #tpu.memory_space<vmem>>)
    %dma_start3A_173 = arith.constant 4 : i32
    %dma_start3A_174 = arith.constant 0 : i32
    %dma_start3A_175 = tpu.memref_slice %arg9[%dma_start3A_173, %dma_start3A_174] : memref<6x88xi32, #tpu.memory_space<vmem>> -> memref<1x88xi32, #tpu.memory_space<vmem>>
    %dma_start3A_176 = tpu.memref_squeeze %dma_start3A_175 : memref<1x88xi32, #tpu.memory_space<vmem>> -> memref<88xi32, #tpu.memory_space<vmem>>
    %dma_start3A_177 = arith.constant 0 : i32
    %dma_start3A_178 = arith.constant 0 : i32
    %dma_start3A_179 = tpu.memref_slice %arg27[%dma_start3A_177, %dma_start3A_178] : memref<10112x128xf32, #tpu.memory_space<vmem_shared>> -> memref<10112x128xf32, #tpu.memory_space<vmem_shared>>
    tpu.enqueue_indirect_dma source(%arg11 : memref<88x128xf32, #tpu.memory_space<vmem>>) target(%dma_start3A_179 : memref<10112x128xf32, #tpu.memory_space<vmem_shared>>) offsets(%dma_start3A_176 : memref<88xi32, #tpu.memory_space<vmem>>) semaphore(%arg19 : memref<!tpu.dma_semaphore, #tpu.memory_space<semaphore_mem>>) {add = true}
    %dma_wait3A_180 = arith.constant 5 : i32
    %dma_wait3A_181 = arith.constant 0 : i32
    %dma_wait3A_182 = tpu.memref_slice %arg7[%dma_wait3A_180, %dma_wait3A_181] : memref<6x88xi32, #tpu.memory_space<vmem>> -> memref<1x88xi32, #tpu.memory_space<vmem>>
    %dma_wait3A_183 = tpu.memref_squeeze %dma_wait3A_182 : memref<1x88xi32, #tpu.memory_space<vmem>> -> memref<88xi32, #tpu.memory_space<vmem>>
    %dma_wait3A_184 = arith.constant 0 : i32
    %dma_wait3A_185 = arith.constant 0 : i32
    %dma_wait3A_186 = tpu.memref_slice %arg2[%dma_wait3A_184, %dma_wait3A_185] : memref<10112x128xf32, #tpu.memory_space<hbm>> -> memref<10112x128xf32, #tpu.memory_space<hbm>>
    tpu.wait_indirect_dma semaphore(%arg16 : memref<!tpu.dma_semaphore, #tpu.memory_space<semaphore_mem>>) src(%dma_wait3A_186 : memref<10112x128xf32, #tpu.memory_space<hbm>>) dst(%arg12 : memref<88x128xf32, #tpu.memory_space<vmem>>)
    %dma_start3A_187 = arith.constant 5 : i32
    %dma_start3A_188 = arith.constant 0 : i32
    %dma_start3A_189 = tpu.memref_slice %arg9[%dma_start3A_187, %dma_start3A_188] : memref<6x88xi32, #tpu.memory_space<vmem>> -> memref<1x88xi32, #tpu.memory_space<vmem>>
    %dma_start3A_190 = tpu.memref_squeeze %dma_start3A_189 : memref<1x88xi32, #tpu.memory_space<vmem>> -> memref<88xi32, #tpu.memory_space<vmem>>
    %dma_start3A_191 = arith.constant 0 : i32
    %dma_start3A_192 = arith.constant 0 : i32
    %dma_start3A_193 = tpu.memref_slice %arg27[%dma_start3A_191, %dma_start3A_192] : memref<10112x128xf32, #tpu.memory_space<vmem_shared>> -> memref<10112x128xf32, #tpu.memory_space<vmem_shared>>
    tpu.enqueue_indirect_dma source(%arg12 : memref<88x128xf32, #tpu.memory_space<vmem>>) target(%dma_start3A_193 : memref<10112x128xf32, #tpu.memory_space<vmem_shared>>) offsets(%dma_start3A_190 : memref<88xi32, #tpu.memory_space<vmem>>) semaphore(%arg20 : memref<!tpu.dma_semaphore, #tpu.memory_space<semaphore_mem>>) {add = true}
    %dma_wait3A_194 = arith.constant 2 : i32
    %dma_wait3A_195 = arith.constant 0 : i32
    %dma_wait3A_196 = tpu.memref_slice %arg9[%dma_wait3A_194, %dma_wait3A_195] : memref<6x88xi32, #tpu.memory_space<vmem>> -> memref<1x88xi32, #tpu.memory_space<vmem>>
    %dma_wait3A_197 = tpu.memref_squeeze %dma_wait3A_196 : memref<1x88xi32, #tpu.memory_space<vmem>> -> memref<88xi32, #tpu.memory_space<vmem>>
    %dma_wait3A_198 = arith.constant 0 : i32
    %dma_wait3A_199 = arith.constant 0 : i32
    %dma_wait3A_200 = tpu.memref_slice %arg27[%dma_wait3A_198, %dma_wait3A_199] : memref<10112x128xf32, #tpu.memory_space<vmem_shared>> -> memref<10112x128xf32, #tpu.memory_space<vmem_shared>>
    tpu.wait_indirect_dma semaphore(%arg21 : memref<!tpu.dma_semaphore, #tpu.memory_space<semaphore_mem>>) src(%arg13 : memref<88x128xf32, #tpu.memory_space<vmem>>) dst(%dma_wait3A_200 : memref<10112x128xf32, #tpu.memory_space<vmem_shared>>)
    %dma_wait3A_201 = arith.constant 3 : i32
    %dma_wait3A_202 = arith.constant 0 : i32
    %dma_wait3A_203 = tpu.memref_slice %arg9[%dma_wait3A_201, %dma_wait3A_202] : memref<6x88xi32, #tpu.memory_space<vmem>> -> memref<1x88xi32, #tpu.memory_space<vmem>>
    %dma_wait3A_204 = tpu.memref_squeeze %dma_wait3A_203 : memref<1x88xi32, #tpu.memory_space<vmem>> -> memref<88xi32, #tpu.memory_space<vmem>>
    %dma_wait3A_205 = arith.constant 0 : i32
    %dma_wait3A_206 = arith.constant 0 : i32
    %dma_wait3A_207 = tpu.memref_slice %arg27[%dma_wait3A_205, %dma_wait3A_206] : memref<10112x128xf32, #tpu.memory_space<vmem_shared>> -> memref<10112x128xf32, #tpu.memory_space<vmem_shared>>
    tpu.wait_indirect_dma semaphore(%arg22 : memref<!tpu.dma_semaphore, #tpu.memory_space<semaphore_mem>>) src(%arg14 : memref<88x128xf32, #tpu.memory_space<vmem>>) dst(%dma_wait3A_207 : memref<10112x128xf32, #tpu.memory_space<vmem_shared>>)
    %dma_wait3A_208 = arith.constant 4 : i32
    %dma_wait3A_209 = arith.constant 0 : i32
    %dma_wait3A_210 = tpu.memref_slice %arg9[%dma_wait3A_208, %dma_wait3A_209] : memref<6x88xi32, #tpu.memory_space<vmem>> -> memref<1x88xi32, #tpu.memory_space<vmem>>
    %dma_wait3A_211 = tpu.memref_squeeze %dma_wait3A_210 : memref<1x88xi32, #tpu.memory_space<vmem>> -> memref<88xi32, #tpu.memory_space<vmem>>
    %dma_wait3A_212 = arith.constant 0 : i32
    %dma_wait3A_213 = arith.constant 0 : i32
    %dma_wait3A_214 = tpu.memref_slice %arg27[%dma_wait3A_212, %dma_wait3A_213] : memref<10112x128xf32, #tpu.memory_space<vmem_shared>> -> memref<10112x128xf32, #tpu.memory_space<vmem_shared>>
    tpu.wait_indirect_dma semaphore(%arg19 : memref<!tpu.dma_semaphore, #tpu.memory_space<semaphore_mem>>) src(%arg11 : memref<88x128xf32, #tpu.memory_space<vmem>>) dst(%dma_wait3A_214 : memref<10112x128xf32, #tpu.memory_space<vmem_shared>>)
    %dma_wait3A_215 = arith.constant 5 : i32
    %dma_wait3A_216 = arith.constant 0 : i32
    %dma_wait3A_217 = tpu.memref_slice %arg9[%dma_wait3A_215, %dma_wait3A_216] : memref<6x88xi32, #tpu.memory_space<vmem>> -> memref<1x88xi32, #tpu.memory_space<vmem>>
    %dma_wait3A_218 = tpu.memref_squeeze %dma_wait3A_217 : memref<1x88xi32, #tpu.memory_space<vmem>> -> memref<88xi32, #tpu.memory_space<vmem>>
    %dma_wait3A_219 = arith.constant 0 : i32
    %dma_wait3A_220 = arith.constant 0 : i32
    %dma_wait3A_221 = tpu.memref_slice %arg27[%dma_wait3A_219, %dma_wait3A_220] : memref<10112x128xf32, #tpu.memory_space<vmem_shared>> -> memref<10112x128xf32, #tpu.memory_space<vmem_shared>>
    tpu.wait_indirect_dma semaphore(%arg20 : memref<!tpu.dma_semaphore, #tpu.memory_space<semaphore_mem>>) src(%arg12 : memref<88x128xf32, #tpu.memory_space<vmem>>) dst(%dma_wait3A_221 : memref<10112x128xf32, #tpu.memory_space<vmem_shared>>)
    %barrier3A_222 = arith.constant 0 : index
    tpu.barrier barrier_id(%barrier3A_222)
    %mul3A_223 = arith.constant 632 : i32
    %mul3A_224 = arith.muli %arg1, %mul3A_223 : i32
    %mul3A_225 = arith.constant 632 : i32
    %mul3A_226 = arith.muli %arg1, %mul3A_225 : i32
    "tpu.region"() ({
      %run_scoped3A = tpu.sem_alloc : memref<!tpu.dma_semaphore, #tpu.memory_space<semaphore_mem>>
      %dma_start3A_227 = arith.constant 0 : i32
      %dma_start3A_228 = tpu.memref_slice %arg6[%arg0, %mul3A_226, %dma_start3A_227] : memref<2x10112x128xf32, #tpu.memory_space<hbm>> -> memref<1x632x128xf32, #tpu.memory_space<hbm>>
      %dma_start3A_229 = tpu.memref_squeeze %dma_start3A_228 : memref<1x632x128xf32, #tpu.memory_space<hbm>> -> memref<632x128xf32, #tpu.memory_space<hbm>>
      %dma_start3A_230 = arith.constant 0 : i32
      %dma_start3A_231 = tpu.memref_slice %arg27[%mul3A_224, %dma_start3A_230] : memref<10112x128xf32, #tpu.memory_space<vmem_shared>> -> memref<632x128xf32, #tpu.memory_space<vmem_shared>>
      tpu.enqueue_dma source(%dma_start3A_231 : memref<632x128xf32, #tpu.memory_space<vmem_shared>>) target(%dma_start3A_229 : memref<632x128xf32, #tpu.memory_space<hbm>>) target_semaphore(%run_scoped3A : memref<!tpu.dma_semaphore, #tpu.memory_space<semaphore_mem>>)
      %dma_wait3A_232 = arith.constant 0 : i32
      %dma_wait3A_233 = tpu.memref_slice %arg6[%arg0, %mul3A_226, %dma_wait3A_232] : memref<2x10112x128xf32, #tpu.memory_space<hbm>> -> memref<1x632x128xf32, #tpu.memory_space<hbm>>
      %dma_wait3A_234 = tpu.memref_squeeze %dma_wait3A_233 : memref<1x632x128xf32, #tpu.memory_space<hbm>> -> memref<632x128xf32, #tpu.memory_space<hbm>>
      %dma_wait3A_235 = arith.constant 0 : i32
      %dma_wait3A_236 = tpu.memref_slice %arg27[%mul3A_224, %dma_wait3A_235] : memref<10112x128xf32, #tpu.memory_space<vmem_shared>> -> memref<632x128xf32, #tpu.memory_space<vmem_shared>>
      tpu.wait_dma2 semaphore(%run_scoped3A : memref<!tpu.dma_semaphore, #tpu.memory_space<semaphore_mem>>) src(%dma_wait3A_236 : memref<632x128xf32, #tpu.memory_space<vmem_shared>>) dst(%dma_wait3A_234 : memref<632x128xf32, #tpu.memory_space<hbm>>)
      tpu.yield
    }) : () -> ()
    return
  }
}

module attributes {stable_mosaic.version = 14 : i64} {
  func.func @_prep_body(%arg0: memref<32x80x128xf32, #tpu.memory_space<vmem>>, %arg1: memref<80x128xf32, #tpu.memory_space<vmem>>, %arg2: memref<80x128xf32, #tpu.memory_space<vmem>>) attributes {dimension_semantics = [], scalar_prefetch = 0 : i64, scratch_operands = 0 : i64, tpu.core_type = #tpu.core_type<tc>} {
    %get3A = arith.constant 0 : index
    %get3A_0 = arith.constant 0 : index
    %get3A_1 = arith.constant 0 : index
    %get3A_2 = vector.load %arg0[%get3A, %get3A_0, %get3A_1] : memref<32x80x128xf32, #tpu.memory_space<vmem>>, vector<32x80x128xf32>
    %reduce_sum3A = arith.constant dense<0.000000e+00> : vector<80x128xf32>
    %reduce_sum3A_3 = vector.multi_reduction <add>, %get3A_2, %reduce_sum3A [0] : vector<32x80x128xf32> to vector<80x128xf32>
    %add3A = arith.constant 1.000000e+00 : f32
    %add3A_4 = vector.broadcast %add3A : f32 to vector<80x128xf32>
    %add3A_5 = arith.addf %reduce_sum3A_3, %add3A_4 : vector<80x128xf32>
    %rsqrt3A = math.rsqrt %add3A_5 : vector<80x128xf32>
    %swap3A = arith.constant 0 : index
    %swap3A_6 = arith.constant 0 : index
    %swap3A_7 = vector.load %arg1[%swap3A, %swap3A_6] : memref<80x128xf32, #tpu.memory_space<vmem>>, vector<80x128xf32>
    tpu.vector_store %arg1[%swap3A, %swap3A_6], %rsqrt3A {strides = array<i32>} : memref<80x128xf32, #tpu.memory_space<vmem>>, vector<80x128xf32>,
    %div3A = arith.constant 1.000000e+00 : f32
    %div3A_8 = vector.broadcast %div3A : f32 to vector<80x128xf32>
    %div3A_9 = arith.divf %div3A_8, %add3A_5 : vector<80x128xf32>
    %swap3A_10 = arith.constant 0 : index
    %swap3A_11 = arith.constant 0 : index
    %swap3A_12 = vector.load %arg2[%swap3A_10, %swap3A_11] : memref<80x128xf32, #tpu.memory_space<vmem>>, vector<80x128xf32>
    tpu.vector_store %arg2[%swap3A_10, %swap3A_11], %div3A_9 {strides = array<i32>} : memref<80x128xf32, #tpu.memory_space<vmem>>, vector<80x128xf32>,
    return
  }
}

module attributes {stable_mosaic.version = 14 : i64} {
  func.func @_scale_body(%arg0: i32, %arg1: memref<1264x128xf32, #tpu.memory_space<vmem>>, %arg2: memref<1264x1xf32, #tpu.memory_space<vmem>>, %arg3: memref<1264x128xf32, #tpu.memory_space<vmem>>) attributes {dimension_semantics = [#tpu.dimension_semantics<arbitrary>], iteration_bounds = array<i64: 8>, scalar_prefetch = 0 : i64, scratch_operands = 0 : i64, tpu.core_type = #tpu.core_type<tc>, window_params = [{transform_indices = @transform_0, window_bounds = array<i64: 1264, 128>}, {transform_indices = @transform_1, window_bounds = array<i64: 1264, 1>}, {transform_indices = @transform_2, window_bounds = array<i64: 1264, 128>}]} {
    %get3A = arith.constant 0 : index
    %get3A_0 = arith.constant 0 : index
    %get3A_1 = vector.load %arg1[%get3A, %get3A_0] : memref<1264x128xf32, #tpu.memory_space<vmem>>, vector<1264x128xf32>
    %get3A_2 = arith.constant 0 : index
    %get3A_3 = arith.constant 0 : index
    %get3A_4 = vector.load %arg2[%get3A_2, %get3A_3] : memref<1264x1xf32, #tpu.memory_space<vmem>>, vector<1264x1xf32>
    %mul3A = vector.broadcast %get3A_4 : vector<1264x1xf32> to vector<1264x128xf32>
    %mul3A_5 = arith.mulf %get3A_1, %mul3A : vector<1264x128xf32>
    %swap3A = arith.constant 0 : index
    %swap3A_6 = arith.constant 0 : index
    %swap3A_7 = vector.load %arg3[%swap3A, %swap3A_6] : memref<1264x128xf32, #tpu.memory_space<vmem>>, vector<1264x128xf32>
    tpu.vector_store %arg3[%swap3A, %swap3A_6], %mul3A_5 {strides = array<i32>} : memref<1264x128xf32, #tpu.memory_space<vmem>>, vector<1264x128xf32>,
    return
  }
  func.func @transform_0(%arg0: i32) -> (i32, i32) {
    %c0_i32 = arith.constant 0 : i32
    %c0_i32_0 = arith.constant 0 : i32
    return %arg0, %c0_i32 : i32, i32
  }
  func.func @transform_1(%arg0: i32) -> (i32, i32) {
    %c0_i32 = arith.constant 0 : i32
    %c0_i32_0 = arith.constant 0 : i32
    return %arg0, %c0_i32 : i32, i32
  }
  func.func @transform_2(%arg0: i32) -> (i32, i32) {
    %c0_i32 = arith.constant 0 : i32
    %c0_i32_0 = arith.constant 0 : i32
    return %arg0, %c0_i32 : i32, i32
  }
}

module attributes {stable_mosaic.version = 14 : i64} {
  func.func @_comb_body(%arg0: i32, %arg1: memref<2x1264x128xf32, #tpu.memory_space<vmem>>, %arg2: memref<1264x128xf32, #tpu.memory_space<vmem>>, %arg3: memref<1264x1xf32, #tpu.memory_space<vmem>>, %arg4: memref<1264x128xf32, #tpu.memory_space<vmem>>) attributes {dimension_semantics = [#tpu.dimension_semantics<arbitrary>], iteration_bounds = array<i64: 8>, scalar_prefetch = 0 : i64, scratch_operands = 0 : i64, tpu.core_type = #tpu.core_type<tc>, window_params = [{transform_indices = @transform_0, window_bounds = array<i64: 2, 1264, 128>}, {transform_indices = @transform_1, window_bounds = array<i64: 1264, 128>}, {transform_indices = @transform_2, window_bounds = array<i64: 1264, 1>}, {transform_indices = @transform_3, window_bounds = array<i64: 1264, 128>}]} {
    %get3A = arith.constant 0 : index
    %get3A_0 = arith.constant 0 : index
    %get3A_1 = arith.constant 0 : index
    %get3A_2 = vector.load %arg1[%get3A, %get3A_0, %get3A_1] : memref<2x1264x128xf32, #tpu.memory_space<vmem>>, vector<1x1264x128xf32>
    %get3A_3 = vector.shape_cast %get3A_2 : vector<1x1264x128xf32> to vector<1264x128xf32>
    %get3A_4 = arith.constant 1 : index
    %get3A_5 = arith.constant 0 : index
    %get3A_6 = arith.constant 0 : index
    %get3A_7 = vector.load %arg1[%get3A_4, %get3A_5, %get3A_6] : memref<2x1264x128xf32, #tpu.memory_space<vmem>>, vector<1x1264x128xf32>
    %get3A_8 = vector.shape_cast %get3A_7 : vector<1x1264x128xf32> to vector<1264x128xf32>
    %add3A = arith.addf %get3A_3, %get3A_8 : vector<1264x128xf32>
    %get3A_9 = arith.constant 0 : index
    %get3A_10 = arith.constant 0 : index
    %get3A_11 = vector.load %arg2[%get3A_9, %get3A_10] : memref<1264x128xf32, #tpu.memory_space<vmem>>, vector<1264x128xf32>
    %add3A_12 = arith.addf %add3A, %get3A_11 : vector<1264x128xf32>
    %get3A_13 = arith.constant 0 : index
    %get3A_14 = arith.constant 0 : index
    %get3A_15 = vector.load %arg3[%get3A_13, %get3A_14] : memref<1264x1xf32, #tpu.memory_space<vmem>>, vector<1264x1xf32>
    %mul3A = vector.broadcast %get3A_15 : vector<1264x1xf32> to vector<1264x128xf32>
    %mul3A_16 = arith.mulf %add3A_12, %mul3A : vector<1264x128xf32>
    %swap3A = arith.constant 0 : index
    %swap3A_17 = arith.constant 0 : index
    %swap3A_18 = vector.load %arg4[%swap3A, %swap3A_17] : memref<1264x128xf32, #tpu.memory_space<vmem>>, vector<1264x128xf32>
    tpu.vector_store %arg4[%swap3A, %swap3A_17], %mul3A_16 {strides = array<i32>} : memref<1264x128xf32, #tpu.memory_space<vmem>>, vector<1264x128xf32>,
    return
  }
  func.func @transform_0(%arg0: i32) -> (i32, i32, i32) {
    %c0_i32 = arith.constant 0 : i32
    %c0_i32_0 = arith.constant 0 : i32
    %c0_i32_1 = arith.constant 0 : i32
    return %c0_i32, %arg0, %c0_i32_0 : i32, i32, i32
  }
  func.func @transform_1(%arg0: i32) -> (i32, i32) {
    %c0_i32 = arith.constant 0 : i32
    %c0_i32_0 = arith.constant 0 : i32
    return %arg0, %c0_i32 : i32, i32
  }
  func.func @transform_2(%arg0: i32) -> (i32, i32) {
    %c0_i32 = arith.constant 0 : i32
    %c0_i32_0 = arith.constant 0 : i32
    return %arg0, %c0_i32 : i32, i32
  }
  func.func @transform_3(%arg0: i32) -> (i32, i32) {
    %c0_i32 = arith.constant 0 : i32
    %c0_i32_0 = arith.constant 0 : i32
    return %arg0, %c0_i32 : i32, i32
  }
}

module attributes {stable_mosaic.version = 14 : i64} {
  func.func @_final_body(%arg0: i32, %arg1: memref<2x1264x128xf32, #tpu.memory_space<vmem>>, %arg2: memref<1264x128xf32, #tpu.memory_space<vmem>>, %arg3: memref<1264x1xf32, #tpu.memory_space<vmem>>, %arg4: memref<128x128xf32, #tpu.memory_space<vmem>>, %arg5: memref<1x128xf32, #tpu.memory_space<vmem>>, %arg6: memref<1264x128xf32, #tpu.memory_space<vmem>>) attributes {dimension_semantics = [#tpu.dimension_semantics<arbitrary>], iteration_bounds = array<i64: 8>, scalar_prefetch = 0 : i64, scratch_operands = 0 : i64, tpu.core_type = #tpu.core_type<tc>, window_params = [{transform_indices = @transform_0, window_bounds = array<i64: 2, 1264, 128>}, {transform_indices = @transform_1, window_bounds = array<i64: 1264, 128>}, {transform_indices = @transform_2, window_bounds = array<i64: 1264, 1>}, {pipeline_mode = #tpu.pipeline_mode<synchronous>, transform_indices = @transform_3, window_bounds = array<i64: 128, 128>}, {pipeline_mode = #tpu.pipeline_mode<synchronous>, transform_indices = @transform_4, window_bounds = array<i64: 1, 128>}, {transform_indices = @transform_5, window_bounds = array<i64: 1264, 128>}]} {
    %get3A = arith.constant 0 : index
    %get3A_0 = arith.constant 0 : index
    %get3A_1 = arith.constant 0 : index
    %get3A_2 = vector.load %arg1[%get3A, %get3A_0, %get3A_1] : memref<2x1264x128xf32, #tpu.memory_space<vmem>>, vector<1x1264x128xf32>
    %get3A_3 = vector.shape_cast %get3A_2 : vector<1x1264x128xf32> to vector<1264x128xf32>
    %get3A_4 = arith.constant 1 : index
    %get3A_5 = arith.constant 0 : index
    %get3A_6 = arith.constant 0 : index
    %get3A_7 = vector.load %arg1[%get3A_4, %get3A_5, %get3A_6] : memref<2x1264x128xf32, #tpu.memory_space<vmem>>, vector<1x1264x128xf32>
    %get3A_8 = vector.shape_cast %get3A_7 : vector<1x1264x128xf32> to vector<1264x128xf32>
    %add3A = arith.addf %get3A_3, %get3A_8 : vector<1264x128xf32>
    %get3A_9 = arith.constant 0 : index
    %get3A_10 = arith.constant 0 : index
    %get3A_11 = vector.load %arg2[%get3A_9, %get3A_10] : memref<1264x128xf32, #tpu.memory_space<vmem>>, vector<1264x128xf32>
    %add3A_12 = arith.addf %add3A, %get3A_11 : vector<1264x128xf32>
    %get3A_13 = arith.constant 0 : index
    %get3A_14 = arith.constant 0 : index
    %get3A_15 = vector.load %arg3[%get3A_13, %get3A_14] : memref<1264x1xf32, #tpu.memory_space<vmem>>, vector<1264x1xf32>
    %mul3A = vector.broadcast %get3A_15 : vector<1264x1xf32> to vector<1264x128xf32>
    %mul3A_16 = arith.mulf %add3A_12, %mul3A : vector<1264x128xf32>
    %get3A_17 = arith.constant 0 : index
    %get3A_18 = arith.constant 0 : index
    %get3A_19 = vector.load %arg4[%get3A_17, %get3A_18] : memref<128x128xf32, #tpu.memory_space<vmem>>, vector<128x128xf32>
    %dot_general3A = arith.constant dense<0.000000e+00> : vector<1264x128xf32>
    %dot_general3A_20 = tpu.matmul %mul3A_16, %get3A_19, %dot_general3A {dimension_numbers = #tpu.dot_dimension_numbers<[1], [1], [0], [0], [0, 0, 1, 0], [], []>, transpose_lhs_hint = false} : vector<1264x128xf32>, vector<128x128xf32>, vector<1264x128xf32> -> vector<1264x128xf32>
    %get3A_21 = arith.constant 0 : index
    %get3A_22 = arith.constant 0 : index
    %get3A_23 = vector.load %arg5[%get3A_21, %get3A_22] : memref<1x128xf32, #tpu.memory_space<vmem>>, vector<1x128xf32>
    %add3A_24 = vector.broadcast %get3A_23 : vector<1x128xf32> to vector<1264x128xf32>
    %add3A_25 = arith.addf %dot_general3A_20, %add3A_24 : vector<1264x128xf32>
    %swap3A = arith.constant 0 : index
    %swap3A_26 = arith.constant 0 : index
    %swap3A_27 = vector.load %arg6[%swap3A, %swap3A_26] : memref<1264x128xf32, #tpu.memory_space<vmem>>, vector<1264x128xf32>
    tpu.vector_store %arg6[%swap3A, %swap3A_26], %add3A_25 {strides = array<i32>} : memref<1264x128xf32, #tpu.memory_space<vmem>>, vector<1264x128xf32>,
    return
  }
  func.func @transform_0(%arg0: i32) -> (i32, i32, i32) {
    %c0_i32 = arith.constant 0 : i32
    %c0_i32_0 = arith.constant 0 : i32
    %c0_i32_1 = arith.constant 0 : i32
    return %c0_i32, %arg0, %c0_i32_0 : i32, i32, i32
  }
  func.func @transform_1(%arg0: i32) -> (i32, i32) {
    %c0_i32 = arith.constant 0 : i32
    %c0_i32_0 = arith.constant 0 : i32
    return %arg0, %c0_i32 : i32, i32
  }
  func.func @transform_2(%arg0: i32) -> (i32, i32) {
    %c0_i32 = arith.constant 0 : i32
    %c0_i32_0 = arith.constant 0 : i32
    return %arg0, %c0_i32 : i32, i32
  }
  func.func @transform_3(%arg0: i32) -> (i32, i32) {
    %c0_i32 = arith.constant 0 : i32
    %c0_i32_0 = arith.constant 0 : i32
    %c0_i32_1 = arith.constant 0 : i32
    return %c0_i32, %c0_i32_0 : i32, i32
  }
  func.func @transform_4(%arg0: i32) -> (i32, i32) {
    %c0_i32 = arith.constant 0 : i32
    %c0_i32_0 = arith.constant 0 : i32
    %c0_i32_1 = arith.constant 0 : i32
    return %c0_i32, %c0_i32_0 : i32, i32
  }
  func.func @transform_5(%arg0: i32) -> (i32, i32) {
    %c0_i32 = arith.constant 0 : i32
    %c0_i32_0 = arith.constant 0 : i32
    return %arg0, %c0_i32 : i32, i32
  }
}

</mosaic_0001>

<sc_bundles>
// kernel: kernel.12.cloned.1.call-start
scs
__scs_entry_jumppad:
0x0: {  	(pc) =	sbr.rel $0x88, $3  }
0x1: {  	(tag) =	ssettag $0x0;
	lr =	simm.s32 $0x1  }
0x2: {  	[smem:$0x3F9D] =	sst lr;
	_ =	strace $0xD0000000  }
0x3: {  	_ = 	snop  }
0x4: {  	_ = 	snop  }
0x5: {  	_ = 	snop  }
0x6: {  	_ = 	snop  }
0x7: {  	_ = 	snop  }
__scs_overlays_trampoline_lowered:
0x8: {  	[smem:$0x3FAC] =	sst s0  }
0x9: {  	[smem:$0x3FAD] =	sst s1  }
0xa: {  	[smem:$0x3FAE] =	sst s2  }
0xb: {  	[smem:$0x3FAF] =	sst s3  }
0xc: {  	[smem:$0x3FB0] =	sst s4  }
0xd: {  	[smem:$0x3FB1] =	sst s5  }
0xe: {  	[smem:$0x3FB2] =	sst s6  }
0xf: {  	[smem:$0x3FB3] =	sst s7  }
0x10: {  	[smem:$0x3FB4] =	sst s8  }
0x11: {  	[smem:$0x3FB5] =	sst s9;
	s0 =	simm.s32 @!p0 $0x0  }
0x12: {  	s1 =	sld [smem:$0x3F9B];
	s0 =	simm.s32 @p0 $0x1  }
0x13: {  	[smem:$0x3FB6] =	sst s0;
	s0 =	simm.s32 @!p1 $0x0  }
0x14: {  	s2 =	sld [smem:$0x3F9A];
	s0 =	simm.s32 @p1 $0x1  }
0x15: {  	[smem:$0x3FB7] =	sst s0;
	s0 =	simm.s32 @!p2 $0x0  }
0x16: {  	s3 =	sld [smem:$0x3FDB];
	s0 =	simm.s32 @p2 $0x1  }
0x17: {  	s4 =	simm.s32 $0x1BF5;
	[smem:$0x3FB9] =	sst s0  }
0x18: {  	s0 =	sld [smem:$0x3F9C];
	_ =	swait.ge [sflag:s4], $0x0  }
0x19: {  	s7 =	sld [smem:$0x3F9D]  }
0x1a: {  	s8 =	sadd.s32 $0xFFFFE003, lr  }
0x1b: {  	s9 =	sadd.s32 $0xFFFFFEF7, lr;
	s5 =	simm.s32 $0xFFFFFFFF;
	p2 =	slt.u32 s8, $0xFFFFF086  }
0x1c: {  	p1 =	slt.u32 s9, $0xF7A;
	s5 =	simm.s32 @!p2 $0x0  }
0x1d: {  	s5 =	simm.s32 @p1 $0x1;
	p0 =	seq.s32 s7, s2  }
0x1e: {  	s7 =	smul.u32 @!p0 $0xF7A, s2;
	p2 =	seq.s32 @!p0 s5, $0x0  }
0x1f: {  	s9 =	smul.u32 $0xF7A, s1;
	s8 =	simm.s32 @!p0 $0x1BF5;
	p2 =	por !p2, p0  }
0x20: {  	[sflag:s8] =	ssyncset.s32 @!p0 $0xFFFFF086;
	s6 =	sadd.s32 @!p0 s3, s7;
	s7 =	simm.s32 @!p0 $0x108  }
0x21: {  	s3 =	sadd.s32 s3, s9;
	s6 =	sadd.s32 @!p0 $0x88, s6;
	s7 =	simm.s32 @p2 $0x1082  }
0x22: {  	[simem:s7], [sflag:s8] =	dma.local @!p0 [hbm:s6], $0xF7A  }
0x23: {  	s9 =	sor.u32 $0xD0000000, s2;
	s6 =	simm.s32 $0x108;
	_ =	swait.ge @!p0 [sflag:s8], $0x0  }
0x24: {  	s3 =	sadd.s32 $0x88, s3;
	s6 =	simm.s32 @!p1 $0x1082;
	[sflag:s4] =	ssyncset.s32 $0xFFFFF086  }
0x25: {  	[simem:s6], [sflag:s4] =	dma.local [hbm:s3], $0xF7A  }
0x26: {  	[smem:$0x3F9D] =	sst s1;
	(tag) =	ssettag s2;
	_ =	strace s9  }
0x27: {  	s1 =	sld [smem:$0x3FAD]  }
0x28: {  	s2 =	sld [smem:$0x3FAE]  }
0x29: {  	s4 =	sld [smem:$0x3FB0]  }
0x2a: {  	p0 =	seq.s32 s5, $0x0;
	s5 =	sld [smem:$0x3FB1]  }
0x2b: {  	s6 =	sld [smem:$0x3FB2]  }
0x2c: {  	s7 =	sld [smem:$0x3FB3]  }
0x2d: {  	s3 =	simm.s32 $0x108;
	s8 =	sld [smem:$0x3FB4]  }
0x2e: {  	s3 =	simm.s32 @!p0 $0x1082;
	s9 =	sld [smem:$0x3FB5]  }
0x2f: {  	lr =	sadd.s32 s0, s3;
	s0 =	sld [smem:$0x3FAC]  }
0x30: {  	s3 =	sld [smem:$0x3FAF]  }
0x31: {  	[smem:$0x3FB8] =	sst s10  }
0x32: {  	s10 =	sld [smem:$0x3FB6];
	_ =	sdelay $0x3  }
0x33: {  	p0 =	seq.s32 s10, $0x1;
	s10 =	sld [smem:$0x3FB8];
	_ =	sdelay $0x3  }
0x34: {  	[smem:$0x3FB8] =	sst s10  }
0x35: {  	s10 =	sld [smem:$0x3FB7];
	_ =	sdelay $0x3  }
0x36: {  	p1 =	seq.s32 s10, $0x1;
	s10 =	sld [smem:$0x3FB8];
	_ =	sdelay $0x3  }
0x37: {  	[smem:$0x3FB8] =	sst s10  }
0x38: {  	s10 =	sld [smem:$0x3FB9]  }
0x39: {  	_ = 	snop;
	(pc) =	sbr.ind lr, $3  }
0x3a: {  	_ = 	snop  }
0x3b: {  	_ = 	snop  }
0x3c: {  	p2 =	seq.s32 s10, $0x1;
	s10 =	sld [smem:$0x3FB8]  }
0x3d: {  	_ =	shalt  }
0x3e: {  	_ =	shalt  }
0x3f: {  	_ =	shalt  }
0x40: {  	_ =	shalt  }
0x41: {  	_ =	shalt  }
0x42: {  	_ =	shalt  }
0x43: {  	_ =	shalt  }
0x44: {  	_ =	shalt  }
0x45: {  	_ =	shalt  }
0x46: {  	_ =	shalt  }
0x47: {  	_ =	shalt  }
0x48: {  	_ =	shalt  }
0x49: {  	_ =	shalt  }
0x4a: {  	_ =	shalt  }
0x4b: {  	_ =	shalt  }
0x4c: {  	_ =	shalt  }
0x4d: {  	_ =	shalt  }
0x4e: {  	_ =	shalt  }
0x4f: {  	_ =	shalt  }
0x50: {  	_ =	shalt  }
0x51: {  	_ =	shalt  }
0x52: {  	_ =	shalt  }
0x53: {  	_ =	shalt  }
0x54: {  	_ =	shalt  }
0x55: {  	_ =	shalt  }
0x56: {  	_ =	shalt  }
0x57: {  	_ =	shalt  }
0x58: {  	_ =	shalt  }
0x59: {  	_ =	shalt  }
0x5a: {  	_ =	shalt  }
0x5b: {  	_ =	shalt  }
0x5c: {  	_ =	shalt  }
0x5d: {  	_ =	shalt  }
0x5e: {  	_ =	shalt  }
0x5f: {  	_ =	shalt  }
0x60: {  	_ =	shalt  }
0x61: {  	_ =	shalt  }
0x62: {  	_ =	shalt  }
0x63: {  	_ =	shalt  }
0x64: {  	_ =	shalt  }
0x65: {  	_ =	shalt  }
0x66: {  	_ =	shalt  }
0x67: {  	_ =	shalt  }
0x68: {  	_ =	shalt  }
0x69: {  	_ =	shalt  }
0x6a: {  	_ =	shalt  }
0x6b: {  	_ =	shalt  }
0x6c: {  	_ =	shalt  }
0x6d: {  	_ =	shalt  }
0x6e: {  	_ =	shalt  }
0x6f: {  	_ =	shalt  }
0x70: {  	_ =	shalt  }
0x71: {  	_ =	shalt  }
0x72: {  	_ =	shalt  }
0x73: {  	_ =	shalt  }
0x74: {  	_ =	shalt  }
0x75: {  	_ =	shalt  }
0x76: {  	_ =	shalt  }
0x77: {  	_ =	shalt  }
0x78: {  	_ =	shalt  }
0x79: {  	_ =	shalt  }
0x7a: {  	_ =	shalt  }
0x7b: {  	_ =	shalt  }
0x7c: {  	_ =	shalt  }
0x7d: {  	_ =	shalt  }
0x7e: {  	_ =	shalt  }
0x7f: {  	_ =	shalt  }
0x80: {  	_ =	shalt  }
0x81: {  	_ =	shalt  }
0x82: {  	_ =	shalt  }
0x83: {  	_ =	shalt  }
0x84: {  	_ =	shalt  }
0x85: {  	_ =	shalt  }
0x86: {  	_ =	shalt  }
0x87: {  	_ =	shalt  }
.Lfunc_end0:
.L_simem_size_0:
called_computation.1_lowered:
.L_overlay_start_0:
0x88: {  	s2 =	sld [smem:$0x3FD9]  }
0x89: {  	s3 =	sld [smem:$0x3FFE];
	_ =	sdelay $0x1  }
0x8a: {  	s1 =	srdreg.scid  }
0x8b: {  	s0 =	sand.u32 $0x1, s1  }
0x8c: {  	s17 =	sshll.u32 s0, $0xA;
	s2 =	sadd.s32 s3, s2  }
0x8d: {  	s2 =	sadd.s32 s2, s17  }
0x8e: {  	[smem:$0x3FC4] =	sst s2  }
0x8f: {  	_ = 	snop  }
0x90: {  	s2 =	sld [smem:$0x3FD0];
	(tm) =	ssettm $0x1  }
0x91: {  	s18 =	sld [smem:$0x3FFB];
	_ =	sdelay $0x3  }
0x92: {  	_ =	strace s18  }
0x93: {  	s3 =	sld [smem:$0x3FFC];
	_ =	sdelay $0x3  }
0x94: {  	_ =	strace s3  }
0x95: {  	s3 =	sld [smem:$0x3FFD];
	_ =	sdelay $0x3  }
0x96: {  	_ =	strace s3  }
0x97: {  	_ =	strace $0x8FFFFFFF  }
0x98: {  	s19 =	sld [smem:$0x3FDB];
	_ =	sdelay $0x1  }
0x99: {  	s4 =	simm.s32 $_scs_section_size  }
0x9a: {  	s5 =	simm.s32 $_size__tile_overlayer_lowered;
	s6 =	simm.s32 $_tile_overlayer_lowered  }
0x9b: {  	s22 =	simm.s32 $0x1BFF;
	s21 =	sshll.u32 s6, $0x1;
	s3 =	sadd.s32 s4, s19  }
0x9c: {  	s7 =	simm.s32 $0x0;
	s20 =	sshll.u32 s5, $0x1;
	s5 =	sadd.s32 s21, s3  }
0x9d: {  	[timem:s7], [sflag:s22] =	dma.local [hbm:s5], s20  }
0x9e: {  	_ =	swait.ge [sflag:s22], s20  }
0x9f: {  	s4 =	ssub.s32 $0x0, s20;
	[sflag:s22] =	ssyncset.done $0x0  }
0xa0: {  	[sflag:s22] =	ssyncadd.s32 s4;
	_ =	sdelay $0x1  }
0xa1: {  	s23 =	simm.s32 $0x1B8B  }
0xa2: {  	_ =	swait.ge [sflag:s23], $0x1  }
0xa3: {  	[sflag:s23] =	ssyncset.done $0x0  }
0xa4: {  	s25 =	simm.s32 $0x1B8E;
	s24 =	sld [smem:$0x3FFE];
	[sflag:s23] =	ssyncadd.s32 $0xFFFFFFFF  }
0xa5: {  	s26 =	simm.s32 $execute0_lowered;
	[smem:$0x3FD2] =	sst s25  }
0xa6: {  	s5 =	sshll.u32 s26, $0x1;
	_ =	strace $0x80000049;
	[dreg:$0x1] =	wrdreg $0xFFFFFFFF  }
0xa7: {  	s28 =	simm.s32 $_size_execute0_lowered;
	s3 =	sadd.s32 s3, s5;
	[dreg:$0x0] =	wrdreg $0x0  }
0xa8: {  	s5 =	sshll.u32 s28, $0x1;
	[dreg:$0x2] =	wrdreg s3  }
0xa9: {  	[dreg:$0x3] =	wrdreg s5  }
0xaa: {  	[dreg:$0x4] =	wrdreg $0xC0  }
0xab: {  	_ =	task [dreg:s7], $0x5FFFF  }
0xac: {  	[dreg:$0x1] =	wrdreg $0xFFFFFFFF  }
0xad: {  	[dreg:$0x0] =	wrdreg $0x60  }
0xae: {  	[dreg:$0x2] =	wrdreg s24  }
0xaf: {  	[dreg:$0x3] =	wrdreg s2  }
0xb0: {  	[dreg:$0x4] =	wrdreg $0xC0000  }
0xb1: {  	[dreg:$0x5] =	wrdreg $0x9  }
0xb2: {  	_ =	task.clear_ibuf [dreg:s7], $0x6FFFF;
	_ =	strace $0x90000049  }
0xb3: {  	s29 =	simm.s32 $0x9;
	_ =	strace $0x8000004B  }
0xb4: {  	_ =	swait.ge [sflag:s29], $0x1  }
0xb5: {  	[sflag:s29] =	ssyncadd.s32 $0xFFFFFFFF  }
0xb6: {  	_ =	strace $0x9000004B  }
0xb7: {  	_ =	sfence  }
0xb8: {  	s30 =	sld [smem:$0x0];
	_ =	sdelay $0x2  }
0xb9: {  	s31 =	sshll.u32 s1, $0xD;
	s1 =	sshrl.u32 s1, $0x2  }
0xba: {  	s3 =	sand.u32 $0x4000, s31;
	s1 =	sadd.s32 s1, s30  }
0xbb: {  	s0 =	sor.u32 s3, s0;
	s1 =	sshll.u32 s1, $0x11  }
0xbc: {  	s0 =	sor.u32 s1, s0  }
0xbd: {  	s0 =	sadd.s32 $0x8F2B, s0  }
0xbe: {  	[sflag:s0] =	ssyncadd.remote.s32 $0x1  }
0xbf: {  	_ =	sfence.sel $0xFFFF  }
0xc0: {  	[dreg:$0x0] =	wrdreg $0xFFFFFFFF;
	(pc) =	sbr.abs _section_cstart, $3  }
0xc1: {  	[dreg:$0x1] =	wrdreg $0xFFFFFFFF  }
0xc2: {  	_ =	task.clear_ibuf [dreg:s7], $0x2FFFF;
	_ =	strace $0x9FFFFFFF  }
0xc3: {  	(tm) =	ssettm $0x7FFFFFFF  }
tec
execute0_lowered:
.L_overlay_start_1:
0x0: {  	(tag) =	ssettag $0x1  }
0x1: {  	s0 =	rddreg [dreg:$0x0]  }
0x2: {  	s2 =	rddreg [dreg:$0x1]  }
0x3: {  	s1 =	rddreg [dreg:$0x2]  }
0x4: {  	s3 =	simm.s32 $0x0;
	s4 =	srdreg.scid;
	s12 =	stileid.u32  }
0x5: {  	s31 =	simm.s32 $0xD;
	s16 =	simm.s32 $0x480;
	s29 =	simm.s32 $0x9400  }
0x6: {  	s30 =	simm.s32 $0x3;
	[smem:$0x7FF] =	sst s3;
	s7 =	smul.u32 $0x13C00, s12  }
0x7: {  	s5 =	sand.u32 $0x1, s4;
	s9 =	sadd.s32 $0x18400, s0;
	s18 =	smul.u32 $0x13, s12  }
0x8: {  	s10 =	sadd.s32 $0xBC00, s0;
	s11 =	smul.u32 $0x4F000, s12;
	s24 =	sshll.u32 s12, $0x6  }
0x9: {  	s6 =	smul.u32 $0x13C000, s5;
	s4 =	sshll.u32 s5, $0x4;
	_ =	strace $0x8000004A  }
0xa: {  	[dreg:$0x12] =	wrdreg s10;
	s17 =	smul.u32 $0x130, s5;
	s5 =	ssub.s32 $0x2, s5  }
0xb: {  	s26 =	sor.u32 $0x1C0D, s24;
	[dreg:$0x8] =	wrdreg s16;
	s16 =	simm.s32 $0x400  }
0xc: {  	s24 =	simm.s32 $0xE00;
	s8 =	sor.u32 s12, s4;
	s4 =	sadd.s32 $0x2B400, s0  }
0xd: {  	s19 =	sshrl.u32 s5, $0x1;
	s23 =	sshrl.u32 s11, $0x2;
	[dreg:$0x10] =	wrdreg s24  }
0xe: {  	s24 =	simm.s32 $0x6800;
	[dreg:$0x15] =	wrdreg s26;
	s8 =	smul.u32 $0x980, s8  }
0xf: {  	s6 =	sadd.s32 s7, s6;
	s5 =	ssub.s32 s5, s19;
	s21 =	sadd.s32 s18, s17  }
0x10: {  	s7 =	sadd.s32 s23, s1;
	s17 =	simm.s32 $0x500;
	s18 =	simm.s32 $0xC80  }
0x11: {  	s19 =	simm.s32 $0x580;
	s23 =	simm.s32 $0x680;
	[dreg:$0x9] =	wrdreg s17  }
0x12: {  	s6 =	sshrl.u32 s6, $0x3;
	s14 =	smax.u32 s5, $0x1;
	[dreg:$0xa] =	wrdreg s18  }
0x13: {  	s28 =	sshrl.u32 s7, $0x3;
	s17 =	simm.s32 $0xC00;
	[dreg:$0xb] =	wrdreg s19  }
0x14: {  	s18 =	simm.s32 $0x58;
	s19 =	simm.s32 $0x1000;
	[dreg:$0xf] =	wrdreg s23  }
0x15: {  	s5 =	simm.s32 $0x4;
	s7 =	simm.s32 $0x6;
	s23 =	simm.s32 $0xC  }
0x16: {  	s0 =	sadd.s32 s6, s0;
	s20 =	sadd.s32 s2, s8;
	[dreg:$0x17] =	wrdreg s14  }
0x17: {  	s22 =	sadd.s32 s9, s8;
	s6 =	sshll.u32 s21, $0x7;
	[dreg:$0x18] =	wrdreg s28  }
0x18: {  	s14 =	simm.s32 $0x9;
	s21 =	simm.s32 $0x600;
	[dreg:$0x13] =	wrdreg s20  }
0x19: {  	s8 =	simm.s32 $0xA80;
	[dreg:$0x14] =	wrdreg s22;
	s25 =	sadd.s32 s6, s2  }
0x1a: {  	s11 =	sadd.s32 s6, s9;
	s6 =	sadd.s32 $0x80, s6;
	s0 =	sadd.s32 $0x52C00, s0  }
0x1b: {  	s20 =	simm.s32 $0xD00;
	[dreg:$0xd] =	wrdreg s21;
	s22 =	simm.s32 $0xD80  }
0x1c: {  	s21 =	simm.s32 $0x3C00;
	s10 =	sadd.s32 $0x100, s25;
	[dreg:$0x16] =	wrdreg s0  }
0x1d: {  	s12 =	sadd.s32 $0x100, s11;
	s13 =	sadd.s32 s6, s2;
	[dreg:$0xc] =	wrdreg s20  }
0x1e: {  	s15 =	sadd.s32 s6, s9;
	s11 =	simm.s32 $0x800;
	[dreg:$0xe] =	wrdreg s22  }
0x1f: {  	s22 =	simm.s32 $0x1;
	s25 =	simm.s32 $0xE80;
	[dreg:$0x4] =	wrdreg s10  }
0x20: {  	s0 =	simm.s32 $0x5;
	s6 =	simm.s32 $0x980;
	[dreg:$0x5] =	wrdreg s12  }
0x21: {  	s9 =	simm.s32 $0x280;
	s20 =	simm.s32 $0xA;
	[dreg:$0x6] =	wrdreg s13  }
0x22: {  	s2 =	simm.s32 $0x0;
	[dreg:$0x7] =	wrdreg s15;
	s15 =	simm.s32 $0xB  }
0x23: {  	[dreg:$0x11] =	wrdreg s25;
	s25 =	simm.s32 $0x2;
	s10 =	simm.s32 $0xA00  }
0x24: {  	s12 =	simm.s32 $0x7;
	s13 =	simm.s32 $0x8;
	[dreg:$0x19] =	wrdreg s2  }
.LBB2_1:
0x25: {  	s2 =	rddreg [dreg:$0x13]  }
0x26: {  	[tilespmem:s3], [sflag:$0x9] =	stream.linear.gather [hbm4b:s2+s3], $0x300, $0x38;
	[tilespmem:$0x1FC00] =	vst v63  }
0x27: {  	s2 =	rddreg [dreg:$0x14]  }
0x28: {  	[tilespmem:s11], [sflag:$0xB] =	stream.linear.gather [hbm4b:s2+s3], $0x300, $0x38;
	[tilespmem:$0x1FC00] =	vst v63  }
0x29: {  	s2 =	rddreg [dreg:$0x12]  }
0x2a: {  	[spmem:s28], [sflag:s26] =	dma.local [hbm:s2], $0x2780  }
0x2b: {  	_ =	swait.ge [sflag:s31], $0x2780  }
0x2c: {  	[sflag:s31] =	ssyncset.done $0x0  }
0x2d: {  	[sflag:s31] =	ssyncadd.s32 $0xFFFFD880  }
0x2e: {  	[bflag:$0x0] =	sbarrier.arrive $0xFFFF  }
0x2f: {  	_ =	swait.ge [sflag:s14], $0x300  }
0x30: {  	[sflag:s14] =	ssyncset.done $0x0  }
0x31: {  	[sflag:s14] =	ssyncadd.s32 $0xFFFFFD00  }
0x32: {  	_ =	swait.ge [sflag:s15], $0x300  }
0x33: {  	s2 =	rddreg [dreg:$0x6];
	[sflag:s15] =	ssyncset.done $0x0  }
0x34: {  	s31 =	rddreg [dreg:$0x7];
	[sflag:s15] =	ssyncadd.s32 $0xFFFFFD00;
	s26 =	sadd.s32 $0x0, s2  }
0x35: {  	[tilespmem:s16], [sflag:$0xA] =	stream.linear.gather [hbm4b:s26+s3], $0x300, $0x38;
	[tilespmem:$0x1FC00] =	vst v63  }
0x36: {  	s2 =	sadd.s32 $0x0, s31  }
0x37: {  	[tilespmem:s17], [sflag:$0xC] =	stream.linear.gather [hbm4b:s2+s3], $0x300, $0x38;
	[tilespmem:$0x1FC00] =	vst v63  }
0x38: {  	_ = 	snop  }
0x39: {  	[tilespmem:s19], [sflag:$0x1] =	stream.indirect.gather [hbm4b:s4+s18], $0x80, s3, s18, $0xb8;
	[tilespmem:$0x1FC00] =	vst v63  }
0x3a: {  	s26 =	simm.s32 $0x80  }
0x3b: {  	[tilespmem:s21], [sflag:$0x2] =	stream.indirect.gather [hbm4b:s4+s18], $0x80, s26, s18, $0xb8;
	[tilespmem:$0x1FC00] =	vst v63  }
0x3c: {  	_ =	swait.ge [sflag:s22], $0x2C00  }
0x3d: {  	[sflag:s22] =	ssyncset.done $0x0  }
0x3e: {  	[sflag:s22] =	ssyncadd.s32 $0xFFFFD400  }
0x3f: {  	[spmem:s1] =	stream.indirect.scatter.add.f32 [tilespmem:s19], [sflag:$0x5], $0x80, s11, s18, $0xb8;
	[tilespmem:$0x1FC00] =	vst v63  }
0x40: {  	s28 =	simm.s32 $0x100  }
0x41: {  	[tilespmem:s24], [sflag:$0x3] =	stream.indirect.gather [hbm4b:s4+s18], $0x80, s28, s18, $0xb8;
	[tilespmem:$0x1FC00] =	vst v63  }
0x42: {  	_ =	swait.ge [sflag:s25], $0x2C00  }
0x43: {  	[sflag:s25] =	ssyncset.done $0x0  }
0x44: {  	s31 =	simm.s32 $0x880;
	[sflag:s25] =	ssyncadd.s32 $0xFFFFD400  }
0x45: {  	[spmem:s1] =	stream.indirect.scatter.add.f32 [tilespmem:s21], [sflag:$0x6], $0x80, s31, s18, $0xb8;
	[tilespmem:$0x1FC00] =	vst v63  }
0x46: {  	s26 =	simm.s32 $0x180  }
0x47: {  	[tilespmem:s29], [sflag:$0x4] =	stream.indirect.gather [hbm4b:s4+s18], $0x80, s26, s18, $0xb8;
	[tilespmem:$0x1FC00] =	vst v63  }
0x48: {  	_ =	swait.ge [sflag:s30], $0x2C00  }
0x49: {  	[sflag:s30] =	ssyncset.done $0x0  }
0x4a: {  	s28 =	simm.s32 $0x900;
	[sflag:s30] =	ssyncadd.s32 $0xFFFFD400  }
0x4b: {  	[spmem:s1] =	stream.indirect.scatter.add.f32 [tilespmem:s24], [sflag:$0x7], $0x80, s28, s18, $0xb8;
	[tilespmem:$0x1FC00] =	vst v63  }
0x4c: {  	_ =	swait.ge [sflag:s0], $0x2C00  }
0x4d: {  	[sflag:s0] =	ssyncset.done $0x0  }
0x4e: {  	s31 =	simm.s32 $0x200;
	[sflag:s0] =	ssyncadd.s32 $0xFFFFD400  }
0x4f: {  	[tilespmem:s19], [sflag:$0x1] =	stream.indirect.gather [hbm4b:s4+s18], $0x80, s31, s18, $0xb8;
	[tilespmem:$0x1FC00] =	vst v63  }
0x50: {  	_ =	swait.ge [sflag:s5], $0x2C00  }
0x51: {  	[sflag:s5] =	ssyncset.done $0x0  }
0x52: {  	[sflag:s5] =	ssyncadd.s32 $0xFFFFD400  }
0x53: {  	[spmem:s1] =	stream.indirect.scatter.add.f32 [tilespmem:s29], [sflag:$0x8], $0x80, s6, s18, $0xb8;
	[tilespmem:$0x1FC00] =	vst v63  }
0x54: {  	_ =	swait.ge [sflag:s7], $0x2C00  }
0x55: {  	[sflag:s7] =	ssyncset.done $0x0  }
0x56: {  	[sflag:s7] =	ssyncadd.s32 $0xFFFFD400  }
0x57: {  	[tilespmem:s21], [sflag:$0x2] =	stream.indirect.gather [hbm4b:s4+s18], $0x80, s9, s18, $0xb8;
	[tilespmem:$0x1FC00] =	vst v63  }
0x58: {  	_ =	swait.ge [sflag:s22], $0x2C00  }
0x59: {  	[sflag:s22] =	ssyncset.done $0x0  }
0x5a: {  	[sflag:s22] =	ssyncadd.s32 $0xFFFFD400  }
0x5b: {  	[spmem:s1] =	stream.indirect.scatter.add.f32 [tilespmem:s19], [sflag:$0x5], $0x80, s10, s18, $0xb8;
	[tilespmem:$0x1FC00] =	vst v63  }
0x5c: {  	_ =	swait.ge [sflag:s25], $0x2C00  }
0x5d: {  	[sflag:s25] =	ssyncset.done $0x0  }
0x5e: {  	[sflag:s25] =	ssyncadd.s32 $0xFFFFD400  }
0x5f: {  	[spmem:s1] =	stream.indirect.scatter.add.f32 [tilespmem:s21], [sflag:$0x6], $0x80, s8, s18, $0xb8;
	[tilespmem:$0x1FC00] =	vst v63  }
0x60: {  	_ =	swait.ge [sflag:s12], $0x2C00  }
0x61: {  	[sflag:s12] =	ssyncset.done $0x0  }
0x62: {  	[sflag:s12] =	ssyncadd.s32 $0xFFFFD400  }
0x63: {  	_ =	swait.ge [sflag:s13], $0x2C00  }
0x64: {  	[sflag:s13] =	ssyncset.done $0x0  }
0x65: {  	[sflag:s13] =	ssyncadd.s32 $0xFFFFD400  }
0x66: {  	_ =	swait.ge [sflag:s0], $0x2C00  }
0x67: {  	[sflag:s0] =	ssyncset.done $0x0  }
0x68: {  	[sflag:s0] =	ssyncadd.s32 $0xFFFFD400  }
0x69: {  	_ =	swait.ge [sflag:s7], $0x2C00  }
0x6a: {  	[sflag:s7] =	ssyncset.done $0x0  }
0x6b: {  	[sflag:s7] =	ssyncadd.s32 $0xFFFFD400  }
0x6c: {  	_ =	swait.ge [sflag:s20], $0x300  }
0x6d: {  	[sflag:s20] =	ssyncset.done $0x0  }
0x6e: {  	[sflag:s20] =	ssyncadd.s32 $0xFFFFFD00  }
0x6f: {  	_ =	swait.ge [sflag:s23], $0x300  }
0x70: {  	s2 =	rddreg [dreg:$0x4];
	[sflag:s23] =	ssyncset.done $0x0  }
0x71: {  	s31 =	rddreg [dreg:$0x5];
	[sflag:s23] =	ssyncadd.s32 $0xFFFFFD00;
	s26 =	sadd.s32 $0x0, s2  }
0x72: {  	[tilespmem:s3], [sflag:$0x9] =	stream.linear.gather [hbm4b:s26+s3], $0x300, $0x38;
	[tilespmem:$0x1FC00] =	vst v63  }
0x73: {  	s2 =	sadd.s32 $0x0, s31  }
0x74: {  	[tilespmem:s11], [sflag:$0xB] =	stream.linear.gather [hbm4b:s2+s3], $0x300, $0x38;
	[tilespmem:$0x1FC00] =	vst v63  }
0x75: {  	_ = 	snop  }
0x76: {  	[tilespmem:s19], [sflag:$0x1] =	stream.indirect.gather [hbm4b:s4+s18], $0x80, s16, s18, $0xb8;
	[tilespmem:$0x1FC00] =	vst v63  }
0x77: {  	s28 =	rddreg [dreg:$0x8]  }
0x78: {  	[tilespmem:s21], [sflag:$0x2] =	stream.indirect.gather [hbm4b:s4+s18], $0x80, s28, s18, $0xb8;
	[tilespmem:$0x1FC00] =	vst v63  }
0x79: {  	_ =	swait.ge [sflag:s22], $0x2C00  }
0x7a: {  	[sflag:s22] =	ssyncset.done $0x0  }
0x7b: {  	[sflag:s22] =	ssyncadd.s32 $0xFFFFD400  }
0x7c: {  	[spmem:s1] =	stream.indirect.scatter.add.f32 [tilespmem:s19], [sflag:$0x5], $0x80, s17, s18, $0xb8;
	[tilespmem:$0x1FC00] =	vst v63  }
0x7d: {  	s31 =	rddreg [dreg:$0x9]  }
0x7e: {  	[tilespmem:s24], [sflag:$0x3] =	stream.indirect.gather [hbm4b:s4+s18], $0x80, s31, s18, $0xb8;
	[tilespmem:$0x1FC00] =	vst v63  }
0x7f: {  	_ =	swait.ge [sflag:s25], $0x2C00  }
0x80: {  	[sflag:s25] =	ssyncset.done $0x0  }
0x81: {  	s2 =	rddreg [dreg:$0xa];
	[sflag:s25] =	ssyncadd.s32 $0xFFFFD400  }
0x82: {  	[spmem:s1] =	stream.indirect.scatter.add.f32 [tilespmem:s21], [sflag:$0x6], $0x80, s2, s18, $0xb8;
	[tilespmem:$0x1FC00] =	vst v63  }
0x83: {  	s31 =	rddreg [dreg:$0xb]  }
0x84: {  	[tilespmem:s29], [sflag:$0x4] =	stream.indirect.gather [hbm4b:s4+s18], $0x80, s31, s18, $0xb8;
	[tilespmem:$0x1FC00] =	vst v63  }
0x85: {  	_ =	swait.ge [sflag:s30], $0x2C00  }
0x86: {  	[sflag:s30] =	ssyncset.done $0x0  }
0x87: {  	s2 =	rddreg [dreg:$0xc];
	[sflag:s30] =	ssyncadd.s32 $0xFFFFD400  }
0x88: {  	[spmem:s1] =	stream.indirect.scatter.add.f32 [tilespmem:s24], [sflag:$0x7], $0x80, s2, s18, $0xb8;
	[tilespmem:$0x1FC00] =	vst v63  }
0x89: {  	_ =	swait.ge [sflag:s0], $0x2C00  }
0x8a: {  	[sflag:s0] =	ssyncset.done $0x0  }
0x8b: {  	s28 =	rddreg [dreg:$0xd];
	[sflag:s0] =	ssyncadd.s32 $0xFFFFD400  }
0x8c: {  	[tilespmem:s19], [sflag:$0x1] =	stream.indirect.gather [hbm4b:s4+s18], $0x80, s28, s18, $0xb8;
	[tilespmem:$0x1FC00] =	vst v63  }
0x8d: {  	_ =	swait.ge [sflag:s5], $0x2C00  }
0x8e: {  	[sflag:s5] =	ssyncset.done $0x0  }
0x8f: {  	s31 =	rddreg [dreg:$0xe];
	[sflag:s5] =	ssyncadd.s32 $0xFFFFD400  }
0x90: {  	[spmem:s1] =	stream.indirect.scatter.add.f32 [tilespmem:s29], [sflag:$0x8], $0x80, s31, s18, $0xb8;
	[tilespmem:$0x1FC00] =	vst v63  }
0x91: {  	_ =	swait.ge [sflag:s7], $0x2C00  }
0x92: {  	[sflag:s7] =	ssyncset.done $0x0  }
0x93: {  	s2 =	rddreg [dreg:$0xf];
	[sflag:s7] =	ssyncadd.s32 $0xFFFFD400  }
0x94: {  	[tilespmem:s21], [sflag:$0x2] =	stream.indirect.gather [hbm4b:s4+s18], $0x80, s2, s18, $0xb8;
	[tilespmem:$0x1FC00] =	vst v63  }
0x95: {  	_ =	swait.ge [sflag:s22], $0x2C00  }
0x96: {  	[sflag:s22] =	ssyncset.done $0x0  }
0x97: {  	s28 =	rddreg [dreg:$0x10];
	[sflag:s22] =	ssyncadd.s32 $0xFFFFD400  }
0x98: {  	[spmem:s1] =	stream.indirect.scatter.add.f32 [tilespmem:s19], [sflag:$0x5], $0x80, s28, s18, $0xb8;
	[tilespmem:$0x1FC00] =	vst v63  }
0x99: {  	_ =	swait.ge [sflag:s25], $0x2C00  }
0x9a: {  	[sflag:s25] =	ssyncset.done $0x0  }
0x9b: {  	s31 =	rddreg [dreg:$0x11];
	[sflag:s25] =	ssyncadd.s32 $0xFFFFD400  }
0x9c: {  	[spmem:s1] =	stream.indirect.scatter.add.f32 [tilespmem:s21], [sflag:$0x6], $0x80, s31, s18, $0xb8;
	[tilespmem:$0x1FC00] =	vst v63  }
0x9d: {  	_ =	swait.ge [sflag:s12], $0x2C00  }
0x9e: {  	[sflag:s12] =	ssyncset.done $0x0  }
0x9f: {  	[sflag:s12] =	ssyncadd.s32 $0xFFFFD400  }
0xa0: {  	_ =	swait.ge [sflag:s13], $0x2C00  }
0xa1: {  	[sflag:s13] =	ssyncset.done $0x0  }
0xa2: {  	[sflag:s13] =	ssyncadd.s32 $0xFFFFD400  }
0xa3: {  	_ =	swait.ge [sflag:s0], $0x2C00  }
0xa4: {  	[sflag:s0] =	ssyncset.done $0x0  }
0xa5: {  	[sflag:s0] =	ssyncadd.s32 $0xFFFFD400  }
0xa6: {  	_ =	swait.ge [sflag:s7], $0x2C00  }
0xa7: {  	s26 =	simm.s32 $0x100;
	[sflag:s7] =	ssyncset.done $0x0  }
.LBB2_2:
0xa8: {  	[sflag:s7] =	ssyncadd.s32 $0xFFFFD400  }
0xa9: {  	_ =	swait.ge [sflag:s14], $0x300  }
0xaa: {  	[sflag:s14] =	ssyncset.done $0x0  }
0xab: {  	[sflag:s14] =	ssyncadd.s32 $0xFFFFFD00  }
0xac: {  	_ =	swait.ge [sflag:s15], $0x300  }
0xad: {  	s28 =	smov.u32 s26;
	s31 =	rddreg [dreg:$0x6];
	[sflag:s15] =	ssyncset.done $0x0  }
0xae: {  	s2 =	rddreg [dreg:$0x7];
	[sflag:s15] =	ssyncadd.s32 $0xFFFFFD00;
	s31 =	sadd.s32 s28, s31  }
0xaf: {  	[tilespmem:s16], [sflag:$0xA] =	stream.linear.gather [hbm4b:s31+s3], $0x300, $0x38;
	[tilespmem:$0x1FC00] =	vst v63  }
0xb0: {  	s2 =	sadd.s32 s28, s2  }
0xb1: {  	[tilespmem:s17], [sflag:$0xC] =	stream.linear.gather [hbm4b:s2+s3], $0x300, $0x38;
	[tilespmem:$0x1FC00] =	vst v63  }
0xb2: {  	_ = 	snop  }
0xb3: {  	[tilespmem:s19], [sflag:$0x1] =	stream.indirect.gather [hbm4b:s4+s18], $0x80, s3, s18, $0xb8;
	[tilespmem:$0x1FC00] =	vst v63  }
0xb4: {  	s31 =	simm.s32 $0x80  }
0xb5: {  	[tilespmem:s21], [sflag:$0x2] =	stream.indirect.gather [hbm4b:s4+s18], $0x80, s31, s18, $0xb8;
	[tilespmem:$0x1FC00] =	vst v63  }
0xb6: {  	_ =	swait.ge [sflag:s22], $0x2C00  }
0xb7: {  	[sflag:s22] =	ssyncset.done $0x0  }
0xb8: {  	[sflag:s22] =	ssyncadd.s32 $0xFFFFD400  }
0xb9: {  	[spmem:s1] =	stream.indirect.scatter.add.f32 [tilespmem:s19], [sflag:$0x5], $0x80, s11, s18, $0xb8;
	[tilespmem:$0x1FC00] =	vst v63  }
0xba: {  	s31 =	simm.s32 $0x100  }
0xbb: {  	[tilespmem:s24], [sflag:$0x3] =	stream.indirect.gather [hbm4b:s4+s18], $0x80, s31, s18, $0xb8;
	[tilespmem:$0x1FC00] =	vst v63  }
0xbc: {  	_ =	swait.ge [sflag:s25], $0x2C00  }
0xbd: {  	[sflag:s25] =	ssyncset.done $0x0  }
0xbe: {  	s31 =	simm.s32 $0x880;
	[sflag:s25] =	ssyncadd.s32 $0xFFFFD400  }
0xbf: {  	[spmem:s1] =	stream.indirect.scatter.add.f32 [tilespmem:s21], [sflag:$0x6], $0x80, s31, s18, $0xb8;
	[tilespmem:$0x1FC00] =	vst v63  }
0xc0: {  	s31 =	simm.s32 $0x180  }
0xc1: {  	[tilespmem:s29], [sflag:$0x4] =	stream.indirect.gather [hbm4b:s4+s18], $0x80, s31, s18, $0xb8;
	[tilespmem:$0x1FC00] =	vst v63  }
0xc2: {  	_ =	swait.ge [sflag:s30], $0x2C00  }
0xc3: {  	[sflag:s30] =	ssyncset.done $0x0  }
0xc4: {  	s31 =	simm.s32 $0x900;
	[sflag:s30] =	ssyncadd.s32 $0xFFFFD400  }
0xc5: {  	[spmem:s1] =	stream.indirect.scatter.add.f32 [tilespmem:s24], [sflag:$0x7], $0x80, s31, s18, $0xb8;
	[tilespmem:$0x1FC00] =	vst v63  }
0xc6: {  	_ =	swait.ge [sflag:s0], $0x2C00  }
0xc7: {  	[sflag:s0] =	ssyncset.done $0x0  }
0xc8: {  	s31 =	simm.s32 $0x200;
	[sflag:s0] =	ssyncadd.s32 $0xFFFFD400  }
0xc9: {  	[tilespmem:s19], [sflag:$0x1] =	stream.indirect.gather [hbm4b:s4+s18], $0x80, s31, s18, $0xb8;
	[tilespmem:$0x1FC00] =	vst v63  }
0xca: {  	_ =	swait.ge [sflag:s5], $0x2C00  }
0xcb: {  	[sflag:s5] =	ssyncset.done $0x0  }
0xcc: {  	[sflag:s5] =	ssyncadd.s32 $0xFFFFD400  }
0xcd: {  	[spmem:s1] =	stream.indirect.scatter.add.f32 [tilespmem:s29], [sflag:$0x8], $0x80, s6, s18, $0xb8;
	[tilespmem:$0x1FC00] =	vst v63  }
0xce: {  	_ =	swait.ge [sflag:s7], $0x2C00  }
0xcf: {  	[sflag:s7] =	ssyncset.done $0x0  }
0xd0: {  	[sflag:s7] =	ssyncadd.s32 $0xFFFFD400  }
0xd1: {  	[tilespmem:s21], [sflag:$0x2] =	stream.indirect.gather [hbm4b:s4+s18], $0x80, s9, s18, $0xb8;
	[tilespmem:$0x1FC00] =	vst v63  }
0xd2: {  	_ =	swait.ge [sflag:s22], $0x2C00  }
0xd3: {  	[sflag:s22] =	ssyncset.done $0x0  }
0xd4: {  	[sflag:s22] =	ssyncadd.s32 $0xFFFFD400  }
0xd5: {  	[spmem:s1] =	stream.indirect.scatter.add.f32 [tilespmem:s19], [sflag:$0x5], $0x80, s10, s18, $0xb8;
	[tilespmem:$0x1FC00] =	vst v63  }
0xd6: {  	_ =	swait.ge [sflag:s25], $0x2C00  }
0xd7: {  	[sflag:s25] =	ssyncset.done $0x0  }
0xd8: {  	[sflag:s25] =	ssyncadd.s32 $0xFFFFD400  }
0xd9: {  	[spmem:s1] =	stream.indirect.scatter.add.f32 [tilespmem:s21], [sflag:$0x6], $0x80, s8, s18, $0xb8;
	[tilespmem:$0x1FC00] =	vst v63  }
0xda: {  	_ =	swait.ge [sflag:s12], $0x2C00  }
0xdb: {  	[sflag:s12] =	ssyncset.done $0x0  }
0xdc: {  	[sflag:s12] =	ssyncadd.s32 $0xFFFFD400  }
0xdd: {  	_ =	swait.ge [sflag:s13], $0x2C00  }
0xde: {  	[sflag:s13] =	ssyncset.done $0x0  }
0xdf: {  	[sflag:s13] =	ssyncadd.s32 $0xFFFFD400  }
0xe0: {  	_ =	swait.ge [sflag:s0], $0x2C00  }
0xe1: {  	[sflag:s0] =	ssyncset.done $0x0  }
0xe2: {  	[sflag:s0] =	ssyncadd.s32 $0xFFFFD400  }
0xe3: {  	_ =	swait.ge [sflag:s7], $0x2C00  }
0xe4: {  	[sflag:s7] =	ssyncset.done $0x0  }
0xe5: {  	[sflag:s7] =	ssyncadd.s32 $0xFFFFD400  }
0xe6: {  	_ =	swait.ge [sflag:s20], $0x300  }
0xe7: {  	[sflag:s20] =	ssyncset.done $0x0  }
0xe8: {  	[sflag:s20] =	ssyncadd.s32 $0xFFFFFD00  }
0xe9: {  	_ =	swait.ge [sflag:s23], $0x300  }
0xea: {  	s2 =	rddreg [dreg:$0x4];
	[sflag:s23] =	ssyncset.done $0x0  }
0xeb: {  	s31 =	rddreg [dreg:$0x5];
	[sflag:s23] =	ssyncadd.s32 $0xFFFFFD00;
	s2 =	sadd.s32 s28, s2  }
0xec: {  	[tilespmem:s3], [sflag:$0x9] =	stream.linear.gather [hbm4b:s2+s3], $0x300, $0x38;
	[tilespmem:$0x1FC00] =	vst v63  }
0xed: {  	s28 =	sadd.s32 s28, s31  }
0xee: {  	[tilespmem:s11], [sflag:$0xB] =	stream.linear.gather [hbm4b:s28+s3], $0x300, $0x38;
	[tilespmem:$0x1FC00] =	vst v63  }
0xef: {  	_ = 	snop  }
0xf0: {  	[tilespmem:s19], [sflag:$0x1] =	stream.indirect.gather [hbm4b:s4+s18], $0x80, s16, s18, $0xb8;
	[tilespmem:$0x1FC00] =	vst v63  }
0xf1: {  	s31 =	rddreg [dreg:$0x8]  }
0xf2: {  	[tilespmem:s21], [sflag:$0x2] =	stream.indirect.gather [hbm4b:s4+s18], $0x80, s31, s18, $0xb8;
	[tilespmem:$0x1FC00] =	vst v63  }
0xf3: {  	_ =	swait.ge [sflag:s22], $0x2C00  }
0xf4: {  	[sflag:s22] =	ssyncset.done $0x0  }
0xf5: {  	[sflag:s22] =	ssyncadd.s32 $0xFFFFD400  }
0xf6: {  	[spmem:s1] =	stream.indirect.scatter.add.f32 [tilespmem:s19], [sflag:$0x5], $0x80, s17, s18, $0xb8;
	[tilespmem:$0x1FC00] =	vst v63  }
0xf7: {  	s28 =	rddreg [dreg:$0x9]  }
0xf8: {  	[tilespmem:s24], [sflag:$0x3] =	stream.indirect.gather [hbm4b:s4+s18], $0x80, s28, s18, $0xb8;
	[tilespmem:$0x1FC00] =	vst v63  }
0xf9: {  	_ =	swait.ge [sflag:s25], $0x2C00  }
0xfa: {  	[sflag:s25] =	ssyncset.done $0x0  }
0xfb: {  	s2 =	rddreg [dreg:$0xa];
	[sflag:s25] =	ssyncadd.s32 $0xFFFFD400  }
0xfc: {  	[spmem:s1] =	stream.indirect.scatter.add.f32 [tilespmem:s21], [sflag:$0x6], $0x80, s2, s18, $0xb8;
	[tilespmem:$0x1FC00] =	vst v63  }
0xfd: {  	s31 =	rddreg [dreg:$0xb]  }
0xfe: {  	[tilespmem:s29], [sflag:$0x4] =	stream.indirect.gather [hbm4b:s4+s18], $0x80, s31, s18, $0xb8;
	[tilespmem:$0x1FC00] =	vst v63  }
0xff: {  	_ =	swait.ge [sflag:s30], $0x2C00  }
0x100: {  	[sflag:s30] =	ssyncset.done $0x0  }
0x101: {  	s28 =	rddreg [dreg:$0xc];
	[sflag:s30] =	ssyncadd.s32 $0xFFFFD400  }
0x102: {  	[spmem:s1] =	stream.indirect.scatter.add.f32 [tilespmem:s24], [sflag:$0x7], $0x80, s28, s18, $0xb8;
	[tilespmem:$0x1FC00] =	vst v63  }
0x103: {  	_ =	swait.ge [sflag:s0], $0x2C00  }
0x104: {  	[sflag:s0] =	ssyncset.done $0x0  }
0x105: {  	s31 =	rddreg [dreg:$0xd];
	[sflag:s0] =	ssyncadd.s32 $0xFFFFD400  }
0x106: {  	[tilespmem:s19], [sflag:$0x1] =	stream.indirect.gather [hbm4b:s4+s18], $0x80, s31, s18, $0xb8;
	[tilespmem:$0x1FC00] =	vst v63  }
0x107: {  	_ =	swait.ge [sflag:s5], $0x2C00  }
0x108: {  	[sflag:s5] =	ssyncset.done $0x0  }
0x109: {  	s28 =	rddreg [dreg:$0xe];
	[sflag:s5] =	ssyncadd.s32 $0xFFFFD400  }
0x10a: {  	[spmem:s1] =	stream.indirect.scatter.add.f32 [tilespmem:s29], [sflag:$0x8], $0x80, s28, s18, $0xb8;
	[tilespmem:$0x1FC00] =	vst v63  }
0x10b: {  	_ =	swait.ge [sflag:s7], $0x2C00  }
0x10c: {  	[sflag:s7] =	ssyncset.done $0x0  }
0x10d: {  	s31 =	rddreg [dreg:$0xf];
	[sflag:s7] =	ssyncadd.s32 $0xFFFFD400  }
0x10e: {  	[tilespmem:s21], [sflag:$0x2] =	stream.indirect.gather [hbm4b:s4+s18], $0x80, s31, s18, $0xb8;
	[tilespmem:$0x1FC00] =	vst v63  }
0x10f: {  	_ =	swait.ge [sflag:s22], $0x2C00  }
0x110: {  	[sflag:s22] =	ssyncset.done $0x0  }
0x111: {  	s28 =	rddreg [dreg:$0x10];
	[sflag:s22] =	ssyncadd.s32 $0xFFFFD400  }
0x112: {  	[spmem:s1] =	stream.indirect.scatter.add.f32 [tilespmem:s19], [sflag:$0x5], $0x80, s28, s18, $0xb8;
	[tilespmem:$0x1FC00] =	vst v63  }
0x113: {  	_ =	swait.ge [sflag:s25], $0x2C00  }
0x114: {  	[sflag:s25] =	ssyncset.done $0x0  }
0x115: {  	s31 =	rddreg [dreg:$0x11];
	[sflag:s25] =	ssyncadd.s32 $0xFFFFD400  }
0x116: {  	[spmem:s1] =	stream.indirect.scatter.add.f32 [tilespmem:s21], [sflag:$0x6], $0x80, s31, s18, $0xb8;
	[tilespmem:$0x1FC00] =	vst v63  }
0x117: {  	_ =	swait.ge [sflag:s12], $0x2C00  }
0x118: {  	[sflag:s12] =	ssyncset.done $0x0  }
0x119: {  	[sflag:s12] =	ssyncadd.s32 $0xFFFFD400  }
0x11a: {  	_ =	swait.ge [sflag:s13], $0x2C00  }
0x11b: {  	[sflag:s13] =	ssyncset.done $0x0  }
0x11c: {  	p0 =	sne.s32 s26, $0x800;
	[sflag:s13] =	ssyncadd.s32 $0xFFFFD400  }
.Ltmp0:
0x11d: {  	_ =	swait.ge [sflag:s0], $0x2C00;
	(pc) =	sbr.rel @p0 .LBB2_2-.Ltmp0, $4  }
0x11e: {  	[sflag:s0] =	ssyncset.done $0x0  }
0x11f: {  	[sflag:s0] =	ssyncadd.s32 $0xFFFFD400  }
0x120: {  	_ =	swait.ge [sflag:s7], $0x2C00  }
0x121: {  	s26 =	sadd.s32 $0x100, s26;
	[sflag:s7] =	ssyncset.done $0x0  }
0x122: {  	[sflag:s7] =	ssyncadd.s32 $0xFFFFD400  }
0x123: {  	_ =	swait.ge [sflag:s14], $0x300  }
0x124: {  	[sflag:s14] =	ssyncset.done $0x0  }
0x125: {  	[sflag:s14] =	ssyncadd.s32 $0xFFFFFD00  }
0x126: {  	_ =	swait.ge [sflag:s15], $0x300  }
0x127: {  	[sflag:s15] =	ssyncset.done $0x0  }
0x128: {  	[sflag:s15] =	ssyncadd.s32 $0xFFFFFD00  }
0x129: {  	[tilespmem:s19], [sflag:$0x1] =	stream.indirect.gather [hbm4b:s4+s18], $0x80, s3, s18, $0xb8;
	[tilespmem:$0x1FC00] =	vst v63  }
0x12a: {  	s2 =	simm.s32 $0x80  }
0x12b: {  	[tilespmem:s21], [sflag:$0x2] =	stream.indirect.gather [hbm4b:s4+s18], $0x80, s2, s18, $0xb8;
	[tilespmem:$0x1FC00] =	vst v63  }
0x12c: {  	_ =	swait.ge [sflag:s22], $0x2C00  }
0x12d: {  	[sflag:s22] =	ssyncset.done $0x0  }
0x12e: {  	[sflag:s22] =	ssyncadd.s32 $0xFFFFD400  }
0x12f: {  	[spmem:s1] =	stream.indirect.scatter.add.f32 [tilespmem:s19], [sflag:$0x5], $0x80, s11, s18, $0xb8;
	[tilespmem:$0x1FC00] =	vst v63  }
0x130: {  	s26 =	simm.s32 $0x100  }
0x131: {  	[tilespmem:s24], [sflag:$0x3] =	stream.indirect.gather [hbm4b:s4+s18], $0x80, s26, s18, $0xb8;
	[tilespmem:$0x1FC00] =	vst v63  }
0x132: {  	_ =	swait.ge [sflag:s25], $0x2C00  }
0x133: {  	[sflag:s25] =	ssyncset.done $0x0  }
0x134: {  	s26 =	simm.s32 $0x880;
	[sflag:s25] =	ssyncadd.s32 $0xFFFFD400  }
0x135: {  	[spmem:s1] =	stream.indirect.scatter.add.f32 [tilespmem:s21], [sflag:$0x6], $0x80, s26, s18, $0xb8;
	[tilespmem:$0x1FC00] =	vst v63  }
0x136: {  	s26 =	simm.s32 $0x180  }
0x137: {  	[tilespmem:s29], [sflag:$0x4] =	stream.indirect.gather [hbm4b:s4+s18], $0x80, s26, s18, $0xb8;
	[tilespmem:$0x1FC00] =	vst v63  }
0x138: {  	_ =	swait.ge [sflag:s30], $0x2C00  }
0x139: {  	[sflag:s30] =	ssyncset.done $0x0  }
0x13a: {  	s26 =	simm.s32 $0x900;
	[sflag:s30] =	ssyncadd.s32 $0xFFFFD400  }
0x13b: {  	[spmem:s1] =	stream.indirect.scatter.add.f32 [tilespmem:s24], [sflag:$0x7], $0x80, s26, s18, $0xb8;
	[tilespmem:$0x1FC00] =	vst v63  }
0x13c: {  	_ =	swait.ge [sflag:s0], $0x2C00  }
0x13d: {  	[sflag:s0] =	ssyncset.done $0x0  }
0x13e: {  	s26 =	simm.s32 $0x200;
	[sflag:s0] =	ssyncadd.s32 $0xFFFFD400  }
0x13f: {  	[tilespmem:s19], [sflag:$0x1] =	stream.indirect.gather [hbm4b:s4+s18], $0x80, s26, s18, $0xb8;
	[tilespmem:$0x1FC00] =	vst v63  }
0x140: {  	_ =	swait.ge [sflag:s5], $0x2C00  }
0x141: {  	[sflag:s5] =	ssyncset.done $0x0  }
0x142: {  	[sflag:s5] =	ssyncadd.s32 $0xFFFFD400  }
0x143: {  	[spmem:s1] =	stream.indirect.scatter.add.f32 [tilespmem:s29], [sflag:$0x8], $0x80, s6, s18, $0xb8;
	[tilespmem:$0x1FC00] =	vst v63  }
0x144: {  	_ =	swait.ge [sflag:s7], $0x2C00  }
0x145: {  	[sflag:s7] =	ssyncset.done $0x0  }
0x146: {  	[sflag:s7] =	ssyncadd.s32 $0xFFFFD400  }
0x147: {  	[tilespmem:s21], [sflag:$0x2] =	stream.indirect.gather [hbm4b:s4+s18], $0x80, s9, s18, $0xb8;
	[tilespmem:$0x1FC00] =	vst v63  }
0x148: {  	_ =	swait.ge [sflag:s22], $0x2C00  }
0x149: {  	[sflag:s22] =	ssyncset.done $0x0  }
0x14a: {  	[sflag:s22] =	ssyncadd.s32 $0xFFFFD400  }
0x14b: {  	[spmem:s1] =	stream.indirect.scatter.add.f32 [tilespmem:s19], [sflag:$0x5], $0x80, s10, s18, $0xb8;
	[tilespmem:$0x1FC00] =	vst v63  }
0x14c: {  	_ =	swait.ge [sflag:s25], $0x2C00  }
0x14d: {  	[sflag:s25] =	ssyncset.done $0x0  }
0x14e: {  	[sflag:s25] =	ssyncadd.s32 $0xFFFFD400  }
0x14f: {  	[spmem:s1] =	stream.indirect.scatter.add.f32 [tilespmem:s21], [sflag:$0x6], $0x80, s8, s18, $0xb8;
	[tilespmem:$0x1FC00] =	vst v63  }
0x150: {  	_ =	swait.ge [sflag:s12], $0x2C00  }
0x151: {  	[sflag:s12] =	ssyncset.done $0x0  }
0x152: {  	[sflag:s12] =	ssyncadd.s32 $0xFFFFD400  }
0x153: {  	_ =	swait.ge [sflag:s13], $0x2C00  }
0x154: {  	[sflag:s13] =	ssyncset.done $0x0  }
0x155: {  	[sflag:s13] =	ssyncadd.s32 $0xFFFFD400  }
0x156: {  	_ =	swait.ge [sflag:s0], $0x2C00  }
0x157: {  	[sflag:s0] =	ssyncset.done $0x0  }
0x158: {  	[sflag:s0] =	ssyncadd.s32 $0xFFFFD400  }
0x159: {  	_ =	swait.ge [sflag:s7], $0x2C00  }
0x15a: {  	[sflag:s7] =	ssyncset.done $0x0  }
0x15b: {  	[sflag:s7] =	ssyncadd.s32 $0xFFFFD400  }
0x15c: {  	[bflag:$0x0] =	sbarrier.arrive $0xFFFF  }
0x15d: {  	s26 =	rddreg [dreg:$0x15]  }
0x15e: {  	s2 =	rddreg [dreg:$0x16]  }
0x15f: {  	s31 =	simm.s32 $0xD;
	s28 =	rddreg [dreg:$0x18]  }
0x160: {  	[hbm:s2], [sflag:s26] =	dma.local [spmem:s28], $0x2780  }
0x161: {  	_ =	swait.ge [sflag:s31], $0x2780  }
0x162: {  	s2 =	rddreg [dreg:$0x19]  }
0x163: {  	s26 =	sadd.s32 $0x1, s2;
	s2 =	rddreg [dreg:$0x17]  }
0x164: {  	p0 =	sne.s32 s26, s2  }
.Ltmp1:
0x165: {  	_ = 	snop;
	(pc) =	sbr.rel @p0 .LBB2_1-.Ltmp1, $3  }
0x166: {  	_ =	sdelay $0x1  }
0x167: {  	[sflag:s31] =	ssyncset.done $0x0;
	[dreg:$0x19] =	wrdreg s26  }
0x168: {  	[sflag:s31] =	ssyncadd.s32 $0xFFFFD880;
	s26 =	rddreg [dreg:$0x15]  }
0x169: {  	_ =	sfence.sel $0x180000  }
0x16a: {  	[bflag:$0x0] =	sbarrier.arrive $0xFFFF  }
0x16b: {  	_ =	strace $0x9000004A  }
0x16c: {  	s0 =	stileid.u32;
	[bflag:$0x2] =	sbarrier.arrive $0xFFFF  }
0x16d: {  	p0 =	sne.s32 s0, $0x0;
	s0 =	rddreg [dreg:$0x3]  }
0x16e: {  	s0 =	sadd.s32 @!p0 $0x100000, s0  }
0x16f: {  	[sflag:s0] =	ssyncadd.tile.s32 @!p0 $0x1;
	_ =	shalt  }
.Lfunc_end2:
_tile_overlayer_lowered:
.L_overlay_start_2:
0x170: {  	(tag) =	ssettag $0x2  }
0x171: {  	s0 =	rddreg [dreg:$0x0];
	s2 =	stileid.u32  }
0x172: {  	s1 =	rddreg [dreg:$0x1];
	p0 =	sne.s32 s2, $0x0  }
0x173: {  	s3 =	rddreg [dreg:$0x2];
	[bflag:$0x3] =	sbarrier.arrive $0xFFFF;
	s2 =	simm.s32 @!p0 $0x1C0D  }
0x174: {  	[timem:s3], [sflag:s2] =	dma.local @!p0 [hbm:s0], s1  }
0x175: {  	s0 =	simm.s32 @!p0 $0xD  }
0x176: {  	_ =	swait.ge @!p0 [sflag:s0], s1  }
0x177: {  	s1 =	ssub.s32 @!p0 $0x0, s1;
	[sflag:s0] =	ssyncset.done @!p0 $0x0  }
0x178: {  	[sflag:s0] =	ssyncadd.s32 @!p0 s1  }
0x179: {  	[bflag:$0x3] =	sbarrier.arrive $0xFFFF  }
0x17a: {  	_ =	shalt  }

// kernel: kernel.15.cloned.1.call-start
scs
__scs_entry_jumppad:
0x0: {  	(pc) =	sbr.rel $0x88, $3  }
0x1: {  	(tag) =	ssettag $0x0;
	lr =	simm.s32 $0x1  }
0x2: {  	[smem:$0x3F9D] =	sst lr;
	_ =	strace $0xD0000000  }
0x3: {  	_ = 	snop  }
0x4: {  	_ = 	snop  }
0x5: {  	_ = 	snop  }
0x6: {  	_ = 	snop  }
0x7: {  	_ = 	snop  }
__scs_overlays_trampoline_lowered:
0x8: {  	[smem:$0x3FAC] =	sst s0  }
0x9: {  	[smem:$0x3FAD] =	sst s1  }
0xa: {  	[smem:$0x3FAE] =	sst s2  }
0xb: {  	[smem:$0x3FAF] =	sst s3  }
0xc: {  	[smem:$0x3FB0] =	sst s4  }
0xd: {  	[smem:$0x3FB1] =	sst s5  }
0xe: {  	[smem:$0x3FB2] =	sst s6  }
0xf: {  	[smem:$0x3FB3] =	sst s7  }
0x10: {  	[smem:$0x3FB4] =	sst s8  }
0x11: {  	[smem:$0x3FB5] =	sst s9;
	s0 =	simm.s32 @!p0 $0x0  }
0x12: {  	s1 =	sld [smem:$0x3F9B];
	s0 =	simm.s32 @p0 $0x1  }
0x13: {  	[smem:$0x3FB6] =	sst s0;
	s0 =	simm.s32 @!p1 $0x0  }
0x14: {  	s2 =	sld [smem:$0x3F9A];
	s0 =	simm.s32 @p1 $0x1  }
0x15: {  	[smem:$0x3FB7] =	sst s0;
	s0 =	simm.s32 @!p2 $0x0  }
0x16: {  	s3 =	sld [smem:$0x3FDB];
	s0 =	simm.s32 @p2 $0x1  }
0x17: {  	s4 =	simm.s32 $0x1BF5;
	[smem:$0x3FB9] =	sst s0  }
0x18: {  	s0 =	sld [smem:$0x3F9C];
	_ =	swait.ge [sflag:s4], $0x0  }
0x19: {  	s7 =	sld [smem:$0x3F9D]  }
0x1a: {  	s8 =	sadd.s32 $0xFFFFE003, lr  }
0x1b: {  	s9 =	sadd.s32 $0xFFFFFEF7, lr;
	s5 =	simm.s32 $0xFFFFFFFF;
	p2 =	slt.u32 s8, $0xFFFFF086  }
0x1c: {  	p1 =	slt.u32 s9, $0xF7A;
	s5 =	simm.s32 @!p2 $0x0  }
0x1d: {  	s5 =	simm.s32 @p1 $0x1;
	p0 =	seq.s32 s7, s2  }
0x1e: {  	s7 =	smul.u32 @!p0 $0xF7A, s2;
	p2 =	seq.s32 @!p0 s5, $0x0  }
0x1f: {  	s9 =	smul.u32 $0xF7A, s1;
	s8 =	simm.s32 @!p0 $0x1BF5;
	p2 =	por !p2, p0  }
0x20: {  	[sflag:s8] =	ssyncset.s32 @!p0 $0xFFFFF086;
	s6 =	sadd.s32 @!p0 s3, s7;
	s7 =	simm.s32 @!p0 $0x108  }
0x21: {  	s3 =	sadd.s32 s3, s9;
	s6 =	sadd.s32 @!p0 $0x88, s6;
	s7 =	simm.s32 @p2 $0x1082  }
0x22: {  	[simem:s7], [sflag:s8] =	dma.local @!p0 [hbm:s6], $0xF7A  }
0x23: {  	s9 =	sor.u32 $0xD0000000, s2;
	s6 =	simm.s32 $0x108;
	_ =	swait.ge @!p0 [sflag:s8], $0x0  }
0x24: {  	s3 =	sadd.s32 $0x88, s3;
	s6 =	simm.s32 @!p1 $0x1082;
	[sflag:s4] =	ssyncset.s32 $0xFFFFF086  }
0x25: {  	[simem:s6], [sflag:s4] =	dma.local [hbm:s3], $0xF7A  }
0x26: {  	[smem:$0x3F9D] =	sst s1;
	(tag) =	ssettag s2;
	_ =	strace s9  }
0x27: {  	s1 =	sld [smem:$0x3FAD]  }
0x28: {  	s2 =	sld [smem:$0x3FAE]  }
0x29: {  	s4 =	sld [smem:$0x3FB0]  }
0x2a: {  	p0 =	seq.s32 s5, $0x0;
	s5 =	sld [smem:$0x3FB1]  }
0x2b: {  	s6 =	sld [smem:$0x3FB2]  }
0x2c: {  	s7 =	sld [smem:$0x3FB3]  }
0x2d: {  	s3 =	simm.s32 $0x108;
	s8 =	sld [smem:$0x3FB4]  }
0x2e: {  	s3 =	simm.s32 @!p0 $0x1082;
	s9 =	sld [smem:$0x3FB5]  }
0x2f: {  	lr =	sadd.s32 s0, s3;
	s0 =	sld [smem:$0x3FAC]  }
0x30: {  	s3 =	sld [smem:$0x3FAF]  }
0x31: {  	[smem:$0x3FB8] =	sst s10  }
0x32: {  	s10 =	sld [smem:$0x3FB6];
	_ =	sdelay $0x3  }
0x33: {  	p0 =	seq.s32 s10, $0x1;
	s10 =	sld [smem:$0x3FB8];
	_ =	sdelay $0x3  }
0x34: {  	[smem:$0x3FB8] =	sst s10  }
0x35: {  	s10 =	sld [smem:$0x3FB7];
	_ =	sdelay $0x3  }
0x36: {  	p1 =	seq.s32 s10, $0x1;
	s10 =	sld [smem:$0x3FB8];
	_ =	sdelay $0x3  }
0x37: {  	[smem:$0x3FB8] =	sst s10  }
0x38: {  	s10 =	sld [smem:$0x3FB9]  }
0x39: {  	_ = 	snop;
	(pc) =	sbr.ind lr, $3  }
0x3a: {  	_ = 	snop  }
0x3b: {  	_ = 	snop  }
0x3c: {  	p2 =	seq.s32 s10, $0x1;
	s10 =	sld [smem:$0x3FB8]  }
0x3d: {  	_ =	shalt  }
0x3e: {  	_ =	shalt  }
0x3f: {  	_ =	shalt  }
0x40: {  	_ =	shalt  }
0x41: {  	_ =	shalt  }
0x42: {  	_ =	shalt  }
0x43: {  	_ =	shalt  }
0x44: {  	_ =	shalt  }
0x45: {  	_ =	shalt  }
0x46: {  	_ =	shalt  }
0x47: {  	_ =	shalt  }
0x48: {  	_ =	shalt  }
0x49: {  	_ =	shalt  }
0x4a: {  	_ =	shalt  }
0x4b: {  	_ =	shalt  }
0x4c: {  	_ =	shalt  }
0x4d: {  	_ =	shalt  }
0x4e: {  	_ =	shalt  }
0x4f: {  	_ =	shalt  }
0x50: {  	_ =	shalt  }
0x51: {  	_ =	shalt  }
0x52: {  	_ =	shalt  }
0x53: {  	_ =	shalt  }
0x54: {  	_ =	shalt  }
0x55: {  	_ =	shalt  }
0x56: {  	_ =	shalt  }
0x57: {  	_ =	shalt  }
0x58: {  	_ =	shalt  }
0x59: {  	_ =	shalt  }
0x5a: {  	_ =	shalt  }
0x5b: {  	_ =	shalt  }
0x5c: {  	_ =	shalt  }
0x5d: {  	_ =	shalt  }
0x5e: {  	_ =	shalt  }
0x5f: {  	_ =	shalt  }
0x60: {  	_ =	shalt  }
0x61: {  	_ =	shalt  }
0x62: {  	_ =	shalt  }
0x63: {  	_ =	shalt  }
0x64: {  	_ =	shalt  }
0x65: {  	_ =	shalt  }
0x66: {  	_ =	shalt  }
0x67: {  	_ =	shalt  }
0x68: {  	_ =	shalt  }
0x69: {  	_ =	shalt  }
0x6a: {  	_ =	shalt  }
0x6b: {  	_ =	shalt  }
0x6c: {  	_ =	shalt  }
0x6d: {  	_ =	shalt  }
0x6e: {  	_ =	shalt  }
0x6f: {  	_ =	shalt  }
0x70: {  	_ =	shalt  }
0x71: {  	_ =	shalt  }
0x72: {  	_ =	shalt  }
0x73: {  	_ =	shalt  }
0x74: {  	_ =	shalt  }
0x75: {  	_ =	shalt  }
0x76: {  	_ =	shalt  }
0x77: {  	_ =	shalt  }
0x78: {  	_ =	shalt  }
0x79: {  	_ =	shalt  }
0x7a: {  	_ =	shalt  }
0x7b: {  	_ =	shalt  }
0x7c: {  	_ =	shalt  }
0x7d: {  	_ =	shalt  }
0x7e: {  	_ =	shalt  }
0x7f: {  	_ =	shalt  }
0x80: {  	_ =	shalt  }
0x81: {  	_ =	shalt  }
0x82: {  	_ =	shalt  }
0x83: {  	_ =	shalt  }
0x84: {  	_ =	shalt  }
0x85: {  	_ =	shalt  }
0x86: {  	_ =	shalt  }
0x87: {  	_ =	shalt  }
.Lfunc_end0:
.L_simem_size_0:
called_computation.2_lowered:
.L_overlay_start_0:
0x88: {  	s2 =	sld [smem:$0x3FD9]  }
0x89: {  	s3 =	sld [smem:$0x3FFE];
	_ =	sdelay $0x1  }
0x8a: {  	s1 =	srdreg.scid  }
0x8b: {  	s0 =	sand.u32 $0x1, s1  }
0x8c: {  	s17 =	sshll.u32 s0, $0xA;
	s2 =	sadd.s32 s3, s2  }
0x8d: {  	s2 =	sadd.s32 s2, s17  }
0x8e: {  	[smem:$0x3FC4] =	sst s2  }
0x8f: {  	_ = 	snop  }
0x90: {  	s2 =	sld [smem:$0x3FD0];
	(tm) =	ssettm $0x1  }
0x91: {  	s18 =	sld [smem:$0x3FFB];
	_ =	sdelay $0x3  }
0x92: {  	_ =	strace s18  }
0x93: {  	s3 =	sld [smem:$0x3FFC];
	_ =	sdelay $0x3  }
0x94: {  	_ =	strace s3  }
0x95: {  	s3 =	sld [smem:$0x3FFD];
	_ =	sdelay $0x3  }
0x96: {  	_ =	strace s3  }
0x97: {  	_ =	strace $0x8FFFFFFF  }
0x98: {  	s19 =	sld [smem:$0x3FDB];
	_ =	sdelay $0x1  }
0x99: {  	s4 =	simm.s32 $_scs_section_size  }
0x9a: {  	s5 =	simm.s32 $_size__tile_overlayer_lowered;
	s6 =	simm.s32 $_tile_overlayer_lowered  }
0x9b: {  	s22 =	simm.s32 $0x1BFF;
	s21 =	sshll.u32 s6, $0x1;
	s3 =	sadd.s32 s4, s19  }
0x9c: {  	s7 =	simm.s32 $0x0;
	s20 =	sshll.u32 s5, $0x1;
	s5 =	sadd.s32 s21, s3  }
0x9d: {  	[timem:s7], [sflag:s22] =	dma.local [hbm:s5], s20  }
0x9e: {  	_ =	swait.ge [sflag:s22], s20  }
0x9f: {  	s4 =	ssub.s32 $0x0, s20;
	[sflag:s22] =	ssyncset.done $0x0  }
0xa0: {  	[sflag:s22] =	ssyncadd.s32 s4;
	_ =	sdelay $0x1  }
0xa1: {  	s23 =	simm.s32 $0x1B8B  }
0xa2: {  	_ =	swait.ge [sflag:s23], $0x1  }
0xa3: {  	[sflag:s23] =	ssyncset.done $0x0  }
0xa4: {  	s25 =	simm.s32 $0x1B8E;
	s24 =	sld [smem:$0x3FFE];
	[sflag:s23] =	ssyncadd.s32 $0xFFFFFFFF  }
0xa5: {  	s26 =	simm.s32 $execute0_lowered;
	[smem:$0x3FD2] =	sst s25  }
0xa6: {  	s5 =	sshll.u32 s26, $0x1;
	_ =	strace $0x8000004C;
	[dreg:$0x1] =	wrdreg $0xFFFFFFFF  }
0xa7: {  	s28 =	simm.s32 $_size_execute0_lowered;
	s3 =	sadd.s32 s3, s5;
	[dreg:$0x0] =	wrdreg $0x0  }
0xa8: {  	s5 =	sshll.u32 s28, $0x1;
	[dreg:$0x2] =	wrdreg s3  }
0xa9: {  	[dreg:$0x3] =	wrdreg s5  }
0xaa: {  	[dreg:$0x4] =	wrdreg $0xC0  }
0xab: {  	_ =	task [dreg:s7], $0x5FFFF  }
0xac: {  	[dreg:$0x1] =	wrdreg $0xFFFFFFFF  }
0xad: {  	[dreg:$0x0] =	wrdreg $0x60  }
0xae: {  	[dreg:$0x2] =	wrdreg s24  }
0xaf: {  	[dreg:$0x3] =	wrdreg s2  }
0xb0: {  	[dreg:$0x4] =	wrdreg $0xC0000  }
0xb1: {  	[dreg:$0x5] =	wrdreg $0x9  }
0xb2: {  	_ =	task.clear_ibuf [dreg:s7], $0x6FFFF;
	_ =	strace $0x9000004C  }
0xb3: {  	s29 =	simm.s32 $0x9;
	_ =	strace $0x8000004E  }
0xb4: {  	_ =	swait.ge [sflag:s29], $0x1  }
0xb5: {  	[sflag:s29] =	ssyncadd.s32 $0xFFFFFFFF  }
0xb6: {  	_ =	strace $0x9000004E  }
0xb7: {  	_ =	sfence  }
0xb8: {  	s30 =	sld [smem:$0x0];
	_ =	sdelay $0x2  }
0xb9: {  	s31 =	sshll.u32 s1, $0xD;
	s1 =	sshrl.u32 s1, $0x2  }
0xba: {  	s3 =	sand.u32 $0x4000, s31;
	s1 =	sadd.s32 s1, s30  }
0xbb: {  	s0 =	sor.u32 s3, s0;
	s1 =	sshll.u32 s1, $0x11  }
0xbc: {  	s0 =	sor.u32 s1, s0  }
0xbd: {  	s0 =	sadd.s32 $0x8F2B, s0  }
0xbe: {  	[sflag:s0] =	ssyncadd.remote.s32 $0x1  }
0xbf: {  	_ =	sfence.sel $0xFFFF  }
0xc0: {  	[dreg:$0x0] =	wrdreg $0xFFFFFFFF;
	(pc) =	sbr.abs _section_cstart, $3  }
0xc1: {  	[dreg:$0x1] =	wrdreg $0xFFFFFFFF  }
0xc2: {  	_ =	task.clear_ibuf [dreg:s7], $0x2FFFF;
	_ =	strace $0x9FFFFFFF  }
0xc3: {  	(tm) =	ssettm $0x7FFFFFFF  }
tec
execute0_lowered:
.L_overlay_start_1:
0x0: {  	(tag) =	ssettag $0x1  }
0x1: {  	s0 =	rddreg [dreg:$0x0]  }
0x2: {  	s2 =	rddreg [dreg:$0x1]  }
0x3: {  	s1 =	rddreg [dreg:$0x2]  }
0x4: {  	s3 =	simm.s32 $0x0;
	s4 =	srdreg.scid;
	s12 =	stileid.u32  }
0x5: {  	s31 =	simm.s32 $0xD;
	s16 =	simm.s32 $0x480;
	s29 =	simm.s32 $0x9400  }
0x6: {  	s30 =	simm.s32 $0x3;
	[smem:$0x7FF] =	sst s3;
	s7 =	smul.u32 $0x13C00, s12  }
0x7: {  	s5 =	sand.u32 $0x1, s4;
	s9 =	sadd.s32 $0x18400, s0;
	s18 =	smul.u32 $0x13, s12  }
0x8: {  	s10 =	sadd.s32 $0xBC00, s0;
	s11 =	smul.u32 $0x4F000, s12;
	s24 =	sshll.u32 s12, $0x6  }
0x9: {  	s6 =	smul.u32 $0x13C000, s5;
	s4 =	sshll.u32 s5, $0x4;
	_ =	strace $0x8000004D  }
0xa: {  	[dreg:$0x12] =	wrdreg s10;
	s17 =	smul.u32 $0x130, s5;
	s5 =	ssub.s32 $0x2, s5  }
0xb: {  	s26 =	sor.u32 $0x1C0D, s24;
	[dreg:$0x8] =	wrdreg s16;
	s16 =	simm.s32 $0x400  }
0xc: {  	s24 =	simm.s32 $0xE00;
	s8 =	sor.u32 s12, s4;
	s4 =	sadd.s32 $0x2B400, s0  }
0xd: {  	s19 =	sshrl.u32 s5, $0x1;
	s23 =	sshrl.u32 s11, $0x2;
	[dreg:$0x10] =	wrdreg s24  }
0xe: {  	s24 =	simm.s32 $0x6800;
	[dreg:$0x15] =	wrdreg s26;
	s8 =	smul.u32 $0x980, s8  }
0xf: {  	s6 =	sadd.s32 s7, s6;
	s5 =	ssub.s32 s5, s19;
	s21 =	sadd.s32 s18, s17  }
0x10: {  	s7 =	sadd.s32 s23, s1;
	s17 =	simm.s32 $0x500;
	s18 =	simm.s32 $0xC80  }
0x11: {  	s19 =	simm.s32 $0x580;
	s23 =	simm.s32 $0x680;
	[dreg:$0x9] =	wrdreg s17  }
0x12: {  	s6 =	sshrl.u32 s6, $0x3;
	s14 =	smax.u32 s5, $0x1;
	[dreg:$0xa] =	wrdreg s18  }
0x13: {  	s28 =	sshrl.u32 s7, $0x3;
	s17 =	simm.s32 $0xC00;
	[dreg:$0xb] =	wrdreg s19  }
0x14: {  	s18 =	simm.s32 $0x58;
	s19 =	simm.s32 $0x1000;
	[dreg:$0xf] =	wrdreg s23  }
0x15: {  	s5 =	simm.s32 $0x4;
	s7 =	simm.s32 $0x6;
	s23 =	simm.s32 $0xC  }
0x16: {  	s0 =	sadd.s32 s6, s0;
	s20 =	sadd.s32 s2, s8;
	[dreg:$0x17] =	wrdreg s14  }
0x17: {  	s22 =	sadd.s32 s9, s8;
	s6 =	sshll.u32 s21, $0x7;
	[dreg:$0x18] =	wrdreg s28  }
0x18: {  	s14 =	simm.s32 $0x9;
	s21 =	simm.s32 $0x600;
	[dreg:$0x13] =	wrdreg s20  }
0x19: {  	s8 =	simm.s32 $0xA80;
	[dreg:$0x14] =	wrdreg s22;
	s25 =	sadd.s32 s6, s2  }
0x1a: {  	s11 =	sadd.s32 s6, s9;
	s6 =	sadd.s32 $0x80, s6;
	s0 =	sadd.s32 $0x52C00, s0  }
0x1b: {  	s20 =	simm.s32 $0xD00;
	[dreg:$0xd] =	wrdreg s21;
	s22 =	simm.s32 $0xD80  }
0x1c: {  	s21 =	simm.s32 $0x3C00;
	s10 =	sadd.s32 $0x100, s25;
	[dreg:$0x16] =	wrdreg s0  }
0x1d: {  	s12 =	sadd.s32 $0x100, s11;
	s13 =	sadd.s32 s6, s2;
	[dreg:$0xc] =	wrdreg s20  }
0x1e: {  	s15 =	sadd.s32 s6, s9;
	s11 =	simm.s32 $0x800;
	[dreg:$0xe] =	wrdreg s22  }
0x1f: {  	s22 =	simm.s32 $0x1;
	s25 =	simm.s32 $0xE80;
	[dreg:$0x4] =	wrdreg s10  }
0x20: {  	s0 =	simm.s32 $0x5;
	s6 =	simm.s32 $0x980;
	[dreg:$0x5] =	wrdreg s12  }
0x21: {  	s9 =	simm.s32 $0x280;
	s20 =	simm.s32 $0xA;
	[dreg:$0x6] =	wrdreg s13  }
0x22: {  	s2 =	simm.s32 $0x0;
	[dreg:$0x7] =	wrdreg s15;
	s15 =	simm.s32 $0xB  }
0x23: {  	[dreg:$0x11] =	wrdreg s25;
	s25 =	simm.s32 $0x2;
	s10 =	simm.s32 $0xA00  }
0x24: {  	s12 =	simm.s32 $0x7;
	s13 =	simm.s32 $0x8;
	[dreg:$0x19] =	wrdreg s2  }
.LBB2_1:
0x25: {  	s2 =	rddreg [dreg:$0x13]  }
0x26: {  	[tilespmem:s3], [sflag:$0x9] =	stream.linear.gather [hbm4b:s2+s3], $0x300, $0x38;
	[tilespmem:$0x1FC00] =	vst v63  }
0x27: {  	s2 =	rddreg [dreg:$0x14]  }
0x28: {  	[tilespmem:s11], [sflag:$0xB] =	stream.linear.gather [hbm4b:s2+s3], $0x300, $0x38;
	[tilespmem:$0x1FC00] =	vst v63  }
0x29: {  	s2 =	rddreg [dreg:$0x12]  }
0x2a: {  	[spmem:s28], [sflag:s26] =	dma.local [hbm:s2], $0x2780  }
0x2b: {  	_ =	swait.ge [sflag:s31], $0x2780  }
0x2c: {  	[sflag:s31] =	ssyncset.done $0x0  }
0x2d: {  	[sflag:s31] =	ssyncadd.s32 $0xFFFFD880  }
0x2e: {  	[bflag:$0x0] =	sbarrier.arrive $0xFFFF  }
0x2f: {  	_ =	swait.ge [sflag:s14], $0x300  }
0x30: {  	[sflag:s14] =	ssyncset.done $0x0  }
0x31: {  	[sflag:s14] =	ssyncadd.s32 $0xFFFFFD00  }
0x32: {  	_ =	swait.ge [sflag:s15], $0x300  }
0x33: {  	s2 =	rddreg [dreg:$0x6];
	[sflag:s15] =	ssyncset.done $0x0  }
0x34: {  	s31 =	rddreg [dreg:$0x7];
	[sflag:s15] =	ssyncadd.s32 $0xFFFFFD00;
	s26 =	sadd.s32 $0x0, s2  }
0x35: {  	[tilespmem:s16], [sflag:$0xA] =	stream.linear.gather [hbm4b:s26+s3], $0x300, $0x38;
	[tilespmem:$0x1FC00] =	vst v63  }
0x36: {  	s2 =	sadd.s32 $0x0, s31  }
0x37: {  	[tilespmem:s17], [sflag:$0xC] =	stream.linear.gather [hbm4b:s2+s3], $0x300, $0x38;
	[tilespmem:$0x1FC00] =	vst v63  }
0x38: {  	_ = 	snop  }
0x39: {  	[tilespmem:s19], [sflag:$0x1] =	stream.indirect.gather [hbm4b:s4+s18], $0x80, s3, s18, $0xb8;
	[tilespmem:$0x1FC00] =	vst v63  }
0x3a: {  	s26 =	simm.s32 $0x80  }
0x3b: {  	[tilespmem:s21], [sflag:$0x2] =	stream.indirect.gather [hbm4b:s4+s18], $0x80, s26, s18, $0xb8;
	[tilespmem:$0x1FC00] =	vst v63  }
0x3c: {  	_ =	swait.ge [sflag:s22], $0x2C00  }
0x3d: {  	[sflag:s22] =	ssyncset.done $0x0  }
0x3e: {  	[sflag:s22] =	ssyncadd.s32 $0xFFFFD400  }
0x3f: {  	[spmem:s1] =	stream.indirect.scatter.add.f32 [tilespmem:s19], [sflag:$0x5], $0x80, s11, s18, $0xb8;
	[tilespmem:$0x1FC00] =	vst v63  }
0x40: {  	s28 =	simm.s32 $0x100  }
0x41: {  	[tilespmem:s24], [sflag:$0x3] =	stream.indirect.gather [hbm4b:s4+s18], $0x80, s28, s18, $0xb8;
	[tilespmem:$0x1FC00] =	vst v63  }
0x42: {  	_ =	swait.ge [sflag:s25], $0x2C00  }
0x43: {  	[sflag:s25] =	ssyncset.done $0x0  }
0x44: {  	s31 =	simm.s32 $0x880;
	[sflag:s25] =	ssyncadd.s32 $0xFFFFD400  }
0x45: {  	[spmem:s1] =	stream.indirect.scatter.add.f32 [tilespmem:s21], [sflag:$0x6], $0x80, s31, s18, $0xb8;
	[tilespmem:$0x1FC00] =	vst v63  }
0x46: {  	s26 =	simm.s32 $0x180  }
0x47: {  	[tilespmem:s29], [sflag:$0x4] =	stream.indirect.gather [hbm4b:s4+s18], $0x80, s26, s18, $0xb8;
	[tilespmem:$0x1FC00] =	vst v63  }
0x48: {  	_ =	swait.ge [sflag:s30], $0x2C00  }
0x49: {  	[sflag:s30] =	ssyncset.done $0x0  }
0x4a: {  	s28 =	simm.s32 $0x900;
	[sflag:s30] =	ssyncadd.s32 $0xFFFFD400  }
0x4b: {  	[spmem:s1] =	stream.indirect.scatter.add.f32 [tilespmem:s24], [sflag:$0x7], $0x80, s28, s18, $0xb8;
	[tilespmem:$0x1FC00] =	vst v63  }
0x4c: {  	_ =	swait.ge [sflag:s0], $0x2C00  }
0x4d: {  	[sflag:s0] =	ssyncset.done $0x0  }
0x4e: {  	s31 =	simm.s32 $0x200;
	[sflag:s0] =	ssyncadd.s32 $0xFFFFD400  }
0x4f: {  	[tilespmem:s19], [sflag:$0x1] =	stream.indirect.gather [hbm4b:s4+s18], $0x80, s31, s18, $0xb8;
	[tilespmem:$0x1FC00] =	vst v63  }
0x50: {  	_ =	swait.ge [sflag:s5], $0x2C00  }
0x51: {  	[sflag:s5] =	ssyncset.done $0x0  }
0x52: {  	[sflag:s5] =	ssyncadd.s32 $0xFFFFD400  }
0x53: {  	[spmem:s1] =	stream.indirect.scatter.add.f32 [tilespmem:s29], [sflag:$0x8], $0x80, s6, s18, $0xb8;
	[tilespmem:$0x1FC00] =	vst v63  }
0x54: {  	_ =	swait.ge [sflag:s7], $0x2C00  }
0x55: {  	[sflag:s7] =	ssyncset.done $0x0  }
0x56: {  	[sflag:s7] =	ssyncadd.s32 $0xFFFFD400  }
0x57: {  	[tilespmem:s21], [sflag:$0x2] =	stream.indirect.gather [hbm4b:s4+s18], $0x80, s9, s18, $0xb8;
	[tilespmem:$0x1FC00] =	vst v63  }
0x58: {  	_ =	swait.ge [sflag:s22], $0x2C00  }
0x59: {  	[sflag:s22] =	ssyncset.done $0x0  }
0x5a: {  	[sflag:s22] =	ssyncadd.s32 $0xFFFFD400  }
0x5b: {  	[spmem:s1] =	stream.indirect.scatter.add.f32 [tilespmem:s19], [sflag:$0x5], $0x80, s10, s18, $0xb8;
	[tilespmem:$0x1FC00] =	vst v63  }
0x5c: {  	_ =	swait.ge [sflag:s25], $0x2C00  }
0x5d: {  	[sflag:s25] =	ssyncset.done $0x0  }
0x5e: {  	[sflag:s25] =	ssyncadd.s32 $0xFFFFD400  }
0x5f: {  	[spmem:s1] =	stream.indirect.scatter.add.f32 [tilespmem:s21], [sflag:$0x6], $0x80, s8, s18, $0xb8;
	[tilespmem:$0x1FC00] =	vst v63  }
0x60: {  	_ =	swait.ge [sflag:s12], $0x2C00  }
0x61: {  	[sflag:s12] =	ssyncset.done $0x0  }
0x62: {  	[sflag:s12] =	ssyncadd.s32 $0xFFFFD400  }
0x63: {  	_ =	swait.ge [sflag:s13], $0x2C00  }
0x64: {  	[sflag:s13] =	ssyncset.done $0x0  }
0x65: {  	[sflag:s13] =	ssyncadd.s32 $0xFFFFD400  }
0x66: {  	_ =	swait.ge [sflag:s0], $0x2C00  }
0x67: {  	[sflag:s0] =	ssyncset.done $0x0  }
0x68: {  	[sflag:s0] =	ssyncadd.s32 $0xFFFFD400  }
0x69: {  	_ =	swait.ge [sflag:s7], $0x2C00  }
0x6a: {  	[sflag:s7] =	ssyncset.done $0x0  }
0x6b: {  	[sflag:s7] =	ssyncadd.s32 $0xFFFFD400  }
0x6c: {  	_ =	swait.ge [sflag:s20], $0x300  }
0x6d: {  	[sflag:s20] =	ssyncset.done $0x0  }
0x6e: {  	[sflag:s20] =	ssyncadd.s32 $0xFFFFFD00  }
0x6f: {  	_ =	swait.ge [sflag:s23], $0x300  }
0x70: {  	s2 =	rddreg [dreg:$0x4];
	[sflag:s23] =	ssyncset.done $0x0  }
0x71: {  	s31 =	rddreg [dreg:$0x5];
	[sflag:s23] =	ssyncadd.s32 $0xFFFFFD00;
	s26 =	sadd.s32 $0x0, s2  }
0x72: {  	[tilespmem:s3], [sflag:$0x9] =	stream.linear.gather [hbm4b:s26+s3], $0x300, $0x38;
	[tilespmem:$0x1FC00] =	vst v63  }
0x73: {  	s2 =	sadd.s32 $0x0, s31  }
0x74: {  	[tilespmem:s11], [sflag:$0xB] =	stream.linear.gather [hbm4b:s2+s3], $0x300, $0x38;
	[tilespmem:$0x1FC00] =	vst v63  }
0x75: {  	_ = 	snop  }
0x76: {  	[tilespmem:s19], [sflag:$0x1] =	stream.indirect.gather [hbm4b:s4+s18], $0x80, s16, s18, $0xb8;
	[tilespmem:$0x1FC00] =	vst v63  }
0x77: {  	s28 =	rddreg [dreg:$0x8]  }
0x78: {  	[tilespmem:s21], [sflag:$0x2] =	stream.indirect.gather [hbm4b:s4+s18], $0x80, s28, s18, $0xb8;
	[tilespmem:$0x1FC00] =	vst v63  }
0x79: {  	_ =	swait.ge [sflag:s22], $0x2C00  }
0x7a: {  	[sflag:s22] =	ssyncset.done $0x0  }
0x7b: {  	[sflag:s22] =	ssyncadd.s32 $0xFFFFD400  }
0x7c: {  	[spmem:s1] =	stream.indirect.scatter.add.f32 [tilespmem:s19], [sflag:$0x5], $0x80, s17, s18, $0xb8;
	[tilespmem:$0x1FC00] =	vst v63  }
0x7d: {  	s31 =	rddreg [dreg:$0x9]  }
0x7e: {  	[tilespmem:s24], [sflag:$0x3] =	stream.indirect.gather [hbm4b:s4+s18], $0x80, s31, s18, $0xb8;
	[tilespmem:$0x1FC00] =	vst v63  }
0x7f: {  	_ =	swait.ge [sflag:s25], $0x2C00  }
0x80: {  	[sflag:s25] =	ssyncset.done $0x0  }
0x81: {  	s2 =	rddreg [dreg:$0xa];
	[sflag:s25] =	ssyncadd.s32 $0xFFFFD400  }
0x82: {  	[spmem:s1] =	stream.indirect.scatter.add.f32 [tilespmem:s21], [sflag:$0x6], $0x80, s2, s18, $0xb8;
	[tilespmem:$0x1FC00] =	vst v63  }
0x83: {  	s31 =	rddreg [dreg:$0xb]  }
0x84: {  	[tilespmem:s29], [sflag:$0x4] =	stream.indirect.gather [hbm4b:s4+s18], $0x80, s31, s18, $0xb8;
	[tilespmem:$0x1FC00] =	vst v63  }
0x85: {  	_ =	swait.ge [sflag:s30], $0x2C00  }
0x86: {  	[sflag:s30] =	ssyncset.done $0x0  }
0x87: {  	s2 =	rddreg [dreg:$0xc];
	[sflag:s30] =	ssyncadd.s32 $0xFFFFD400  }
0x88: {  	[spmem:s1] =	stream.indirect.scatter.add.f32 [tilespmem:s24], [sflag:$0x7], $0x80, s2, s18, $0xb8;
	[tilespmem:$0x1FC00] =	vst v63  }
0x89: {  	_ =	swait.ge [sflag:s0], $0x2C00  }
0x8a: {  	[sflag:s0] =	ssyncset.done $0x0  }
0x8b: {  	s28 =	rddreg [dreg:$0xd];
	[sflag:s0] =	ssyncadd.s32 $0xFFFFD400  }
0x8c: {  	[tilespmem:s19], [sflag:$0x1] =	stream.indirect.gather [hbm4b:s4+s18], $0x80, s28, s18, $0xb8;
	[tilespmem:$0x1FC00] =	vst v63  }
0x8d: {  	_ =	swait.ge [sflag:s5], $0x2C00  }
0x8e: {  	[sflag:s5] =	ssyncset.done $0x0  }
0x8f: {  	s31 =	rddreg [dreg:$0xe];
	[sflag:s5] =	ssyncadd.s32 $0xFFFFD400  }
0x90: {  	[spmem:s1] =	stream.indirect.scatter.add.f32 [tilespmem:s29], [sflag:$0x8], $0x80, s31, s18, $0xb8;
	[tilespmem:$0x1FC00] =	vst v63  }
0x91: {  	_ =	swait.ge [sflag:s7], $0x2C00  }
0x92: {  	[sflag:s7] =	ssyncset.done $0x0  }
0x93: {  	s2 =	rddreg [dreg:$0xf];
	[sflag:s7] =	ssyncadd.s32 $0xFFFFD400  }
0x94: {  	[tilespmem:s21], [sflag:$0x2] =	stream.indirect.gather [hbm4b:s4+s18], $0x80, s2, s18, $0xb8;
	[tilespmem:$0x1FC00] =	vst v63  }
0x95: {  	_ =	swait.ge [sflag:s22], $0x2C00  }
0x96: {  	[sflag:s22] =	ssyncset.done $0x0  }
0x97: {  	s28 =	rddreg [dreg:$0x10];
	[sflag:s22] =	ssyncadd.s32 $0xFFFFD400  }
0x98: {  	[spmem:s1] =	stream.indirect.scatter.add.f32 [tilespmem:s19], [sflag:$0x5], $0x80, s28, s18, $0xb8;
	[tilespmem:$0x1FC00] =	vst v63  }
0x99: {  	_ =	swait.ge [sflag:s25], $0x2C00  }
0x9a: {  	[sflag:s25] =	ssyncset.done $0x0  }
0x9b: {  	s31 =	rddreg [dreg:$0x11];
	[sflag:s25] =	ssyncadd.s32 $0xFFFFD400  }
0x9c: {  	[spmem:s1] =	stream.indirect.scatter.add.f32 [tilespmem:s21], [sflag:$0x6], $0x80, s31, s18, $0xb8;
	[tilespmem:$0x1FC00] =	vst v63  }
0x9d: {  	_ =	swait.ge [sflag:s12], $0x2C00  }
0x9e: {  	[sflag:s12] =	ssyncset.done $0x0  }
0x9f: {  	[sflag:s12] =	ssyncadd.s32 $0xFFFFD400  }
0xa0: {  	_ =	swait.ge [sflag:s13], $0x2C00  }
0xa1: {  	[sflag:s13] =	ssyncset.done $0x0  }
0xa2: {  	[sflag:s13] =	ssyncadd.s32 $0xFFFFD400  }
0xa3: {  	_ =	swait.ge [sflag:s0], $0x2C00  }
0xa4: {  	[sflag:s0] =	ssyncset.done $0x0  }
0xa5: {  	[sflag:s0] =	ssyncadd.s32 $0xFFFFD400  }
0xa6: {  	_ =	swait.ge [sflag:s7], $0x2C00  }
0xa7: {  	s26 =	simm.s32 $0x100;
	[sflag:s7] =	ssyncset.done $0x0  }
.LBB2_2:
0xa8: {  	[sflag:s7] =	ssyncadd.s32 $0xFFFFD400  }
0xa9: {  	_ =	swait.ge [sflag:s14], $0x300  }
0xaa: {  	[sflag:s14] =	ssyncset.done $0x0  }
0xab: {  	[sflag:s14] =	ssyncadd.s32 $0xFFFFFD00  }
0xac: {  	_ =	swait.ge [sflag:s15], $0x300  }
0xad: {  	s28 =	smov.u32 s26;
	s31 =	rddreg [dreg:$0x6];
	[sflag:s15] =	ssyncset.done $0x0  }
0xae: {  	s2 =	rddreg [dreg:$0x7];
	[sflag:s15] =	ssyncadd.s32 $0xFFFFFD00;
	s31 =	sadd.s32 s28, s31  }
0xaf: {  	[tilespmem:s16], [sflag:$0xA] =	stream.linear.gather [hbm4b:s31+s3], $0x300, $0x38;
	[tilespmem:$0x1FC00] =	vst v63  }
0xb0: {  	s2 =	sadd.s32 s28, s2  }
0xb1: {  	[tilespmem:s17], [sflag:$0xC] =	stream.linear.gather [hbm4b:s2+s3], $0x300, $0x38;
	[tilespmem:$0x1FC00] =	vst v63  }
0xb2: {  	_ = 	snop  }
0xb3: {  	[tilespmem:s19], [sflag:$0x1] =	stream.indirect.gather [hbm4b:s4+s18], $0x80, s3, s18, $0xb8;
	[tilespmem:$0x1FC00] =	vst v63  }
0xb4: {  	s31 =	simm.s32 $0x80  }
0xb5: {  	[tilespmem:s21], [sflag:$0x2] =	stream.indirect.gather [hbm4b:s4+s18], $0x80, s31, s18, $0xb8;
	[tilespmem:$0x1FC00] =	vst v63  }
0xb6: {  	_ =	swait.ge [sflag:s22], $0x2C00  }
0xb7: {  	[sflag:s22] =	ssyncset.done $0x0  }
0xb8: {  	[sflag:s22] =	ssyncadd.s32 $0xFFFFD400  }
0xb9: {  	[spmem:s1] =	stream.indirect.scatter.add.f32 [tilespmem:s19], [sflag:$0x5], $0x80, s11, s18, $0xb8;
	[tilespmem:$0x1FC00] =	vst v63  }
0xba: {  	s31 =	simm.s32 $0x100  }
0xbb: {  	[tilespmem:s24], [sflag:$0x3] =	stream.indirect.gather [hbm4b:s4+s18], $0x80, s31, s18, $0xb8;
	[tilespmem:$0x1FC00] =	vst v63  }
0xbc: {  	_ =	swait.ge [sflag:s25], $0x2C00  }
0xbd: {  	[sflag:s25] =	ssyncset.done $0x0  }
0xbe: {  	s31 =	simm.s32 $0x880;
	[sflag:s25] =	ssyncadd.s32 $0xFFFFD400  }
0xbf: {  	[spmem:s1] =	stream.indirect.scatter.add.f32 [tilespmem:s21], [sflag:$0x6], $0x80, s31, s18, $0xb8;
	[tilespmem:$0x1FC00] =	vst v63  }
0xc0: {  	s31 =	simm.s32 $0x180  }
0xc1: {  	[tilespmem:s29], [sflag:$0x4] =	stream.indirect.gather [hbm4b:s4+s18], $0x80, s31, s18, $0xb8;
	[tilespmem:$0x1FC00] =	vst v63  }
0xc2: {  	_ =	swait.ge [sflag:s30], $0x2C00  }
0xc3: {  	[sflag:s30] =	ssyncset.done $0x0  }
0xc4: {  	s31 =	simm.s32 $0x900;
	[sflag:s30] =	ssyncadd.s32 $0xFFFFD400  }
0xc5: {  	[spmem:s1] =	stream.indirect.scatter.add.f32 [tilespmem:s24], [sflag:$0x7], $0x80, s31, s18, $0xb8;
	[tilespmem:$0x1FC00] =	vst v63  }
0xc6: {  	_ =	swait.ge [sflag:s0], $0x2C00  }
0xc7: {  	[sflag:s0] =	ssyncset.done $0x0  }
0xc8: {  	s31 =	simm.s32 $0x200;
	[sflag:s0] =	ssyncadd.s32 $0xFFFFD400  }
0xc9: {  	[tilespmem:s19], [sflag:$0x1] =	stream.indirect.gather [hbm4b:s4+s18], $0x80, s31, s18, $0xb8;
	[tilespmem:$0x1FC00] =	vst v63  }
0xca: {  	_ =	swait.ge [sflag:s5], $0x2C00  }
0xcb: {  	[sflag:s5] =	ssyncset.done $0x0  }
0xcc: {  	[sflag:s5] =	ssyncadd.s32 $0xFFFFD400  }
0xcd: {  	[spmem:s1] =	stream.indirect.scatter.add.f32 [tilespmem:s29], [sflag:$0x8], $0x80, s6, s18, $0xb8;
	[tilespmem:$0x1FC00] =	vst v63  }
0xce: {  	_ =	swait.ge [sflag:s7], $0x2C00  }
0xcf: {  	[sflag:s7] =	ssyncset.done $0x0  }
0xd0: {  	[sflag:s7] =	ssyncadd.s32 $0xFFFFD400  }
0xd1: {  	[tilespmem:s21], [sflag:$0x2] =	stream.indirect.gather [hbm4b:s4+s18], $0x80, s9, s18, $0xb8;
	[tilespmem:$0x1FC00] =	vst v63  }
0xd2: {  	_ =	swait.ge [sflag:s22], $0x2C00  }
0xd3: {  	[sflag:s22] =	ssyncset.done $0x0  }
0xd4: {  	[sflag:s22] =	ssyncadd.s32 $0xFFFFD400  }
0xd5: {  	[spmem:s1] =	stream.indirect.scatter.add.f32 [tilespmem:s19], [sflag:$0x5], $0x80, s10, s18, $0xb8;
	[tilespmem:$0x1FC00] =	vst v63  }
0xd6: {  	_ =	swait.ge [sflag:s25], $0x2C00  }
0xd7: {  	[sflag:s25] =	ssyncset.done $0x0  }
0xd8: {  	[sflag:s25] =	ssyncadd.s32 $0xFFFFD400  }
0xd9: {  	[spmem:s1] =	stream.indirect.scatter.add.f32 [tilespmem:s21], [sflag:$0x6], $0x80, s8, s18, $0xb8;
	[tilespmem:$0x1FC00] =	vst v63  }
0xda: {  	_ =	swait.ge [sflag:s12], $0x2C00  }
0xdb: {  	[sflag:s12] =	ssyncset.done $0x0  }
0xdc: {  	[sflag:s12] =	ssyncadd.s32 $0xFFFFD400  }
0xdd: {  	_ =	swait.ge [sflag:s13], $0x2C00  }
0xde: {  	[sflag:s13] =	ssyncset.done $0x0  }
0xdf: {  	[sflag:s13] =	ssyncadd.s32 $0xFFFFD400  }
0xe0: {  	_ =	swait.ge [sflag:s0], $0x2C00  }
0xe1: {  	[sflag:s0] =	ssyncset.done $0x0  }
0xe2: {  	[sflag:s0] =	ssyncadd.s32 $0xFFFFD400  }
0xe3: {  	_ =	swait.ge [sflag:s7], $0x2C00  }
0xe4: {  	[sflag:s7] =	ssyncset.done $0x0  }
0xe5: {  	[sflag:s7] =	ssyncadd.s32 $0xFFFFD400  }
0xe6: {  	_ =	swait.ge [sflag:s20], $0x300  }
0xe7: {  	[sflag:s20] =	ssyncset.done $0x0  }
0xe8: {  	[sflag:s20] =	ssyncadd.s32 $0xFFFFFD00  }
0xe9: {  	_ =	swait.ge [sflag:s23], $0x300  }
0xea: {  	s2 =	rddreg [dreg:$0x4];
	[sflag:s23] =	ssyncset.done $0x0  }
0xeb: {  	s31 =	rddreg [dreg:$0x5];
	[sflag:s23] =	ssyncadd.s32 $0xFFFFFD00;
	s2 =	sadd.s32 s28, s2  }
0xec: {  	[tilespmem:s3], [sflag:$0x9] =	stream.linear.gather [hbm4b:s2+s3], $0x300, $0x38;
	[tilespmem:$0x1FC00] =	vst v63  }
0xed: {  	s28 =	sadd.s32 s28, s31  }
0xee: {  	[tilespmem:s11], [sflag:$0xB] =	stream.linear.gather [hbm4b:s28+s3], $0x300, $0x38;
	[tilespmem:$0x1FC00] =	vst v63  }
0xef: {  	_ = 	snop  }
0xf0: {  	[tilespmem:s19], [sflag:$0x1] =	stream.indirect.gather [hbm4b:s4+s18], $0x80, s16, s18, $0xb8;
	[tilespmem:$0x1FC00] =	vst v63  }
0xf1: {  	s31 =	rddreg [dreg:$0x8]  }
0xf2: {  	[tilespmem:s21], [sflag:$0x2] =	stream.indirect.gather [hbm4b:s4+s18], $0x80, s31, s18, $0xb8;
	[tilespmem:$0x1FC00] =	vst v63  }
0xf3: {  	_ =	swait.ge [sflag:s22], $0x2C00  }
0xf4: {  	[sflag:s22] =	ssyncset.done $0x0  }
0xf5: {  	[sflag:s22] =	ssyncadd.s32 $0xFFFFD400  }
0xf6: {  	[spmem:s1] =	stream.indirect.scatter.add.f32 [tilespmem:s19], [sflag:$0x5], $0x80, s17, s18, $0xb8;
	[tilespmem:$0x1FC00] =	vst v63  }
0xf7: {  	s28 =	rddreg [dreg:$0x9]  }
0xf8: {  	[tilespmem:s24], [sflag:$0x3] =	stream.indirect.gather [hbm4b:s4+s18], $0x80, s28, s18, $0xb8;
	[tilespmem:$0x1FC00] =	vst v63  }
0xf9: {  	_ =	swait.ge [sflag:s25], $0x2C00  }
0xfa: {  	[sflag:s25] =	ssyncset.done $0x0  }
0xfb: {  	s2 =	rddreg [dreg:$0xa];
	[sflag:s25] =	ssyncadd.s32 $0xFFFFD400  }
0xfc: {  	[spmem:s1] =	stream.indirect.scatter.add.f32 [tilespmem:s21], [sflag:$0x6], $0x80, s2, s18, $0xb8;
	[tilespmem:$0x1FC00] =	vst v63  }
0xfd: {  	s31 =	rddreg [dreg:$0xb]  }
0xfe: {  	[tilespmem:s29], [sflag:$0x4] =	stream.indirect.gather [hbm4b:s4+s18], $0x80, s31, s18, $0xb8;
	[tilespmem:$0x1FC00] =	vst v63  }
0xff: {  	_ =	swait.ge [sflag:s30], $0x2C00  }
0x100: {  	[sflag:s30] =	ssyncset.done $0x0  }
0x101: {  	s28 =	rddreg [dreg:$0xc];
	[sflag:s30] =	ssyncadd.s32 $0xFFFFD400  }
0x102: {  	[spmem:s1] =	stream.indirect.scatter.add.f32 [tilespmem:s24], [sflag:$0x7], $0x80, s28, s18, $0xb8;
	[tilespmem:$0x1FC00] =	vst v63  }
0x103: {  	_ =	swait.ge [sflag:s0], $0x2C00  }
0x104: {  	[sflag:s0] =	ssyncset.done $0x0  }
0x105: {  	s31 =	rddreg [dreg:$0xd];
	[sflag:s0] =	ssyncadd.s32 $0xFFFFD400  }
0x106: {  	[tilespmem:s19], [sflag:$0x1] =	stream.indirect.gather [hbm4b:s4+s18], $0x80, s31, s18, $0xb8;
	[tilespmem:$0x1FC00] =	vst v63  }
0x107: {  	_ =	swait.ge [sflag:s5], $0x2C00  }
0x108: {  	[sflag:s5] =	ssyncset.done $0x0  }
0x109: {  	s28 =	rddreg [dreg:$0xe];
	[sflag:s5] =	ssyncadd.s32 $0xFFFFD400  }
0x10a: {  	[spmem:s1] =	stream.indirect.scatter.add.f32 [tilespmem:s29], [sflag:$0x8], $0x80, s28, s18, $0xb8;
	[tilespmem:$0x1FC00] =	vst v63  }
0x10b: {  	_ =	swait.ge [sflag:s7], $0x2C00  }
0x10c: {  	[sflag:s7] =	ssyncset.done $0x0  }
0x10d: {  	s31 =	rddreg [dreg:$0xf];
	[sflag:s7] =	ssyncadd.s32 $0xFFFFD400  }
0x10e: {  	[tilespmem:s21], [sflag:$0x2] =	stream.indirect.gather [hbm4b:s4+s18], $0x80, s31, s18, $0xb8;
	[tilespmem:$0x1FC00] =	vst v63  }
0x10f: {  	_ =	swait.ge [sflag:s22], $0x2C00  }
0x110: {  	[sflag:s22] =	ssyncset.done $0x0  }
0x111: {  	s28 =	rddreg [dreg:$0x10];
	[sflag:s22] =	ssyncadd.s32 $0xFFFFD400  }
0x112: {  	[spmem:s1] =	stream.indirect.scatter.add.f32 [tilespmem:s19], [sflag:$0x5], $0x80, s28, s18, $0xb8;
	[tilespmem:$0x1FC00] =	vst v63  }
0x113: {  	_ =	swait.ge [sflag:s25], $0x2C00  }
0x114: {  	[sflag:s25] =	ssyncset.done $0x0  }
0x115: {  	s31 =	rddreg [dreg:$0x11];
	[sflag:s25] =	ssyncadd.s32 $0xFFFFD400  }
0x116: {  	[spmem:s1] =	stream.indirect.scatter.add.f32 [tilespmem:s21], [sflag:$0x6], $0x80, s31, s18, $0xb8;
	[tilespmem:$0x1FC00] =	vst v63  }
0x117: {  	_ =	swait.ge [sflag:s12], $0x2C00  }
0x118: {  	[sflag:s12] =	ssyncset.done $0x0  }
0x119: {  	[sflag:s12] =	ssyncadd.s32 $0xFFFFD400  }
0x11a: {  	_ =	swait.ge [sflag:s13], $0x2C00  }
0x11b: {  	[sflag:s13] =	ssyncset.done $0x0  }
0x11c: {  	p0 =	sne.s32 s26, $0x800;
	[sflag:s13] =	ssyncadd.s32 $0xFFFFD400  }
.Ltmp0:
0x11d: {  	_ =	swait.ge [sflag:s0], $0x2C00;
	(pc) =	sbr.rel @p0 .LBB2_2-.Ltmp0, $4  }
0x11e: {  	[sflag:s0] =	ssyncset.done $0x0  }
0x11f: {  	[sflag:s0] =	ssyncadd.s32 $0xFFFFD400  }
0x120: {  	_ =	swait.ge [sflag:s7], $0x2C00  }
0x121: {  	s26 =	sadd.s32 $0x100, s26;
	[sflag:s7] =	ssyncset.done $0x0  }
0x122: {  	[sflag:s7] =	ssyncadd.s32 $0xFFFFD400  }
0x123: {  	_ =	swait.ge [sflag:s14], $0x300  }
0x124: {  	[sflag:s14] =	ssyncset.done $0x0  }
0x125: {  	[sflag:s14] =	ssyncadd.s32 $0xFFFFFD00  }
0x126: {  	_ =	swait.ge [sflag:s15], $0x300  }
0x127: {  	[sflag:s15] =	ssyncset.done $0x0  }
0x128: {  	[sflag:s15] =	ssyncadd.s32 $0xFFFFFD00  }
0x129: {  	[tilespmem:s19], [sflag:$0x1] =	stream.indirect.gather [hbm4b:s4+s18], $0x80, s3, s18, $0xb8;
	[tilespmem:$0x1FC00] =	vst v63  }
0x12a: {  	s2 =	simm.s32 $0x80  }
0x12b: {  	[tilespmem:s21], [sflag:$0x2] =	stream.indirect.gather [hbm4b:s4+s18], $0x80, s2, s18, $0xb8;
	[tilespmem:$0x1FC00] =	vst v63  }
0x12c: {  	_ =	swait.ge [sflag:s22], $0x2C00  }
0x12d: {  	[sflag:s22] =	ssyncset.done $0x0  }
0x12e: {  	[sflag:s22] =	ssyncadd.s32 $0xFFFFD400  }
0x12f: {  	[spmem:s1] =	stream.indirect.scatter.add.f32 [tilespmem:s19], [sflag:$0x5], $0x80, s11, s18, $0xb8;
	[tilespmem:$0x1FC00] =	vst v63  }
0x130: {  	s26 =	simm.s32 $0x100  }
0x131: {  	[tilespmem:s24], [sflag:$0x3] =	stream.indirect.gather [hbm4b:s4+s18], $0x80, s26, s18, $0xb8;
	[tilespmem:$0x1FC00] =	vst v63  }
0x132: {  	_ =	swait.ge [sflag:s25], $0x2C00  }
0x133: {  	[sflag:s25] =	ssyncset.done $0x0  }
0x134: {  	s26 =	simm.s32 $0x880;
	[sflag:s25] =	ssyncadd.s32 $0xFFFFD400  }
0x135: {  	[spmem:s1] =	stream.indirect.scatter.add.f32 [tilespmem:s21], [sflag:$0x6], $0x80, s26, s18, $0xb8;
	[tilespmem:$0x1FC00] =	vst v63  }
0x136: {  	s26 =	simm.s32 $0x180  }
0x137: {  	[tilespmem:s29], [sflag:$0x4] =	stream.indirect.gather [hbm4b:s4+s18], $0x80, s26, s18, $0xb8;
	[tilespmem:$0x1FC00] =	vst v63  }
0x138: {  	_ =	swait.ge [sflag:s30], $0x2C00  }
0x139: {  	[sflag:s30] =	ssyncset.done $0x0  }
0x13a: {  	s26 =	simm.s32 $0x900;
	[sflag:s30] =	ssyncadd.s32 $0xFFFFD400  }
0x13b: {  	[spmem:s1] =	stream.indirect.scatter.add.f32 [tilespmem:s24], [sflag:$0x7], $0x80, s26, s18, $0xb8;
	[tilespmem:$0x1FC00] =	vst v63  }
0x13c: {  	_ =	swait.ge [sflag:s0], $0x2C00  }
0x13d: {  	[sflag:s0] =	ssyncset.done $0x0  }
0x13e: {  	s26 =	simm.s32 $0x200;
	[sflag:s0] =	ssyncadd.s32 $0xFFFFD400  }
0x13f: {  	[tilespmem:s19], [sflag:$0x1] =	stream.indirect.gather [hbm4b:s4+s18], $0x80, s26, s18, $0xb8;
	[tilespmem:$0x1FC00] =	vst v63  }
0x140: {  	_ =	swait.ge [sflag:s5], $0x2C00  }
0x141: {  	[sflag:s5] =	ssyncset.done $0x0  }
0x142: {  	[sflag:s5] =	ssyncadd.s32 $0xFFFFD400  }
0x143: {  	[spmem:s1] =	stream.indirect.scatter.add.f32 [tilespmem:s29], [sflag:$0x8], $0x80, s6, s18, $0xb8;
	[tilespmem:$0x1FC00] =	vst v63  }
0x144: {  	_ =	swait.ge [sflag:s7], $0x2C00  }
0x145: {  	[sflag:s7] =	ssyncset.done $0x0  }
0x146: {  	[sflag:s7] =	ssyncadd.s32 $0xFFFFD400  }
0x147: {  	[tilespmem:s21], [sflag:$0x2] =	stream.indirect.gather [hbm4b:s4+s18], $0x80, s9, s18, $0xb8;
	[tilespmem:$0x1FC00] =	vst v63  }
0x148: {  	_ =	swait.ge [sflag:s22], $0x2C00  }
0x149: {  	[sflag:s22] =	ssyncset.done $0x0  }
0x14a: {  	[sflag:s22] =	ssyncadd.s32 $0xFFFFD400  }
0x14b: {  	[spmem:s1] =	stream.indirect.scatter.add.f32 [tilespmem:s19], [sflag:$0x5], $0x80, s10, s18, $0xb8;
	[tilespmem:$0x1FC00] =	vst v63  }
0x14c: {  	_ =	swait.ge [sflag:s25], $0x2C00  }
0x14d: {  	[sflag:s25] =	ssyncset.done $0x0  }
0x14e: {  	[sflag:s25] =	ssyncadd.s32 $0xFFFFD400  }
0x14f: {  	[spmem:s1] =	stream.indirect.scatter.add.f32 [tilespmem:s21], [sflag:$0x6], $0x80, s8, s18, $0xb8;
	[tilespmem:$0x1FC00] =	vst v63  }
0x150: {  	_ =	swait.ge [sflag:s12], $0x2C00  }
0x151: {  	[sflag:s12] =	ssyncset.done $0x0  }
0x152: {  	[sflag:s12] =	ssyncadd.s32 $0xFFFFD400  }
0x153: {  	_ =	swait.ge [sflag:s13], $0x2C00  }
0x154: {  	[sflag:s13] =	ssyncset.done $0x0  }
0x155: {  	[sflag:s13] =	ssyncadd.s32 $0xFFFFD400  }
0x156: {  	_ =	swait.ge [sflag:s0], $0x2C00  }
0x157: {  	[sflag:s0] =	ssyncset.done $0x0  }
0x158: {  	[sflag:s0] =	ssyncadd.s32 $0xFFFFD400  }
0x159: {  	_ =	swait.ge [sflag:s7], $0x2C00  }
0x15a: {  	[sflag:s7] =	ssyncset.done $0x0  }
0x15b: {  	[sflag:s7] =	ssyncadd.s32 $0xFFFFD400  }
0x15c: {  	[bflag:$0x0] =	sbarrier.arrive $0xFFFF  }
0x15d: {  	s26 =	rddreg [dreg:$0x15]  }
0x15e: {  	s2 =	rddreg [dreg:$0x16]  }
0x15f: {  	s31 =	simm.s32 $0xD;
	s28 =	rddreg [dreg:$0x18]  }
0x160: {  	[hbm:s2], [sflag:s26] =	dma.local [spmem:s28], $0x2780  }
0x161: {  	_ =	swait.ge [sflag:s31], $0x2780  }
0x162: {  	s2 =	rddreg [dreg:$0x19]  }
0x163: {  	s26 =	sadd.s32 $0x1, s2;
	s2 =	rddreg [dreg:$0x17]  }
0x164: {  	p0 =	sne.s32 s26, s2  }
.Ltmp1:
0x165: {  	_ = 	snop;
	(pc) =	sbr.rel @p0 .LBB2_1-.Ltmp1, $3  }
0x166: {  	_ =	sdelay $0x1  }
0x167: {  	[sflag:s31] =	ssyncset.done $0x0;
	[dreg:$0x19] =	wrdreg s26  }
0x168: {  	[sflag:s31] =	ssyncadd.s32 $0xFFFFD880;
	s26 =	rddreg [dreg:$0x15]  }
0x169: {  	_ =	sfence.sel $0x180000  }
0x16a: {  	[bflag:$0x0] =	sbarrier.arrive $0xFFFF  }
0x16b: {  	_ =	strace $0x9000004D  }
0x16c: {  	s0 =	stileid.u32;
	[bflag:$0x2] =	sbarrier.arrive $0xFFFF  }
0x16d: {  	p0 =	sne.s32 s0, $0x0;
	s0 =	rddreg [dreg:$0x3]  }
0x16e: {  	s0 =	sadd.s32 @!p0 $0x100000, s0  }
0x16f: {  	[sflag:s0] =	ssyncadd.tile.s32 @!p0 $0x1;
	_ =	shalt  }
.Lfunc_end2:
_tile_overlayer_lowered:
.L_overlay_start_2:
0x170: {  	(tag) =	ssettag $0x2  }
0x171: {  	s0 =	rddreg [dreg:$0x0];
	s2 =	stileid.u32  }
0x172: {  	s1 =	rddreg [dreg:$0x1];
	p0 =	sne.s32 s2, $0x0  }
0x173: {  	s3 =	rddreg [dreg:$0x2];
	[bflag:$0x3] =	sbarrier.arrive $0xFFFF;
	s2 =	simm.s32 @!p0 $0x1C0D  }
0x174: {  	[timem:s3], [sflag:s2] =	dma.local @!p0 [hbm:s0], s1  }
0x175: {  	s0 =	simm.s32 @!p0 $0xD  }
0x176: {  	_ =	swait.ge @!p0 [sflag:s0], s1  }
0x177: {  	s1 =	ssub.s32 @!p0 $0x0, s1;
	[sflag:s0] =	ssyncset.done @!p0 $0x0  }
0x178: {  	[sflag:s0] =	ssyncadd.s32 @!p0 s1  }
0x179: {  	[bflag:$0x3] =	sbarrier.arrive $0xFFFF  }
0x17a: {  	_ =	shalt  }

// kernel: kernel.9.cloned.1.call-start
scs
__scs_entry_jumppad:
0x0: {  	(pc) =	sbr.rel $0x88, $3  }
0x1: {  	(tag) =	ssettag $0x0;
	lr =	simm.s32 $0x1  }
0x2: {  	[smem:$0x3F9D] =	sst lr;
	_ =	strace $0xD0000000  }
0x3: {  	_ = 	snop  }
0x4: {  	_ = 	snop  }
0x5: {  	_ = 	snop  }
0x6: {  	_ = 	snop  }
0x7: {  	_ = 	snop  }
__scs_overlays_trampoline_lowered:
0x8: {  	[smem:$0x3FAC] =	sst s0  }
0x9: {  	[smem:$0x3FAD] =	sst s1  }
0xa: {  	[smem:$0x3FAE] =	sst s2  }
0xb: {  	[smem:$0x3FAF] =	sst s3  }
0xc: {  	[smem:$0x3FB0] =	sst s4  }
0xd: {  	[smem:$0x3FB1] =	sst s5  }
0xe: {  	[smem:$0x3FB2] =	sst s6  }
0xf: {  	[smem:$0x3FB3] =	sst s7  }
0x10: {  	[smem:$0x3FB4] =	sst s8  }
0x11: {  	[smem:$0x3FB5] =	sst s9;
	s0 =	simm.s32 @!p0 $0x0  }
0x12: {  	s1 =	sld [smem:$0x3F9B];
	s0 =	simm.s32 @p0 $0x1  }
0x13: {  	[smem:$0x3FB6] =	sst s0;
	s0 =	simm.s32 @!p1 $0x0  }
0x14: {  	s2 =	sld [smem:$0x3F9A];
	s0 =	simm.s32 @p1 $0x1  }
0x15: {  	[smem:$0x3FB7] =	sst s0;
	s0 =	simm.s32 @!p2 $0x0  }
0x16: {  	s3 =	sld [smem:$0x3FDB];
	s0 =	simm.s32 @p2 $0x1  }
0x17: {  	s4 =	simm.s32 $0x1BF5;
	[smem:$0x3FB9] =	sst s0  }
0x18: {  	s0 =	sld [smem:$0x3F9C];
	_ =	swait.ge [sflag:s4], $0x0  }
0x19: {  	s7 =	sld [smem:$0x3F9D]  }
0x1a: {  	s8 =	sadd.s32 $0xFFFFE003, lr  }
0x1b: {  	s9 =	sadd.s32 $0xFFFFFEF7, lr;
	s5 =	simm.s32 $0xFFFFFFFF;
	p2 =	slt.u32 s8, $0xFFFFF086  }
0x1c: {  	p1 =	slt.u32 s9, $0xF7A;
	s5 =	simm.s32 @!p2 $0x0  }
0x1d: {  	s5 =	simm.s32 @p1 $0x1;
	p0 =	seq.s32 s7, s2  }
0x1e: {  	s7 =	smul.u32 @!p0 $0xF7A, s2;
	p2 =	seq.s32 @!p0 s5, $0x0  }
0x1f: {  	s9 =	smul.u32 $0xF7A, s1;
	s8 =	simm.s32 @!p0 $0x1BF5;
	p2 =	por !p2, p0  }
0x20: {  	[sflag:s8] =	ssyncset.s32 @!p0 $0xFFFFF086;
	s6 =	sadd.s32 @!p0 s3, s7;
	s7 =	simm.s32 @!p0 $0x108  }
0x21: {  	s3 =	sadd.s32 s3, s9;
	s6 =	sadd.s32 @!p0 $0x88, s6;
	s7 =	simm.s32 @p2 $0x1082  }
0x22: {  	[simem:s7], [sflag:s8] =	dma.local @!p0 [hbm:s6], $0xF7A  }
0x23: {  	s9 =	sor.u32 $0xD0000000, s2;
	s6 =	simm.s32 $0x108;
	_ =	swait.ge @!p0 [sflag:s8], $0x0  }
0x24: {  	s3 =	sadd.s32 $0x88, s3;
	s6 =	simm.s32 @!p1 $0x1082;
	[sflag:s4] =	ssyncset.s32 $0xFFFFF086  }
0x25: {  	[simem:s6], [sflag:s4] =	dma.local [hbm:s3], $0xF7A  }
0x26: {  	[smem:$0x3F9D] =	sst s1;
	(tag) =	ssettag s2;
	_ =	strace s9  }
0x27: {  	s1 =	sld [smem:$0x3FAD]  }
0x28: {  	s2 =	sld [smem:$0x3FAE]  }
0x29: {  	s4 =	sld [smem:$0x3FB0]  }
0x2a: {  	p0 =	seq.s32 s5, $0x0;
	s5 =	sld [smem:$0x3FB1]  }
0x2b: {  	s6 =	sld [smem:$0x3FB2]  }
0x2c: {  	s7 =	sld [smem:$0x3FB3]  }
0x2d: {  	s3 =	simm.s32 $0x108;
	s8 =	sld [smem:$0x3FB4]  }
0x2e: {  	s3 =	simm.s32 @!p0 $0x1082;
	s9 =	sld [smem:$0x3FB5]  }
0x2f: {  	lr =	sadd.s32 s0, s3;
	s0 =	sld [smem:$0x3FAC]  }
0x30: {  	s3 =	sld [smem:$0x3FAF]  }
0x31: {  	[smem:$0x3FB8] =	sst s10  }
0x32: {  	s10 =	sld [smem:$0x3FB6];
	_ =	sdelay $0x3  }
0x33: {  	p0 =	seq.s32 s10, $0x1;
	s10 =	sld [smem:$0x3FB8];
	_ =	sdelay $0x3  }
0x34: {  	[smem:$0x3FB8] =	sst s10  }
0x35: {  	s10 =	sld [smem:$0x3FB7];
	_ =	sdelay $0x3  }
0x36: {  	p1 =	seq.s32 s10, $0x1;
	s10 =	sld [smem:$0x3FB8];
	_ =	sdelay $0x3  }
0x37: {  	[smem:$0x3FB8] =	sst s10  }
0x38: {  	s10 =	sld [smem:$0x3FB9]  }
0x39: {  	_ = 	snop;
	(pc) =	sbr.ind lr, $3  }
0x3a: {  	_ = 	snop  }
0x3b: {  	_ = 	snop  }
0x3c: {  	p2 =	seq.s32 s10, $0x1;
	s10 =	sld [smem:$0x3FB8]  }
0x3d: {  	_ =	shalt  }
0x3e: {  	_ =	shalt  }
0x3f: {  	_ =	shalt  }
0x40: {  	_ =	shalt  }
0x41: {  	_ =	shalt  }
0x42: {  	_ =	shalt  }
0x43: {  	_ =	shalt  }
0x44: {  	_ =	shalt  }
0x45: {  	_ =	shalt  }
0x46: {  	_ =	shalt  }
0x47: {  	_ =	shalt  }
0x48: {  	_ =	shalt  }
0x49: {  	_ =	shalt  }
0x4a: {  	_ =	shalt  }
0x4b: {  	_ =	shalt  }
0x4c: {  	_ =	shalt  }
0x4d: {  	_ =	shalt  }
0x4e: {  	_ =	shalt  }
0x4f: {  	_ =	shalt  }
0x50: {  	_ =	shalt  }
0x51: {  	_ =	shalt  }
0x52: {  	_ =	shalt  }
0x53: {  	_ =	shalt  }
0x54: {  	_ =	shalt  }
0x55: {  	_ =	shalt  }
0x56: {  	_ =	shalt  }
0x57: {  	_ =	shalt  }
0x58: {  	_ =	shalt  }
0x59: {  	_ =	shalt  }
0x5a: {  	_ =	shalt  }
0x5b: {  	_ =	shalt  }
0x5c: {  	_ =	shalt  }
0x5d: {  	_ =	shalt  }
0x5e: {  	_ =	shalt  }
0x5f: {  	_ =	shalt  }
0x60: {  	_ =	shalt  }
0x61: {  	_ =	shalt  }
0x62: {  	_ =	shalt  }
0x63: {  	_ =	shalt  }
0x64: {  	_ =	shalt  }
0x65: {  	_ =	shalt  }
0x66: {  	_ =	shalt  }
0x67: {  	_ =	shalt  }
0x68: {  	_ =	shalt  }
0x69: {  	_ =	shalt  }
0x6a: {  	_ =	shalt  }
0x6b: {  	_ =	shalt  }
0x6c: {  	_ =	shalt  }
0x6d: {  	_ =	shalt  }
0x6e: {  	_ =	shalt  }
0x6f: {  	_ =	shalt  }
0x70: {  	_ =	shalt  }
0x71: {  	_ =	shalt  }
0x72: {  	_ =	shalt  }
0x73: {  	_ =	shalt  }
0x74: {  	_ =	shalt  }
0x75: {  	_ =	shalt  }
0x76: {  	_ =	shalt  }
0x77: {  	_ =	shalt  }
0x78: {  	_ =	shalt  }
0x79: {  	_ =	shalt  }
0x7a: {  	_ =	shalt  }
0x7b: {  	_ =	shalt  }
0x7c: {  	_ =	shalt  }
0x7d: {  	_ =	shalt  }
0x7e: {  	_ =	shalt  }
0x7f: {  	_ =	shalt  }
0x80: {  	_ =	shalt  }
0x81: {  	_ =	shalt  }
0x82: {  	_ =	shalt  }
0x83: {  	_ =	shalt  }
0x84: {  	_ =	shalt  }
0x85: {  	_ =	shalt  }
0x86: {  	_ =	shalt  }
0x87: {  	_ =	shalt  }
.Lfunc_end0:
.L_simem_size_0:
called_computation_lowered:
.L_overlay_start_0:
0x88: {  	s2 =	sld [smem:$0x3FD9]  }
0x89: {  	s3 =	sld [smem:$0x3FFE];
	_ =	sdelay $0x1  }
0x8a: {  	s1 =	srdreg.scid  }
0x8b: {  	s0 =	sand.u32 $0x1, s1  }
0x8c: {  	s16 =	sshll.u32 s0, $0xA;
	s2 =	sadd.s32 s3, s2  }
0x8d: {  	s2 =	sadd.s32 s2, s16  }
0x8e: {  	[smem:$0x3FC4] =	sst s2  }
0x8f: {  	_ = 	snop  }
0x90: {  	(tm) =	ssettm $0x1  }
0x91: {  	s17 =	sld [smem:$0x3FFB];
	_ =	sdelay $0x3  }
0x92: {  	_ =	strace s17  }
0x93: {  	s2 =	sld [smem:$0x3FFC];
	_ =	sdelay $0x3  }
0x94: {  	_ =	strace s2  }
0x95: {  	s2 =	sld [smem:$0x3FFD];
	_ =	sdelay $0x3  }
0x96: {  	_ =	strace s2  }
0x97: {  	_ =	strace $0x8FFFFFFF  }
0x98: {  	s18 =	sld [smem:$0x3FDB];
	_ =	sdelay $0x1  }
0x99: {  	s19 =	simm.s32 $_scs_section_size  }
0x9a: {  	s4 =	simm.s32 $_size__tile_overlayer_lowered;
	s5 =	simm.s32 $_tile_overlayer_lowered  }
0x9b: {  	s22 =	simm.s32 $0x1BFF;
	s21 =	sshll.u32 s5, $0x1;
	s2 =	sadd.s32 s19, s18  }
0x9c: {  	s6 =	simm.s32 $0x0;
	s20 =	sshll.u32 s4, $0x1;
	s4 =	sadd.s32 s21, s2  }
0x9d: {  	[timem:s6], [sflag:s22] =	dma.local [hbm:s4], s20  }
0x9e: {  	_ =	swait.ge [sflag:s22], s20  }
0x9f: {  	s3 =	ssub.s32 $0x0, s20;
	[sflag:s22] =	ssyncset.done $0x0  }
0xa0: {  	[sflag:s22] =	ssyncadd.s32 s3;
	_ =	sdelay $0x1  }
0xa1: {  	s23 =	simm.s32 $0x1B8B  }
0xa2: {  	_ =	swait.ge [sflag:s23], $0x1  }
0xa3: {  	[sflag:s23] =	ssyncset.done $0x0  }
0xa4: {  	s25 =	simm.s32 $0x1B8E;
	s24 =	sld [smem:$0x3FFE];
	[sflag:s23] =	ssyncadd.s32 $0xFFFFFFFF  }
0xa5: {  	s26 =	simm.s32 $execute0_lowered;
	[smem:$0x3FD2] =	sst s25  }
0xa6: {  	s4 =	sshll.u32 s26, $0x1;
	_ =	strace $0x80000046;
	[dreg:$0x1] =	wrdreg $0xFFFFFFFF  }
0xa7: {  	s28 =	simm.s32 $_size_execute0_lowered;
	s2 =	sadd.s32 s2, s4;
	[dreg:$0x0] =	wrdreg $0x0  }
0xa8: {  	s4 =	sshll.u32 s28, $0x1;
	[dreg:$0x2] =	wrdreg s2  }
0xa9: {  	[dreg:$0x3] =	wrdreg s4  }
0xaa: {  	[dreg:$0x4] =	wrdreg $0xC0  }
0xab: {  	_ =	task [dreg:s6], $0x5FFFF  }
0xac: {  	[dreg:$0x1] =	wrdreg $0xFFFFFFFF  }
0xad: {  	[dreg:$0x0] =	wrdreg $0x60  }
0xae: {  	[dreg:$0x2] =	wrdreg s24  }
0xaf: {  	[dreg:$0x3] =	wrdreg $0x9  }
0xb0: {  	_ =	task.clear_ibuf [dreg:s6], $0x4FFFF;
	_ =	strace $0x90000046  }
0xb1: {  	s29 =	simm.s32 $0x9;
	_ =	strace $0x80000048  }
0xb2: {  	_ =	swait.ge [sflag:s29], $0x1  }
0xb3: {  	[sflag:s29] =	ssyncadd.s32 $0xFFFFFFFF  }
0xb4: {  	_ =	strace $0x90000048  }
0xb5: {  	_ =	sfence  }
0xb6: {  	s30 =	sld [smem:$0x0];
	_ =	sdelay $0x2  }
0xb7: {  	s31 =	sshll.u32 s1, $0xD;
	s1 =	sshrl.u32 s1, $0x2  }
0xb8: {  	s3 =	sand.u32 $0x4000, s31;
	s1 =	sadd.s32 s1, s30  }
0xb9: {  	s0 =	sor.u32 s3, s0;
	s1 =	sshll.u32 s1, $0x11  }
0xba: {  	s0 =	sor.u32 s1, s0  }
0xbb: {  	s0 =	sadd.s32 $0x8F2B, s0  }
0xbc: {  	[sflag:s0] =	ssyncadd.remote.s32 $0x1  }
0xbd: {  	_ =	sfence.sel $0xFFFF  }
0xbe: {  	[dreg:$0x0] =	wrdreg $0xFFFFFFFF;
	(pc) =	sbr.abs _section_cstart, $3  }
0xbf: {  	[dreg:$0x1] =	wrdreg $0xFFFFFFFF  }
0xc0: {  	_ =	task.clear_ibuf [dreg:s6], $0x2FFFF;
	_ =	strace $0x9FFFFFFF  }
0xc1: {  	(tm) =	ssettm $0x7FFFFFFF  }
tec
execute0_lowered:
.L_overlay_start_1:
0x0: {  	(tag) =	ssettag $0x1  }
0x1: {  	s0 =	srdreg.scid  }
0x2: {  	s3 =	sand.u32 $0x1, s0  }
0x3: {  	s0 =	stileid.u32;
	s1 =	sshll.u32 s3, $0x4  }
0x4: {  	s6 =	rddreg [dreg:$0x0];
	s2 =	simm.s32 $0x0;
	s4 =	sor.u32 s0, s1  }
0x5: {  	s8 =	simm.s32 $0x400;
	s9 =	simm.s32 $0x1;
	s1 =	sshrl.u32 s4, $0x3  }
0x6: {  	s10 =	simm.s32 $0x2780;
	s29 =	sshll.u32 s0, $0x7;
	s5 =	smul.u32 $0x13C00, s1  }
0x7: {  	s11 =	simm.s32 $0x0;
	[smem:$0x7FF] =	sst s2;
	s7 =	sand.u32 $0x380, s29  }
0x8: {  	s30 =	ssub.s32 $0x2, s3;
	s3 =	sadd.s32 $0xBC00, s6;
	s5 =	sor.u32 s7, s5  }
0x9: {  	s31 =	sshrl.u32 s30, $0x1;
	s4 =	smul.u32 $0x500, s4;
	s5 =	sshrl.u32 s5, $0x3  }
0xa: {  	s1 =	rddreg [dreg:$0x1];
	_ =	strace $0x80000047;
	s5 =	sadd.s32 s5, s6  }
0xb: {  	s7 =	ssub.s32 s30, s31;
	s6 =	sadd.s32 s4, s6;
	s4 =	sadd.s32 $0x1E00, s5  }
0xc: {  	v0 =	vimm.f32 $1.000000000e+00;
	s5 =	sadd.s32 $0xE400, s6;
	s6 =	smax.u32 s7, $0x1;
	s7 =	simm.s32 $0x80  }
.LBB2_1:
0xd: {  	[tilespmem:s2], [sflag:$0x1] =	stream.strided.gather [hbm4b:s4+s7], $0x2780, s8, s7, $0x38;
	[tilespmem:$0x4F80] =	vst v63  }
0xe: {  	_ =	swait.ge [sflag:s9], $0x2780  }
0xf: {  	[sflag:s9] =	ssyncset.done $0x0  }
0x10: {  	[sflag:s9] =	ssyncadd.s32 $0xFFFFD880  }
0x11: {  	[tilespmem:s10], [sflag:$0x1] =	stream.linear.gather [hbm4b:s3+s2], $0x2800, $0x38;
	[tilespmem:$0x4F80] =	vst v63  }
0x12: {  	_ =	swait.ge [sflag:s9], $0x2800  }
0x13: {  	[sflag:s9] =	ssyncset.done $0x0  }
0x14: {  	s13 =	simm.s32 $0x0;
	s12 =	simm.s32 $0x40;
	[sflag:s9] =	ssyncadd.s32 $0xFFFFD800  }
.LBB2_2:
0x15: {  	p0 =	sne.s32 s12, $0x9C80;
	v1 =	vld [tilespmem:s13+$0x0];
	_ =	sdelay $0x3  }
.Ltmp0:
0x16: {  	(pc) =	sbr.rel @p0 .LBB2_2-.Ltmp0, $2  }
0x17: {  	_ =	sdelay $0x2  }
0x18: {  	s13 =	sshra.s32 s12, $0x2;
	s12 =	sadd.s32 $0x40, s12;
	[tilespmem:v1+s10+$0x0] =	vst.idx.add.f32.msk $0xffff, v0  }
0x19: {  	v1 =	vld [tilespmem:s13+$0x0];
	_ =	sdelay $0x5  }
0x1a: {  	s11 =	sadd.s32 $0x1, s11  }
0x1b: {  	p0 =	sne.s32 s11, s6  }
.Ltmp1:
0x1c: {  	[tilespmem:v1+s10+$0x0] =	vst.idx.add.f32.msk $0xffff, v0;
	(pc) =	sbr.rel @p0 .LBB2_1-.Ltmp1, $4  }
0x1d: {  	[hbm4b:s5+s2] =	stream.linear.scatter [tilespmem:s10], [sflag:$0x1], $0x2800, $0x38;
	[tilespmem:$0x4F80] =	vst v63  }
0x1e: {  	_ =	swait.ge [sflag:s9], $0x2800  }
0x1f: {  	[sflag:s9] =	ssyncset.done $0x0  }
0x20: {  	[sflag:s9] =	ssyncadd.s32 $0xFFFFD800  }
0x21: {  	_ =	sfence.sel $0x180000  }
0x22: {  	[bflag:$0x0] =	sbarrier.arrive $0xFFFF  }
0x23: {  	p0 =	sne.s32 s0, $0x0;
	_ =	strace $0x90000047  }
0x24: {  	s0 =	sadd.s32 @!p0 $0x100000, s1;
	[bflag:$0x2] =	sbarrier.arrive $0xFFFF  }
0x25: {  	[sflag:s0] =	ssyncadd.tile.s32 @!p0 $0x1;
	_ =	shalt  }
.Lfunc_end2:
_tile_overlayer_lowered:
.L_overlay_start_2:
0x26: {  	(tag) =	ssettag $0x2  }
0x27: {  	s0 =	rddreg [dreg:$0x0];
	s2 =	stileid.u32  }
0x28: {  	s1 =	rddreg [dreg:$0x1];
	p0 =	sne.s32 s2, $0x0  }
0x29: {  	s3 =	rddreg [dreg:$0x2];
	[bflag:$0x3] =	sbarrier.arrive $0xFFFF;
	s2 =	simm.s32 @!p0 $0x1C01  }
0x2a: {  	[timem:s3], [sflag:s2] =	dma.local @!p0 [hbm:s0], s1  }
0x2b: {  	s0 =	simm.s32 @!p0 $0x1  }
0x2c: {  	_ =	swait.ge @!p0 [sflag:s0], s1  }
0x2d: {  	s1 =	ssub.s32 @!p0 $0x0, s1;
	[sflag:s0] =	ssyncset.done @!p0 $0x0  }
0x2e: {  	[sflag:s0] =	ssyncadd.s32 @!p0 s1  }
0x2f: {  	[bflag:$0x3] =	sbarrier.arrive $0xFFFF  }
0x30: {  	_ =	shalt  }

</sc_bundles>
